<compile_context>
chip_gen: v7x
topology: tpu7x:2x2x1
jax: 0.10.2.dev20260603
libtpu: 0.0.44.dev20260713+nightly
codegen_flags: <defaults>
</compile_context>

<pallas_src>
import functools

import jax
import jax.numpy as jnp
from jax import lax
from jax.experimental import pallas as pl
from jax.experimental.pallas import tpu as pltpu
from jax.experimental.pallas import tpu_sc as plsc

N = 10000
E = 320000
D = 128
NUM_BLOCKS = 3
G = 64

NC, NS = 2, 16
NW = NC * NS
E_PER_W = E // NW
N_PAD = 10240
ROWS_PER_S = N_PAD // NS
WB = 64
K = 50
CH = E_PER_W // K
NB = 3

RB = 1000
GRID = N // RB
DGB = 32

_mesh = plsc.VectorSubcoreMesh(
    core_axis_name="c", subcore_axis_name="s", num_cores=NC, num_subcores=NS)


@functools.partial(
    pl.kernel,
    out_type=jax.ShapeDtypeStruct((NW * N,), jnp.float32),
    mesh=_mesh,
    compiler_params=pltpu.CompilerParams(needs_layout_passes=False),
    scratch_types=[
        pltpu.VMEM((E_PER_W,), jnp.int32),
        pltpu.VMEM((N,), jnp.float32),
    ],
)
def _deg_sc(dst_hbm, zeros_hbm, out_hbm, dbuf, acc):
    c = lax.axis_index("c")
    s = lax.axis_index("s")
    wid = c * NS + s
    pltpu.sync_copy(zeros_hbm, acc)
    pltpu.sync_copy(dst_hbm.at[pl.ds(wid * E_PER_W, E_PER_W)], dbuf)
    ones16 = jnp.ones((16,), jnp.float32)

    def body(j, carry):
        idx = dbuf[pl.ds(j * 16, 16)]
        plsc.addupdate_scatter(acc, [idx], ones16)
        return carry

    lax.fori_loop(0, E_PER_W // 16, body, 0)
    pltpu.sync_copy(acc, out_hbm.at[pl.ds(wid * N, N)])


@functools.partial(
    pl.kernel,
    out_type=jax.ShapeDtypeStruct((NC, N_PAD, D), jnp.float32),
    mesh=_mesh,
    compiler_params=pltpu.CompilerParams(needs_layout_passes=False),
    scratch_types=[
        pltpu.VMEM((CH, K), jnp.int32),
        [pltpu.VMEM((K,), jnp.int32) for _ in range(NB)],
        [pltpu.VMEM((K, D), jnp.float32) for _ in range(NB)],
        pltpu.VMEM_SHARED((N_PAD, D), jnp.float32),
        [pltpu.SemaphoreType.DMA for _ in range(NB)],
        [pltpu.SemaphoreType.DMA for _ in range(NB)],
    ],
)
def _agg_sc(h_hbm, src_hbm, dst_hbm, zrows_hbm, out_hbm,
            sbuf, dring, rring, accum, gsems, dsems):
    c = lax.axis_index("c")
    s = lax.axis_index("s")
    wid = c * NS + s
    stage = rring[0].at[pl.ds(0, WB)]

    pltpu.sync_copy(zrows_hbm, stage)

    def zb(t, carry):
        pltpu.sync_copy(stage, accum.at[pl.ds(s * ROWS_PER_S + t * WB, WB)])
        return carry

    lax.fori_loop(0, ROWS_PER_S // WB, zb, 0)

    pltpu.sync_copy(src_hbm.at[wid], sbuf)
    plsc.subcore_barrier()

    for k in range(NB):
        pltpu.async_copy(h_hbm.at[sbuf.at[k]], rring[k], gsems[k])
        pltpu.async_copy(dst_hbm.at[wid, k], dring[k], dsems[k])

    def body(i, carry):
        t0 = i * NB
        for k in range(NB):
            t = t0 + k
            pltpu.make_async_copy(dst_hbm.at[wid, t], dring[k],
                                  dsems[k]).wait()
            pltpu.make_async_copy(h_hbm.at[sbuf.at[t]], rring[k],
                                  gsems[k]).wait()
            pltpu.sync_copy(rring[k], accum.at[dring[k]], add=True)

            @pl.when(t + NB < CH)
            def _(t=t, k=k):
                pltpu.async_copy(h_hbm.at[sbuf.at[t + NB]], rring[k],
                                 gsems[k])
                pltpu.async_copy(dst_hbm.at[wid, t + NB], dring[k], dsems[k])
        return carry

    lax.fori_loop(0, CH // NB, body, 0)
    for k in range(CH - NB * (CH // NB)):
        t = NB * (CH // NB) + k
        pltpu.make_async_copy(dst_hbm.at[wid, t], dring[k], dsems[k]).wait()
        pltpu.make_async_copy(h_hbm.at[sbuf.at[t]], rring[k], gsems[k]).wait()
        pltpu.sync_copy(rring[k], accum.at[dring[k]], add=True)
    plsc.subcore_barrier()

    def wb(t, carry):
        r0 = s * ROWS_PER_S + t * WB
        pltpu.sync_copy(accum.at[pl.ds(r0, WB)], stage)
        pltpu.sync_copy(stage, out_hbm.at[c, pl.ds(r0, WB)])
        return carry

    lax.fori_loop(0, ROWS_PER_S // WB, wb, 0)


def _proj_body(x_ref, w_ref, b_ref, o_ref):
    o_ref[...] = (
        jnp.dot(x_ref[...], w_ref[...], preferred_element_type=jnp.float32)
        + b_ref[...])


def _proj(x, w, b):
    return pl.pallas_call(
        _proj_body,
        grid=(GRID,),
        in_specs=[
            pl.BlockSpec((RB, D), lambda i: (i, 0)),
            pl.BlockSpec((D, D), lambda i: (0, 0)),
            pl.BlockSpec((1, D), lambda i: (0, 0)),
        ],
        out_specs=pl.BlockSpec((RB, D), lambda i: (i, 0)),
        out_shape=jax.ShapeDtypeStruct((N, D), jnp.float32),
    )(x, w, b)


def _ln(v, g, b):
    mu = jnp.mean(v, axis=-1, keepdims=True)
    var = jnp.mean((v - mu) ** 2, axis=-1, keepdims=True)
    return (v - mu) * lax.rsqrt(var + 1e-5) * g + b


def _block_body(h_ref, p_ref, degp_ref, bt_ref, wl_ref, wr_ref, bb_ref,
                g_ref, beta_ref, gprev_ref, hout_ref, gout_ref, acc_ref):
    i = pl.program_id(0)
    hb = h_ref[...]
    psum = p_ref[0] + p_ref[1]
    ones_w = jnp.ones((DGB, 1), jnp.float32)
    deg_col = lax.dot_general(
        degp_ref[0], ones_w, (((0,), (0,)), ((), ())),
        preferred_element_type=jnp.float32)
    deg_col = jnp.maximum(deg_col, 1.0)
    agg = psum / deg_col
    node_conv = (
        jnp.dot(hb, wl_ref[...], preferred_element_type=jnp.float32)
        + jnp.dot(agg, wr_ref[...], preferred_element_type=jnp.float32)
        + bb_ref[...])
    onehot = (bt_ref[...] == lax.broadcasted_iota(jnp.int32, (RB, G), 1)
              ).astype(jnp.float32)
    gc = lax.dot_general(
        onehot, node_conv, (((0,), (0,)), ((), ())),
        preferred_element_type=jnp.float32)

    @pl.when(i == 0)
    def _():
        acc_ref[...] = gc

    @pl.when(i > 0)
    def _():
        acc_ref[...] += gc

    gamma = g_ref[...]
    beta = beta_ref[...]
    hout_ref[...] = jnp.maximum(_ln(node_conv + hb, gamma, beta), 0.0)

    @pl.when(i == GRID - 1)
    def _():
        gtot = acc_ref[...] + gprev_ref[...]
        gout_ref[...] = jnp.maximum(_ln(gtot, gamma, beta), 0.0)


def _block(h, p, degp, bt, wl, wr, bb, gamma, beta, gprev):
    return pl.pallas_call(
        _block_body,
        grid=(GRID,),
        in_specs=[
            pl.BlockSpec((RB, D), lambda i: (i, 0)),
            pl.BlockSpec((NC, RB, D), lambda i: (0, i, 0)),
            pl.BlockSpec((1, NW, RB), lambda i: (i, 0, 0)),
            pl.BlockSpec((RB, 1), lambda i: (i, 0)),
            pl.BlockSpec((D, D), lambda i: (0, 0)),
            pl.BlockSpec((D, D), lambda i: (0, 0)),
            pl.BlockSpec((1, D), lambda i: (0, 0)),
            pl.BlockSpec((1, D), lambda i: (0, 0)),
            pl.BlockSpec((1, D), lambda i: (0, 0)),
            pl.BlockSpec((G, D), lambda i: (0, 0)),
        ],
        out_specs=[
            pl.BlockSpec((RB, D), lambda i: (i, 0)),
            pl.BlockSpec((G, D), lambda i: (0, 0)),
        ],
        out_shape=[
            jax.ShapeDtypeStruct((N, D), jnp.float32),
            jax.ShapeDtypeStruct((G, D), jnp.float32),
        ],
        scratch_shapes=[pltpu.VMEM((G, D), jnp.float32)],
    )(h, p, degp, bt, wl, wr, bb, gamma, beta, gprev)


def kernel(x, edge_index, batch, W_fc, b_fc, Wl, Wr, bb, gamma, beta):
    src = edge_index[0].astype(jnp.int32)
    dst = edge_index[1].astype(jnp.int32)
    bt = batch.astype(jnp.int32).reshape(N, 1)
    zrows = jnp.zeros((WB, D), jnp.float32)
    zdeg = jnp.zeros((N,), jnp.float32)

    degp = _deg_sc(dst, zdeg).reshape(NW, GRID, RB).transpose(1, 0, 2)
    src3 = src.reshape(NW, CH, K)
    dst3 = dst.reshape(NW, CH, K)
    h = _proj(x, W_fc, b_fc.reshape(1, D))
    g = jnp.zeros((G, D), jnp.float32)
    for i in range(NUM_BLOCKS):
        p = _agg_sc(h, src3, dst3, zrows)
        h, g = _block(h, p, degp, bt, Wl[i], Wr[i], bb[i].reshape(1, D),
                      gamma[i].reshape(1, D), beta[i].reshape(1, D), g)
    return h, g

# --- scband reference (transcript-rebuilt; emitter-appended) ---
"""Pipeline reference for scband-deep-net-22101901705918 (READ-ONLY COPY).

The authoritative reference and input builder live on the scoring server;
editing this copy changes nothing except your own understanding.
"""

import jax, jax.numpy as jnp
import numpy as np

N_NODES = 10000
N_EDGES = 320000
D_IN = 128
D_HID = 128
NUM_BLOCKS = 3
NUM_GRAPHS = 64


def setup_inputs(seed: int = 0) -> dict:
    key = jax.random.key(seed)
    ks = jax.random.split(key, 12)
    x = jax.random.normal(ks[0], (N_NODES, D_IN), dtype=jnp.float32)
    edge_index = jax.random.randint(ks[1], (2, N_EDGES), 0, N_NODES, dtype=jnp.int64)
    batch = jnp.sort(jax.random.randint(ks[2], (N_NODES,), 0, NUM_GRAPHS, dtype=jnp.int64))
    s_in = 1.0 / np.sqrt(D_IN)
    s_h = 1.0 / np.sqrt(D_HID)
    W_fc = jax.random.uniform(ks[3], (D_IN, D_HID), jnp.float32, -s_in, s_in)
    b_fc = jnp.zeros((D_HID,), jnp.float32)
    Wl = jax.random.uniform(ks[4], (NUM_BLOCKS, D_HID, D_HID), jnp.float32, -s_h, s_h)
    Wr = jax.random.uniform(ks[5], (NUM_BLOCKS, D_HID, D_HID), jnp.float32, -s_h, s_h)
    bb = jnp.zeros((NUM_BLOCKS, D_HID), jnp.float32)
    gamma = jnp.ones((NUM_BLOCKS, D_HID), jnp.float32)
    beta = jnp.zeros((NUM_BLOCKS, D_HID), jnp.float32)
    return {"x": x, "edge_index": edge_index, "batch": batch, "W_fc": W_fc, "b_fc": b_fc, "Wl": Wl, "Wr": Wr, "bb": bb, "gamma": gamma, "beta": beta}


def _layer_norm(h, g, b, eps=1e-5):
    mu = jnp.mean(h, axis=-1, keepdims=True)
    var = jnp.var(h, axis=-1, keepdims=True)
    return (h - mu) / jnp.sqrt(var + eps) * g + b


def reference(x, edge_index, batch, W_fc, b_fc, Wl, Wr, bb, gamma, beta):
    src = edge_index[0]
    dst = edge_index[1]
    N = x.shape[0]
    # input projection (DeepNet.fc)
    h = x @ W_fc + b_fc
    graph_embed = None
    # mean-aggregation degree (computed once; graph is static)
    deg = jax.ops.segment_sum(jnp.ones((src.shape[0],), h.dtype), dst, num_segments=N)
    deg = jnp.maximum(deg, 1.0)[:, None]
    for i in range(NUM_BLOCKS):
        # GraphSAGE conv: lin_l(x) + lin_r(mean_agg(x_neighbors))
        msgs = h[src]  # gather (SparseCore)
        agg = jax.ops.segment_sum(msgs, dst, num_segments=N) / deg  # scatter-add
        node_conv = h @ Wl[i] + agg @ Wr[i] + bb[i]
        # graph_aggr='add' pooling over batch assignment
        graph_conv = jax.ops.segment_sum(node_conv, batch, num_segments=NUM_GRAPHS)
        # residual (channel_match=True so no proj)
        node_out = node_conv + h
        if graph_embed is not None:
            graph_out = graph_conv + graph_embed
        else:
            graph_out = graph_conv
        # shared LayerNorm then ReLU
        node_out = _layer_norm(node_out, gamma[i], beta[i])
        graph_out = _layer_norm(graph_out, gamma[i], beta[i])
        h = jax.nn.relu(node_out)
        graph_embed = jax.nn.relu(graph_out)
    # head is None since output_dim == hidden_channels
    return (h, graph_embed)

if __name__ == "__main__":
    import jax
    _d = setup_inputs()
    print(jax.jit(kernel)(*tuple(_d.values())))

</pallas_src>

<mosaic_0001>
#map = affine_map<(d0, d1) -> (0, 0)>
#map1 = affine_map<(d0, d1) -> (0, 0, 0)>
module attributes {stable_mosaic.version = 14 : i64} {
  func.func @_agg_sc(%arg0: i32, %arg1: i32, %arg2: memref<10000x128xf32, #tpu.memory_space<hbm>>, %arg3: memref<32x200x50xi32, #tpu.memory_space<hbm>>, %arg4: memref<32x200x50xi32, #tpu.memory_space<hbm>>, %arg5: memref<64x128xf32, #tpu.memory_space<hbm>>, %arg6: memref<2x10240x128xf32, #tpu.memory_space<hbm>>, %arg7: memref<200x50xi32, #tpu.memory_space<vmem>>, %arg8: memref<50xi32, #tpu.memory_space<vmem>>, %arg9: memref<50xi32, #tpu.memory_space<vmem>>, %arg10: memref<50xi32, #tpu.memory_space<vmem>>, %arg11: memref<50x128xf32, #tpu.memory_space<vmem>>, %arg12: memref<50x128xf32, #tpu.memory_space<vmem>>, %arg13: memref<50x128xf32, #tpu.memory_space<vmem>>, %arg14: memref<10240x128xf32, #tpu.memory_space<vmem_shared>>, %arg15: memref<!tpu.dma_semaphore, #tpu.memory_space<semaphore_mem>>, %arg16: memref<!tpu.dma_semaphore, #tpu.memory_space<semaphore_mem>>, %arg17: memref<!tpu.dma_semaphore, #tpu.memory_space<semaphore_mem>>, %arg18: memref<!tpu.dma_semaphore, #tpu.memory_space<semaphore_mem>>, %arg19: memref<!tpu.dma_semaphore, #tpu.memory_space<semaphore_mem>>, %arg20: memref<!tpu.dma_semaphore, #tpu.memory_space<semaphore_mem>>) attributes {dimension_semantics = [#tpu.dimension_semantics<core_parallel>, #tpu.dimension_semantics<subcore_parallel>], iteration_bounds = array<i64: 2, 16>, scalar_prefetch = 0 : i64, scratch_operands = 14 : i64, tpu.core_type = #tpu.core_type<sc_vector_subcore>, window_params = [{transform_indices = #map}, {transform_indices = #map1}, {transform_indices = #map1}, {transform_indices = #map}, {transform_indices = #map1}]} {
    %mul3A = arith.constant 16 : i32
    %mul3A_0 = arith.muli %arg0, %mul3A : i32
    %add3A = arith.addi %mul3A_0, %arg1 : i32
    "tpu.region"() ({
      %run_scoped3A = tpu.sem_alloc : memref<!tpu.dma_semaphore, #tpu.memory_space<semaphore_mem>>
      %dma_start3A_87 = arith.constant 0 : i32
      %dma_start3A_88 = arith.constant 0 : i32
      %dma_start3A_89 = tpu.memref_slice %arg11[%dma_start3A_87, %dma_start3A_88] : memref<50x128xf32, #tpu.memory_space<vmem>> -> memref<64x128xf32, #tpu.memory_space<vmem>>
      %dma_start3A_90 = arith.constant 0 : i32
      %dma_start3A_91 = arith.constant 0 : i32
      %dma_start3A_92 = tpu.memref_slice %arg11[%dma_start3A_90, %dma_start3A_91] : memref<50x128xf32, #tpu.memory_space<vmem>> -> memref<64x128xf32, #tpu.memory_space<vmem>>
      tpu.enqueue_dma source(%arg5 : memref<64x128xf32, #tpu.memory_space<hbm>>) target(%dma_start3A_92 : memref<64x128xf32, #tpu.memory_space<vmem>>) target_semaphore(%run_scoped3A : memref<!tpu.dma_semaphore, #tpu.memory_space<semaphore_mem>>)
      %dma_wait3A_93 = arith.constant 0 : i32
      %dma_wait3A_94 = arith.constant 0 : i32
      %dma_wait3A_95 = tpu.memref_slice %arg11[%dma_wait3A_93, %dma_wait3A_94] : memref<50x128xf32, #tpu.memory_space<vmem>> -> memref<64x128xf32, #tpu.memory_space<vmem>>
      %dma_wait3A_96 = arith.constant 0 : i32
      %dma_wait3A_97 = arith.constant 0 : i32
      %dma_wait3A_98 = tpu.memref_slice %arg11[%dma_wait3A_96, %dma_wait3A_97] : memref<50x128xf32, #tpu.memory_space<vmem>> -> memref<64x128xf32, #tpu.memory_space<vmem>>
      tpu.wait_dma2 semaphore(%run_scoped3A : memref<!tpu.dma_semaphore, #tpu.memory_space<semaphore_mem>>) src(%arg5 : memref<64x128xf32, #tpu.memory_space<hbm>>) dst(%dma_wait3A_98 : memref<64x128xf32, #tpu.memory_space<vmem>>)
      tpu.yield
    }) : () -> ()
    %scan3A = arith.constant 0 : i32
    %scan3A_1 = arith.constant 0 : i32
    %scan3A_2 = arith.constant 10 : i32
    %scan3A_3 = arith.addi %scan3A_1, %scan3A_2 : i32
    %scan3A_4 = arith.constant 1 : i32
    scf.for %scan3A_87 = %scan3A_1 to %scan3A_3 step %scan3A_4  : i32 {
      %mul3A_88 = arith.constant 640 : i32
      %mul3A_89 = arith.muli %arg1, %mul3A_88 : i32
      %mul3A_90 = arith.constant 64 : i32
      %mul3A_91 = arith.muli %scan3A_87, %mul3A_90 : i32
      %add3A_92 = arith.addi %mul3A_89, %mul3A_91 : i32
      "tpu.region"() ({
        %run_scoped3A = tpu.sem_alloc : memref<!tpu.dma_semaphore, #tpu.memory_space<semaphore_mem>>
        %dma_start3A_93 = arith.constant 0 : i32
        %dma_start3A_94 = arith.constant 0 : i32
        %dma_start3A_95 = tpu.memref_slice %arg11[%dma_start3A_93, %dma_start3A_94] : memref<50x128xf32, #tpu.memory_space<vmem>> -> memref<64x128xf32, #tpu.memory_space<vmem>>
        %dma_start3A_96 = arith.constant 0 : i32
        %dma_start3A_97 = tpu.memref_slice %arg14[%add3A_92, %dma_start3A_96] : memref<10240x128xf32, #tpu.memory_space<vmem_shared>> -> memref<64x128xf32, #tpu.memory_space<vmem_shared>>
        %dma_start3A_98 = arith.constant 0 : i32
        %dma_start3A_99 = tpu.memref_slice %arg14[%add3A_92, %dma_start3A_98] : memref<10240x128xf32, #tpu.memory_space<vmem_shared>> -> memref<64x128xf32, #tpu.memory_space<vmem_shared>>
        %dma_start3A_100 = arith.constant 0 : i32
        %dma_start3A_101 = arith.constant 0 : i32
        %dma_start3A_102 = tpu.memref_slice %arg11[%dma_start3A_100, %dma_start3A_101] : memref<50x128xf32, #tpu.memory_space<vmem>> -> memref<64x128xf32, #tpu.memory_space<vmem>>
        tpu.enqueue_dma source(%dma_start3A_102 : memref<64x128xf32, #tpu.memory_space<vmem>>) target(%dma_start3A_99 : memref<64x128xf32, #tpu.memory_space<vmem_shared>>) target_semaphore(%run_scoped3A : memref<!tpu.dma_semaphore, #tpu.memory_space<semaphore_mem>>)
        %dma_wait3A_103 = arith.constant 0 : i32
        %dma_wait3A_104 = arith.constant 0 : i32
        %dma_wait3A_105 = tpu.memref_slice %arg11[%dma_wait3A_103, %dma_wait3A_104] : memref<50x128xf32, #tpu.memory_space<vmem>> -> memref<64x128xf32, #tpu.memory_space<vmem>>
        %dma_wait3A_106 = arith.constant 0 : i32
        %dma_wait3A_107 = tpu.memref_slice %arg14[%add3A_92, %dma_wait3A_106] : memref<10240x128xf32, #tpu.memory_space<vmem_shared>> -> memref<64x128xf32, #tpu.memory_space<vmem_shared>>
        %dma_wait3A_108 = arith.constant 0 : i32
        %dma_wait3A_109 = tpu.memref_slice %arg14[%add3A_92, %dma_wait3A_108] : memref<10240x128xf32, #tpu.memory_space<vmem_shared>> -> memref<64x128xf32, #tpu.memory_space<vmem_shared>>
        %dma_wait3A_110 = arith.constant 0 : i32
        %dma_wait3A_111 = arith.constant 0 : i32
        %dma_wait3A_112 = tpu.memref_slice %arg11[%dma_wait3A_110, %dma_wait3A_111] : memref<50x128xf32, #tpu.memory_space<vmem>> -> memref<64x128xf32, #tpu.memory_space<vmem>>
        tpu.wait_dma2 semaphore(%run_scoped3A : memref<!tpu.dma_semaphore, #tpu.memory_space<semaphore_mem>>) src(%dma_wait3A_112 : memref<64x128xf32, #tpu.memory_space<vmem>>) dst(%dma_wait3A_109 : memref<64x128xf32, #tpu.memory_space<vmem_shared>>)
        tpu.yield
      }) : () -> ()
    }
    %scan3A_5 = arith.constant 10 : i32
    "tpu.region"() ({
      %run_scoped3A = tpu.sem_alloc : memref<!tpu.dma_semaphore, #tpu.memory_space<semaphore_mem>>
      %dma_start3A_87 = arith.constant 0 : i32
      %dma_start3A_88 = arith.constant 0 : i32
      %dma_start3A_89 = tpu.memref_slice %arg3[%add3A, %dma_start3A_87, %dma_start3A_88] : memref<32x200x50xi32, #tpu.memory_space<hbm>> -> memref<1x200x50xi32, #tpu.memory_space<hbm>>
      %dma_start3A_90 = tpu.memref_squeeze %dma_start3A_89 : memref<1x200x50xi32, #tpu.memory_space<hbm>> -> memref<200x50xi32, #tpu.memory_space<hbm>>
      %dma_start3A_91 = arith.constant 0 : i32
      %dma_start3A_92 = arith.constant 0 : i32
      %dma_start3A_93 = tpu.memref_slice %arg3[%add3A, %dma_start3A_91, %dma_start3A_92] : memref<32x200x50xi32, #tpu.memory_space<hbm>> -> memref<1x200x50xi32, #tpu.memory_space<hbm>>
      %dma_start3A_94 = tpu.memref_squeeze %dma_start3A_93 : memref<1x200x50xi32, #tpu.memory_space<hbm>> -> memref<200x50xi32, #tpu.memory_space<hbm>>
      tpu.enqueue_dma source(%dma_start3A_94 : memref<200x50xi32, #tpu.memory_space<hbm>>) target(%arg7 : memref<200x50xi32, #tpu.memory_space<vmem>>) target_semaphore(%run_scoped3A : memref<!tpu.dma_semaphore, #tpu.memory_space<semaphore_mem>>)
      %dma_wait3A_95 = arith.constant 0 : i32
      %dma_wait3A_96 = arith.constant 0 : i32
      %dma_wait3A_97 = tpu.memref_slice %arg3[%add3A, %dma_wait3A_95, %dma_wait3A_96] : memref<32x200x50xi32, #tpu.memory_space<hbm>> -> memref<1x200x50xi32, #tpu.memory_space<hbm>>
      %dma_wait3A_98 = tpu.memref_squeeze %dma_wait3A_97 : memref<1x200x50xi32, #tpu.memory_space<hbm>> -> memref<200x50xi32, #tpu.memory_space<hbm>>
      %dma_wait3A_99 = arith.constant 0 : i32
      %dma_wait3A_100 = arith.constant 0 : i32
      %dma_wait3A_101 = tpu.memref_slice %arg3[%add3A, %dma_wait3A_99, %dma_wait3A_100] : memref<32x200x50xi32, #tpu.memory_space<hbm>> -> memref<1x200x50xi32, #tpu.memory_space<hbm>>
      %dma_wait3A_102 = tpu.memref_squeeze %dma_wait3A_101 : memref<1x200x50xi32, #tpu.memory_space<hbm>> -> memref<200x50xi32, #tpu.memory_space<hbm>>
      tpu.wait_dma2 semaphore(%run_scoped3A : memref<!tpu.dma_semaphore, #tpu.memory_space<semaphore_mem>>) src(%dma_wait3A_102 : memref<200x50xi32, #tpu.memory_space<hbm>>) dst(%arg7 : memref<200x50xi32, #tpu.memory_space<vmem>>)
      tpu.yield
    }) : () -> ()
    %barrier3A = arith.constant 0 : index
    tpu.barrier barrier_id(%barrier3A)
    %dma_start3A = arith.constant 0 : i32
    %dma_start3A_6 = arith.constant 0 : i32
    %dma_start3A_7 = tpu.memref_slice %arg7[%dma_start3A, %dma_start3A_6] : memref<200x50xi32, #tpu.memory_space<vmem>> -> memref<1x50xi32, #tpu.memory_space<vmem>>
    %dma_start3A_8 = tpu.memref_squeeze %dma_start3A_7 : memref<1x50xi32, #tpu.memory_space<vmem>> -> memref<50xi32, #tpu.memory_space<vmem>>
    %dma_start3A_9 = arith.constant 0 : i32
    %dma_start3A_10 = arith.constant 0 : i32
    %dma_start3A_11 = tpu.memref_slice %arg2[%dma_start3A_9, %dma_start3A_10] : memref<10000x128xf32, #tpu.memory_space<hbm>> -> memref<10000x128xf32, #tpu.memory_space<hbm>>
    tpu.enqueue_indirect_dma source(%dma_start3A_11 : memref<10000x128xf32, #tpu.memory_space<hbm>>) target(%arg11 : memref<50x128xf32, #tpu.memory_space<vmem>>) offsets(%dma_start3A_8 : memref<50xi32, #tpu.memory_space<vmem>>) semaphore(%arg15 : memref<!tpu.dma_semaphore, #tpu.memory_space<semaphore_mem>>)
    %dma_start3A_12 = arith.constant 0 : i32
    %dma_start3A_13 = arith.constant 0 : i32
    %dma_start3A_14 = tpu.memref_slice %arg4[%add3A, %dma_start3A_12, %dma_start3A_13] : memref<32x200x50xi32, #tpu.memory_space<hbm>> -> memref<1x1x50xi32, #tpu.memory_space<hbm>>
    %dma_start3A_15 = tpu.memref_squeeze %dma_start3A_14 : memref<1x1x50xi32, #tpu.memory_space<hbm>> -> memref<50xi32, #tpu.memory_space<hbm>>
    %dma_start3A_16 = arith.constant 0 : i32
    %dma_start3A_17 = tpu.memref_slice %arg4[%add3A, %dma_start3A_12, %dma_start3A_16] : memref<32x200x50xi32, #tpu.memory_space<hbm>> -> memref<1x1x50xi32, #tpu.memory_space<hbm>>
    %dma_start3A_18 = tpu.memref_squeeze %dma_start3A_17 : memref<1x1x50xi32, #tpu.memory_space<hbm>> -> memref<50xi32, #tpu.memory_space<hbm>>
    tpu.enqueue_dma source(%dma_start3A_18 : memref<50xi32, #tpu.memory_space<hbm>>) target(%arg8 : memref<50xi32, #tpu.memory_space<vmem>>) target_semaphore(%arg18 : memref<!tpu.dma_semaphore, #tpu.memory_space<semaphore_mem>>)
    %dma_start3A_19 = arith.constant 1 : i32
    %dma_start3A_20 = arith.constant 0 : i32
    %dma_start3A_21 = tpu.memref_slice %arg7[%dma_start3A_19, %dma_start3A_20] : memref<200x50xi32, #tpu.memory_space<vmem>> -> memref<1x50xi32, #tpu.memory_space<vmem>>
    %dma_start3A_22 = tpu.memref_squeeze %dma_start3A_21 : memref<1x50xi32, #tpu.memory_space<vmem>> -> memref<50xi32, #tpu.memory_space<vmem>>
    %dma_start3A_23 = arith.constant 0 : i32
    %dma_start3A_24 = arith.constant 0 : i32
    %dma_start3A_25 = tpu.memref_slice %arg2[%dma_start3A_23, %dma_start3A_24] : memref<10000x128xf32, #tpu.memory_space<hbm>> -> memref<10000x128xf32, #tpu.memory_space<hbm>>
    tpu.enqueue_indirect_dma source(%dma_start3A_25 : memref<10000x128xf32, #tpu.memory_space<hbm>>) target(%arg12 : memref<50x128xf32, #tpu.memory_space<vmem>>) offsets(%dma_start3A_22 : memref<50xi32, #tpu.memory_space<vmem>>) semaphore(%arg16 : memref<!tpu.dma_semaphore, #tpu.memory_space<semaphore_mem>>)
    %dma_start3A_26 = arith.constant 1 : i32
    %dma_start3A_27 = arith.constant 0 : i32
    %dma_start3A_28 = tpu.memref_slice %arg4[%add3A, %dma_start3A_26, %dma_start3A_27] : memref<32x200x50xi32, #tpu.memory_space<hbm>> -> memref<1x1x50xi32, #tpu.memory_space<hbm>>
    %dma_start3A_29 = tpu.memref_squeeze %dma_start3A_28 : memref<1x1x50xi32, #tpu.memory_space<hbm>> -> memref<50xi32, #tpu.memory_space<hbm>>
    %dma_start3A_30 = arith.constant 0 : i32
    %dma_start3A_31 = tpu.memref_slice %arg4[%add3A, %dma_start3A_26, %dma_start3A_30] : memref<32x200x50xi32, #tpu.memory_space<hbm>> -> memref<1x1x50xi32, #tpu.memory_space<hbm>>
    %dma_start3A_32 = tpu.memref_squeeze %dma_start3A_31 : memref<1x1x50xi32, #tpu.memory_space<hbm>> -> memref<50xi32, #tpu.memory_space<hbm>>
    tpu.enqueue_dma source(%dma_start3A_32 : memref<50xi32, #tpu.memory_space<hbm>>) target(%arg9 : memref<50xi32, #tpu.memory_space<vmem>>) target_semaphore(%arg19 : memref<!tpu.dma_semaphore, #tpu.memory_space<semaphore_mem>>)
    %dma_start3A_33 = arith.constant 2 : i32
    %dma_start3A_34 = arith.constant 0 : i32
    %dma_start3A_35 = tpu.memref_slice %arg7[%dma_start3A_33, %dma_start3A_34] : memref<200x50xi32, #tpu.memory_space<vmem>> -> memref<1x50xi32, #tpu.memory_space<vmem>>
    %dma_start3A_36 = tpu.memref_squeeze %dma_start3A_35 : memref<1x50xi32, #tpu.memory_space<vmem>> -> memref<50xi32, #tpu.memory_space<vmem>>
    %dma_start3A_37 = arith.constant 0 : i32
    %dma_start3A_38 = arith.constant 0 : i32
    %dma_start3A_39 = tpu.memref_slice %arg2[%dma_start3A_37, %dma_start3A_38] : memref<10000x128xf32, #tpu.memory_space<hbm>> -> memref<10000x128xf32, #tpu.memory_space<hbm>>
    tpu.enqueue_indirect_dma source(%dma_start3A_39 : memref<10000x128xf32, #tpu.memory_space<hbm>>) target(%arg13 : memref<50x128xf32, #tpu.memory_space<vmem>>) offsets(%dma_start3A_36 : memref<50xi32, #tpu.memory_space<vmem>>) semaphore(%arg17 : memref<!tpu.dma_semaphore, #tpu.memory_space<semaphore_mem>>)
    %dma_start3A_40 = arith.constant 2 : i32
    %dma_start3A_41 = arith.constant 0 : i32
    %dma_start3A_42 = tpu.memref_slice %arg4[%add3A, %dma_start3A_40, %dma_start3A_41] : memref<32x200x50xi32, #tpu.memory_space<hbm>> -> memref<1x1x50xi32, #tpu.memory_space<hbm>>
    %dma_start3A_43 = tpu.memref_squeeze %dma_start3A_42 : memref<1x1x50xi32, #tpu.memory_space<hbm>> -> memref<50xi32, #tpu.memory_space<hbm>>
    %dma_start3A_44 = arith.constant 0 : i32
    %dma_start3A_45 = tpu.memref_slice %arg4[%add3A, %dma_start3A_40, %dma_start3A_44] : memref<32x200x50xi32, #tpu.memory_space<hbm>> -> memref<1x1x50xi32, #tpu.memory_space<hbm>>
    %dma_start3A_46 = tpu.memref_squeeze %dma_start3A_45 : memref<1x1x50xi32, #tpu.memory_space<hbm>> -> memref<50xi32, #tpu.memory_space<hbm>>
    tpu.enqueue_dma source(%dma_start3A_46 : memref<50xi32, #tpu.memory_space<hbm>>) target(%arg10 : memref<50xi32, #tpu.memory_space<vmem>>) target_semaphore(%arg20 : memref<!tpu.dma_semaphore, #tpu.memory_space<semaphore_mem>>)
    %scan3A_47 = arith.constant 0 : i32
    %scan3A_48 = arith.constant 0 : i32
    %scan3A_49 = arith.constant 66 : i32
    %scan3A_50 = arith.addi %scan3A_48, %scan3A_49 : i32
    %scan3A_51 = arith.constant 1 : i32
    scf.for %scan3A_87 = %scan3A_48 to %scan3A_50 step %scan3A_51  : i32 {
      %mul3A_88 = arith.constant 3 : i32
      %mul3A_89 = arith.muli %scan3A_87, %mul3A_88 : i32
      %add3A_90 = arith.constant 0 : i32
      %add3A_91 = arith.addi %mul3A_89, %add3A_90 : i32
      %dma_wait3A_92 = arith.constant 0 : i32
      %dma_wait3A_93 = tpu.memref_slice %arg4[%add3A, %add3A_91, %dma_wait3A_92] : memref<32x200x50xi32, #tpu.memory_space<hbm>> -> memref<1x1x50xi32, #tpu.memory_space<hbm>>
      %dma_wait3A_94 = tpu.memref_squeeze %dma_wait3A_93 : memref<1x1x50xi32, #tpu.memory_space<hbm>> -> memref<50xi32, #tpu.memory_space<hbm>>
      %dma_wait3A_95 = arith.constant 0 : i32
      %dma_wait3A_96 = tpu.memref_slice %arg4[%add3A, %add3A_91, %dma_wait3A_95] : memref<32x200x50xi32, #tpu.memory_space<hbm>> -> memref<1x1x50xi32, #tpu.memory_space<hbm>>
      %dma_wait3A_97 = tpu.memref_squeeze %dma_wait3A_96 : memref<1x1x50xi32, #tpu.memory_space<hbm>> -> memref<50xi32, #tpu.memory_space<hbm>>
      tpu.wait_dma2 semaphore(%arg18 : memref<!tpu.dma_semaphore, #tpu.memory_space<semaphore_mem>>) src(%dma_wait3A_97 : memref<50xi32, #tpu.memory_space<hbm>>) dst(%arg8 : memref<50xi32, #tpu.memory_space<vmem>>)
      %dma_wait3A_98 = arith.constant 0 : i32
      %dma_wait3A_99 = tpu.memref_slice %arg7[%add3A_91, %dma_wait3A_98] : memref<200x50xi32, #tpu.memory_space<vmem>> -> memref<1x50xi32, #tpu.memory_space<vmem>>
      %dma_wait3A_100 = tpu.memref_squeeze %dma_wait3A_99 : memref<1x50xi32, #tpu.memory_space<vmem>> -> memref<50xi32, #tpu.memory_space<vmem>>
      %dma_wait3A_101 = arith.constant 0 : i32
      %dma_wait3A_102 = arith.constant 0 : i32
      %dma_wait3A_103 = tpu.memref_slice %arg2[%dma_wait3A_101, %dma_wait3A_102] : memref<10000x128xf32, #tpu.memory_space<hbm>> -> memref<10000x128xf32, #tpu.memory_space<hbm>>
      tpu.wait_indirect_dma semaphore(%arg15 : memref<!tpu.dma_semaphore, #tpu.memory_space<semaphore_mem>>) src(%dma_wait3A_103 : memref<10000x128xf32, #tpu.memory_space<hbm>>) dst(%arg11 : memref<50x128xf32, #tpu.memory_space<vmem>>)
      "tpu.region"() ({
        %run_scoped3A = tpu.sem_alloc : memref<!tpu.dma_semaphore, #tpu.memory_space<semaphore_mem>>
        %dma_start3A_150 = arith.constant 0 : i32
        %dma_start3A_151 = arith.constant 0 : i32
        %dma_start3A_152 = tpu.memref_slice %arg14[%dma_start3A_150, %dma_start3A_151] : memref<10240x128xf32, #tpu.memory_space<vmem_shared>> -> memref<10240x128xf32, #tpu.memory_space<vmem_shared>>
        tpu.enqueue_indirect_dma source(%arg11 : memref<50x128xf32, #tpu.memory_space<vmem>>) target(%dma_start3A_152 : memref<10240x128xf32, #tpu.memory_space<vmem_shared>>) offsets(%arg8 : memref<50xi32, #tpu.memory_space<vmem>>) semaphore(%run_scoped3A : memref<!tpu.dma_semaphore, #tpu.memory_space<semaphore_mem>>) {add = true}
        %dma_wait3A_153 = arith.constant 0 : i32
        %dma_wait3A_154 = arith.constant 0 : i32
        %dma_wait3A_155 = tpu.memref_slice %arg14[%dma_wait3A_153, %dma_wait3A_154] : memref<10240x128xf32, #tpu.memory_space<vmem_shared>> -> memref<10240x128xf32, #tpu.memory_space<vmem_shared>>
        tpu.wait_indirect_dma semaphore(%run_scoped3A : memref<!tpu.dma_semaphore, #tpu.memory_space<semaphore_mem>>) src(%arg11 : memref<50x128xf32, #tpu.memory_space<vmem>>) dst(%dma_wait3A_155 : memref<10240x128xf32, #tpu.memory_space<vmem_shared>>)
        tpu.yield
      }) : () -> ()
      %add3A_104 = arith.constant 3 : i32
      %add3A_105 = arith.addi %add3A_91, %add3A_104 : i32
      %lt3A = arith.constant 200 : i32
      %lt3A_106 = arith.cmpi slt, %add3A_105, %lt3A : i32
      %convert_element_type3A = arith.extui %lt3A_106 : i1 to i32
      %cond3A = arith.constant 0 : i32
      %cond3A_107 = arith.cmpi ne, %convert_element_type3A, %cond3A : i32
      scf.if %cond3A_107 {
        %add3A_150 = arith.constant 3 : i32
        %add3A_151 = arith.addi %add3A_91, %add3A_150 : i32
        %dma_start3A_152 = arith.constant 0 : i32
        %dma_start3A_153 = tpu.memref_slice %arg7[%add3A_151, %dma_start3A_152] : memref<200x50xi32, #tpu.memory_space<vmem>> -> memref<1x50xi32, #tpu.memory_space<vmem>>
        %dma_start3A_154 = tpu.memref_squeeze %dma_start3A_153 : memref<1x50xi32, #tpu.memory_space<vmem>> -> memref<50xi32, #tpu.memory_space<vmem>>
        %dma_start3A_155 = arith.constant 0 : i32
        %dma_start3A_156 = arith.constant 0 : i32
        %dma_start3A_157 = tpu.memref_slice %arg2[%dma_start3A_155, %dma_start3A_156] : memref<10000x128xf32, #tpu.memory_space<hbm>> -> memref<10000x128xf32, #tpu.memory_space<hbm>>
        tpu.enqueue_indirect_dma source(%dma_start3A_157 : memref<10000x128xf32, #tpu.memory_space<hbm>>) target(%arg11 : memref<50x128xf32, #tpu.memory_space<vmem>>) offsets(%dma_start3A_154 : memref<50xi32, #tpu.memory_space<vmem>>) semaphore(%arg15 : memref<!tpu.dma_semaphore, #tpu.memory_space<semaphore_mem>>)
        %add3A_158 = arith.constant 3 : i32
        %add3A_159 = arith.addi %add3A_91, %add3A_158 : i32
        %dma_start3A_160 = arith.constant 0 : i32
        %dma_start3A_161 = tpu.memref_slice %arg4[%add3A, %add3A_159, %dma_start3A_160] : memref<32x200x50xi32, #tpu.memory_space<hbm>> -> memref<1x1x50xi32, #tpu.memory_space<hbm>>
        %dma_start3A_162 = tpu.memref_squeeze %dma_start3A_161 : memref<1x1x50xi32, #tpu.memory_space<hbm>> -> memref<50xi32, #tpu.memory_space<hbm>>
        %dma_start3A_163 = arith.constant 0 : i32
        %dma_start3A_164 = tpu.memref_slice %arg4[%add3A, %add3A_159, %dma_start3A_163] : memref<32x200x50xi32, #tpu.memory_space<hbm>> -> memref<1x1x50xi32, #tpu.memory_space<hbm>>
        %dma_start3A_165 = tpu.memref_squeeze %dma_start3A_164 : memref<1x1x50xi32, #tpu.memory_space<hbm>> -> memref<50xi32, #tpu.memory_space<hbm>>
        tpu.enqueue_dma source(%dma_start3A_165 : memref<50xi32, #tpu.memory_space<hbm>>) target(%arg8 : memref<50xi32, #tpu.memory_space<vmem>>) target_semaphore(%arg18 : memref<!tpu.dma_semaphore, #tpu.memory_space<semaphore_mem>>)
      } else {
      }
      %add3A_108 = arith.constant 1 : i32
      %add3A_109 = arith.addi %mul3A_89, %add3A_108 : i32
      %dma_wait3A_110 = arith.constant 0 : i32
      %dma_wait3A_111 = tpu.memref_slice %arg4[%add3A, %add3A_109, %dma_wait3A_110] : memref<32x200x50xi32, #tpu.memory_space<hbm>> -> memref<1x1x50xi32, #tpu.memory_space<hbm>>
      %dma_wait3A_112 = tpu.memref_squeeze %dma_wait3A_111 : memref<1x1x50xi32, #tpu.memory_space<hbm>> -> memref<50xi32, #tpu.memory_space<hbm>>
      %dma_wait3A_113 = arith.constant 0 : i32
      %dma_wait3A_114 = tpu.memref_slice %arg4[%add3A, %add3A_109, %dma_wait3A_113] : memref<32x200x50xi32, #tpu.memory_space<hbm>> -> memref<1x1x50xi32, #tpu.memory_space<hbm>>
      %dma_wait3A_115 = tpu.memref_squeeze %dma_wait3A_114 : memref<1x1x50xi32, #tpu.memory_space<hbm>> -> memref<50xi32, #tpu.memory_space<hbm>>
      tpu.wait_dma2 semaphore(%arg19 : memref<!tpu.dma_semaphore, #tpu.memory_space<semaphore_mem>>) src(%dma_wait3A_115 : memref<50xi32, #tpu.memory_space<hbm>>) dst(%arg9 : memref<50xi32, #tpu.memory_space<vmem>>)
      %dma_wait3A_116 = arith.constant 0 : i32
      %dma_wait3A_117 = tpu.memref_slice %arg7[%add3A_109, %dma_wait3A_116] : memref<200x50xi32, #tpu.memory_space<vmem>> -> memref<1x50xi32, #tpu.memory_space<vmem>>
      %dma_wait3A_118 = tpu.memref_squeeze %dma_wait3A_117 : memref<1x50xi32, #tpu.memory_space<vmem>> -> memref<50xi32, #tpu.memory_space<vmem>>
      %dma_wait3A_119 = arith.constant 0 : i32
      %dma_wait3A_120 = arith.constant 0 : i32
      %dma_wait3A_121 = tpu.memref_slice %arg2[%dma_wait3A_119, %dma_wait3A_120] : memref<10000x128xf32, #tpu.memory_space<hbm>> -> memref<10000x128xf32, #tpu.memory_space<hbm>>
      tpu.wait_indirect_dma semaphore(%arg16 : memref<!tpu.dma_semaphore, #tpu.memory_space<semaphore_mem>>) src(%dma_wait3A_121 : memref<10000x128xf32, #tpu.memory_space<hbm>>) dst(%arg12 : memref<50x128xf32, #tpu.memory_space<vmem>>)
      "tpu.region"() ({
        %run_scoped3A = tpu.sem_alloc : memref<!tpu.dma_semaphore, #tpu.memory_space<semaphore_mem>>
        %dma_start3A_150 = arith.constant 0 : i32
        %dma_start3A_151 = arith.constant 0 : i32
        %dma_start3A_152 = tpu.memref_slice %arg14[%dma_start3A_150, %dma_start3A_151] : memref<10240x128xf32, #tpu.memory_space<vmem_shared>> -> memref<10240x128xf32, #tpu.memory_space<vmem_shared>>
        tpu.enqueue_indirect_dma source(%arg12 : memref<50x128xf32, #tpu.memory_space<vmem>>) target(%dma_start3A_152 : memref<10240x128xf32, #tpu.memory_space<vmem_shared>>) offsets(%arg9 : memref<50xi32, #tpu.memory_space<vmem>>) semaphore(%run_scoped3A : memref<!tpu.dma_semaphore, #tpu.memory_space<semaphore_mem>>) {add = true}
        %dma_wait3A_153 = arith.constant 0 : i32
        %dma_wait3A_154 = arith.constant 0 : i32
        %dma_wait3A_155 = tpu.memref_slice %arg14[%dma_wait3A_153, %dma_wait3A_154] : memref<10240x128xf32, #tpu.memory_space<vmem_shared>> -> memref<10240x128xf32, #tpu.memory_space<vmem_shared>>
        tpu.wait_indirect_dma semaphore(%run_scoped3A : memref<!tpu.dma_semaphore, #tpu.memory_space<semaphore_mem>>) src(%arg12 : memref<50x128xf32, #tpu.memory_space<vmem>>) dst(%dma_wait3A_155 : memref<10240x128xf32, #tpu.memory_space<vmem_shared>>)
        tpu.yield
      }) : () -> ()
      %add3A_122 = arith.constant 3 : i32
      %add3A_123 = arith.addi %add3A_109, %add3A_122 : i32
      %lt3A_124 = arith.constant 200 : i32
      %lt3A_125 = arith.cmpi slt, %add3A_123, %lt3A_124 : i32
      %convert_element_type3A_126 = arith.extui %lt3A_125 : i1 to i32
      %cond3A_127 = arith.constant 0 : i32
      %cond3A_128 = arith.cmpi ne, %convert_element_type3A_126, %cond3A_127 : i32
      scf.if %cond3A_128 {
        %add3A_150 = arith.constant 3 : i32
        %add3A_151 = arith.addi %add3A_109, %add3A_150 : i32
        %dma_start3A_152 = arith.constant 0 : i32
        %dma_start3A_153 = tpu.memref_slice %arg7[%add3A_151, %dma_start3A_152] : memref<200x50xi32, #tpu.memory_space<vmem>> -> memref<1x50xi32, #tpu.memory_space<vmem>>
        %dma_start3A_154 = tpu.memref_squeeze %dma_start3A_153 : memref<1x50xi32, #tpu.memory_space<vmem>> -> memref<50xi32, #tpu.memory_space<vmem>>
        %dma_start3A_155 = arith.constant 0 : i32
        %dma_start3A_156 = arith.constant 0 : i32
        %dma_start3A_157 = tpu.memref_slice %arg2[%dma_start3A_155, %dma_start3A_156] : memref<10000x128xf32, #tpu.memory_space<hbm>> -> memref<10000x128xf32, #tpu.memory_space<hbm>>
        tpu.enqueue_indirect_dma source(%dma_start3A_157 : memref<10000x128xf32, #tpu.memory_space<hbm>>) target(%arg12 : memref<50x128xf32, #tpu.memory_space<vmem>>) offsets(%dma_start3A_154 : memref<50xi32, #tpu.memory_space<vmem>>) semaphore(%arg16 : memref<!tpu.dma_semaphore, #tpu.memory_space<semaphore_mem>>)
        %add3A_158 = arith.constant 3 : i32
        %add3A_159 = arith.addi %add3A_109, %add3A_158 : i32
        %dma_start3A_160 = arith.constant 0 : i32
        %dma_start3A_161 = tpu.memref_slice %arg4[%add3A, %add3A_159, %dma_start3A_160] : memref<32x200x50xi32, #tpu.memory_space<hbm>> -> memref<1x1x50xi32, #tpu.memory_space<hbm>>
        %dma_start3A_162 = tpu.memref_squeeze %dma_start3A_161 : memref<1x1x50xi32, #tpu.memory_space<hbm>> -> memref<50xi32, #tpu.memory_space<hbm>>
        %dma_start3A_163 = arith.constant 0 : i32
        %dma_start3A_164 = tpu.memref_slice %arg4[%add3A, %add3A_159, %dma_start3A_163] : memref<32x200x50xi32, #tpu.memory_space<hbm>> -> memref<1x1x50xi32, #tpu.memory_space<hbm>>
        %dma_start3A_165 = tpu.memref_squeeze %dma_start3A_164 : memref<1x1x50xi32, #tpu.memory_space<hbm>> -> memref<50xi32, #tpu.memory_space<hbm>>
        tpu.enqueue_dma source(%dma_start3A_165 : memref<50xi32, #tpu.memory_space<hbm>>) target(%arg9 : memref<50xi32, #tpu.memory_space<vmem>>) target_semaphore(%arg19 : memref<!tpu.dma_semaphore, #tpu.memory_space<semaphore_mem>>)
      } else {
      }
      %add3A_129 = arith.constant 2 : i32
      %add3A_130 = arith.addi %mul3A_89, %add3A_129 : i32
      %dma_wait3A_131 = arith.constant 0 : i32
      %dma_wait3A_132 = tpu.memref_slice %arg4[%add3A, %add3A_130, %dma_wait3A_131] : memref<32x200x50xi32, #tpu.memory_space<hbm>> -> memref<1x1x50xi32, #tpu.memory_space<hbm>>
      %dma_wait3A_133 = tpu.memref_squeeze %dma_wait3A_132 : memref<1x1x50xi32, #tpu.memory_space<hbm>> -> memref<50xi32, #tpu.memory_space<hbm>>
      %dma_wait3A_134 = arith.constant 0 : i32
      %dma_wait3A_135 = tpu.memref_slice %arg4[%add3A, %add3A_130, %dma_wait3A_134] : memref<32x200x50xi32, #tpu.memory_space<hbm>> -> memref<1x1x50xi32, #tpu.memory_space<hbm>>
      %dma_wait3A_136 = tpu.memref_squeeze %dma_wait3A_135 : memref<1x1x50xi32, #tpu.memory_space<hbm>> -> memref<50xi32, #tpu.memory_space<hbm>>
      tpu.wait_dma2 semaphore(%arg20 : memref<!tpu.dma_semaphore, #tpu.memory_space<semaphore_mem>>) src(%dma_wait3A_136 : memref<50xi32, #tpu.memory_space<hbm>>) dst(%arg10 : memref<50xi32, #tpu.memory_space<vmem>>)
      %dma_wait3A_137 = arith.constant 0 : i32
      %dma_wait3A_138 = tpu.memref_slice %arg7[%add3A_130, %dma_wait3A_137] : memref<200x50xi32, #tpu.memory_space<vmem>> -> memref<1x50xi32, #tpu.memory_space<vmem>>
      %dma_wait3A_139 = tpu.memref_squeeze %dma_wait3A_138 : memref<1x50xi32, #tpu.memory_space<vmem>> -> memref<50xi32, #tpu.memory_space<vmem>>
      %dma_wait3A_140 = arith.constant 0 : i32
      %dma_wait3A_141 = arith.constant 0 : i32
      %dma_wait3A_142 = tpu.memref_slice %arg2[%dma_wait3A_140, %dma_wait3A_141] : memref<10000x128xf32, #tpu.memory_space<hbm>> -> memref<10000x128xf32, #tpu.memory_space<hbm>>
      tpu.wait_indirect_dma semaphore(%arg17 : memref<!tpu.dma_semaphore, #tpu.memory_space<semaphore_mem>>) src(%dma_wait3A_142 : memref<10000x128xf32, #tpu.memory_space<hbm>>) dst(%arg13 : memref<50x128xf32, #tpu.memory_space<vmem>>)
      "tpu.region"() ({
        %run_scoped3A = tpu.sem_alloc : memref<!tpu.dma_semaphore, #tpu.memory_space<semaphore_mem>>
        %dma_start3A_150 = arith.constant 0 : i32
        %dma_start3A_151 = arith.constant 0 : i32
        %dma_start3A_152 = tpu.memref_slice %arg14[%dma_start3A_150, %dma_start3A_151] : memref<10240x128xf32, #tpu.memory_space<vmem_shared>> -> memref<10240x128xf32, #tpu.memory_space<vmem_shared>>
        tpu.enqueue_indirect_dma source(%arg13 : memref<50x128xf32, #tpu.memory_space<vmem>>) target(%dma_start3A_152 : memref<10240x128xf32, #tpu.memory_space<vmem_shared>>) offsets(%arg10 : memref<50xi32, #tpu.memory_space<vmem>>) semaphore(%run_scoped3A : memref<!tpu.dma_semaphore, #tpu.memory_space<semaphore_mem>>) {add = true}
        %dma_wait3A_153 = arith.constant 0 : i32
        %dma_wait3A_154 = arith.constant 0 : i32
        %dma_wait3A_155 = tpu.memref_slice %arg14[%dma_wait3A_153, %dma_wait3A_154] : memref<10240x128xf32, #tpu.memory_space<vmem_shared>> -> memref<10240x128xf32, #tpu.memory_space<vmem_shared>>
        tpu.wait_indirect_dma semaphore(%run_scoped3A : memref<!tpu.dma_semaphore, #tpu.memory_space<semaphore_mem>>) src(%arg13 : memref<50x128xf32, #tpu.memory_space<vmem>>) dst(%dma_wait3A_155 : memref<10240x128xf32, #tpu.memory_space<vmem_shared>>)
        tpu.yield
      }) : () -> ()
      %add3A_143 = arith.constant 3 : i32
      %add3A_144 = arith.addi %add3A_130, %add3A_143 : i32
      %lt3A_145 = arith.constant 200 : i32
      %lt3A_146 = arith.cmpi slt, %add3A_144, %lt3A_145 : i32
      %convert_element_type3A_147 = arith.extui %lt3A_146 : i1 to i32
      %cond3A_148 = arith.constant 0 : i32
      %cond3A_149 = arith.cmpi ne, %convert_element_type3A_147, %cond3A_148 : i32
      scf.if %cond3A_149 {
        %add3A_150 = arith.constant 3 : i32
        %add3A_151 = arith.addi %add3A_130, %add3A_150 : i32
        %dma_start3A_152 = arith.constant 0 : i32
        %dma_start3A_153 = tpu.memref_slice %arg7[%add3A_151, %dma_start3A_152] : memref<200x50xi32, #tpu.memory_space<vmem>> -> memref<1x50xi32, #tpu.memory_space<vmem>>
        %dma_start3A_154 = tpu.memref_squeeze %dma_start3A_153 : memref<1x50xi32, #tpu.memory_space<vmem>> -> memref<50xi32, #tpu.memory_space<vmem>>
        %dma_start3A_155 = arith.constant 0 : i32
        %dma_start3A_156 = arith.constant 0 : i32
        %dma_start3A_157 = tpu.memref_slice %arg2[%dma_start3A_155, %dma_start3A_156] : memref<10000x128xf32, #tpu.memory_space<hbm>> -> memref<10000x128xf32, #tpu.memory_space<hbm>>
        tpu.enqueue_indirect_dma source(%dma_start3A_157 : memref<10000x128xf32, #tpu.memory_space<hbm>>) target(%arg13 : memref<50x128xf32, #tpu.memory_space<vmem>>) offsets(%dma_start3A_154 : memref<50xi32, #tpu.memory_space<vmem>>) semaphore(%arg17 : memref<!tpu.dma_semaphore, #tpu.memory_space<semaphore_mem>>)
        %add3A_158 = arith.constant 3 : i32
        %add3A_159 = arith.addi %add3A_130, %add3A_158 : i32
        %dma_start3A_160 = arith.constant 0 : i32
        %dma_start3A_161 = tpu.memref_slice %arg4[%add3A, %add3A_159, %dma_start3A_160] : memref<32x200x50xi32, #tpu.memory_space<hbm>> -> memref<1x1x50xi32, #tpu.memory_space<hbm>>
        %dma_start3A_162 = tpu.memref_squeeze %dma_start3A_161 : memref<1x1x50xi32, #tpu.memory_space<hbm>> -> memref<50xi32, #tpu.memory_space<hbm>>
        %dma_start3A_163 = arith.constant 0 : i32
        %dma_start3A_164 = tpu.memref_slice %arg4[%add3A, %add3A_159, %dma_start3A_163] : memref<32x200x50xi32, #tpu.memory_space<hbm>> -> memref<1x1x50xi32, #tpu.memory_space<hbm>>
        %dma_start3A_165 = tpu.memref_squeeze %dma_start3A_164 : memref<1x1x50xi32, #tpu.memory_space<hbm>> -> memref<50xi32, #tpu.memory_space<hbm>>
        tpu.enqueue_dma source(%dma_start3A_165 : memref<50xi32, #tpu.memory_space<hbm>>) target(%arg10 : memref<50xi32, #tpu.memory_space<vmem>>) target_semaphore(%arg20 : memref<!tpu.dma_semaphore, #tpu.memory_space<semaphore_mem>>)
      } else {
      }
    }
    %scan3A_52 = arith.constant 66 : i32
    %dma_wait3A = arith.constant 198 : i32
    %dma_wait3A_53 = arith.constant 0 : i32
    %dma_wait3A_54 = tpu.memref_slice %arg4[%add3A, %dma_wait3A, %dma_wait3A_53] : memref<32x200x50xi32, #tpu.memory_space<hbm>> -> memref<1x1x50xi32, #tpu.memory_space<hbm>>
    %dma_wait3A_55 = tpu.memref_squeeze %dma_wait3A_54 : memref<1x1x50xi32, #tpu.memory_space<hbm>> -> memref<50xi32, #tpu.memory_space<hbm>>
    %dma_wait3A_56 = arith.constant 0 : i32
    %dma_wait3A_57 = tpu.memref_slice %arg4[%add3A, %dma_wait3A, %dma_wait3A_56] : memref<32x200x50xi32, #tpu.memory_space<hbm>> -> memref<1x1x50xi32, #tpu.memory_space<hbm>>
    %dma_wait3A_58 = tpu.memref_squeeze %dma_wait3A_57 : memref<1x1x50xi32, #tpu.memory_space<hbm>> -> memref<50xi32, #tpu.memory_space<hbm>>
    tpu.wait_dma2 semaphore(%arg18 : memref<!tpu.dma_semaphore, #tpu.memory_space<semaphore_mem>>) src(%dma_wait3A_58 : memref<50xi32, #tpu.memory_space<hbm>>) dst(%arg8 : memref<50xi32, #tpu.memory_space<vmem>>)
    %dma_wait3A_59 = arith.constant 198 : i32
    %dma_wait3A_60 = arith.constant 0 : i32
    %dma_wait3A_61 = tpu.memref_slice %arg7[%dma_wait3A_59, %dma_wait3A_60] : memref<200x50xi32, #tpu.memory_space<vmem>> -> memref<1x50xi32, #tpu.memory_space<vmem>>
    %dma_wait3A_62 = tpu.memref_squeeze %dma_wait3A_61 : memref<1x50xi32, #tpu.memory_space<vmem>> -> memref<50xi32, #tpu.memory_space<vmem>>
    %dma_wait3A_63 = arith.constant 0 : i32
    %dma_wait3A_64 = arith.constant 0 : i32
    %dma_wait3A_65 = tpu.memref_slice %arg2[%dma_wait3A_63, %dma_wait3A_64] : memref<10000x128xf32, #tpu.memory_space<hbm>> -> memref<10000x128xf32, #tpu.memory_space<hbm>>
    tpu.wait_indirect_dma semaphore(%arg15 : memref<!tpu.dma_semaphore, #tpu.memory_space<semaphore_mem>>) src(%dma_wait3A_65 : memref<10000x128xf32, #tpu.memory_space<hbm>>) dst(%arg11 : memref<50x128xf32, #tpu.memory_space<vmem>>)
    "tpu.region"() ({
      %run_scoped3A = tpu.sem_alloc : memref<!tpu.dma_semaphore, #tpu.memory_space<semaphore_mem>>
      %dma_start3A_87 = arith.constant 0 : i32
      %dma_start3A_88 = arith.constant 0 : i32
      %dma_start3A_89 = tpu.memref_slice %arg14[%dma_start3A_87, %dma_start3A_88] : memref<10240x128xf32, #tpu.memory_space<vmem_shared>> -> memref<10240x128xf32, #tpu.memory_space<vmem_shared>>
      tpu.enqueue_indirect_dma source(%arg11 : memref<50x128xf32, #tpu.memory_space<vmem>>) target(%dma_start3A_89 : memref<10240x128xf32, #tpu.memory_space<vmem_shared>>) offsets(%arg8 : memref<50xi32, #tpu.memory_space<vmem>>) semaphore(%run_scoped3A : memref<!tpu.dma_semaphore, #tpu.memory_space<semaphore_mem>>) {add = true}
      %dma_wait3A_90 = arith.constant 0 : i32
      %dma_wait3A_91 = arith.constant 0 : i32
      %dma_wait3A_92 = tpu.memref_slice %arg14[%dma_wait3A_90, %dma_wait3A_91] : memref<10240x128xf32, #tpu.memory_space<vmem_shared>> -> memref<10240x128xf32, #tpu.memory_space<vmem_shared>>
      tpu.wait_indirect_dma semaphore(%run_scoped3A : memref<!tpu.dma_semaphore, #tpu.memory_space<semaphore_mem>>) src(%arg11 : memref<50x128xf32, #tpu.memory_space<vmem>>) dst(%dma_wait3A_92 : memref<10240x128xf32, #tpu.memory_space<vmem_shared>>)
      tpu.yield
    }) : () -> ()
    %dma_wait3A_66 = arith.constant 199 : i32
    %dma_wait3A_67 = arith.constant 0 : i32
    %dma_wait3A_68 = tpu.memref_slice %arg4[%add3A, %dma_wait3A_66, %dma_wait3A_67] : memref<32x200x50xi32, #tpu.memory_space<hbm>> -> memref<1x1x50xi32, #tpu.memory_space<hbm>>
    %dma_wait3A_69 = tpu.memref_squeeze %dma_wait3A_68 : memref<1x1x50xi32, #tpu.memory_space<hbm>> -> memref<50xi32, #tpu.memory_space<hbm>>
    %dma_wait3A_70 = arith.constant 0 : i32
    %dma_wait3A_71 = tpu.memref_slice %arg4[%add3A, %dma_wait3A_66, %dma_wait3A_70] : memref<32x200x50xi32, #tpu.memory_space<hbm>> -> memref<1x1x50xi32, #tpu.memory_space<hbm>>
    %dma_wait3A_72 = tpu.memref_squeeze %dma_wait3A_71 : memref<1x1x50xi32, #tpu.memory_space<hbm>> -> memref<50xi32, #tpu.memory_space<hbm>>
    tpu.wait_dma2 semaphore(%arg19 : memref<!tpu.dma_semaphore, #tpu.memory_space<semaphore_mem>>) src(%dma_wait3A_72 : memref<50xi32, #tpu.memory_space<hbm>>) dst(%arg9 : memref<50xi32, #tpu.memory_space<vmem>>)
    %dma_wait3A_73 = arith.constant 199 : i32
    %dma_wait3A_74 = arith.constant 0 : i32
    %dma_wait3A_75 = tpu.memref_slice %arg7[%dma_wait3A_73, %dma_wait3A_74] : memref<200x50xi32, #tpu.memory_space<vmem>> -> memref<1x50xi32, #tpu.memory_space<vmem>>
    %dma_wait3A_76 = tpu.memref_squeeze %dma_wait3A_75 : memref<1x50xi32, #tpu.memory_space<vmem>> -> memref<50xi32, #tpu.memory_space<vmem>>
    %dma_wait3A_77 = arith.constant 0 : i32
    %dma_wait3A_78 = arith.constant 0 : i32
    %dma_wait3A_79 = tpu.memref_slice %arg2[%dma_wait3A_77, %dma_wait3A_78] : memref<10000x128xf32, #tpu.memory_space<hbm>> -> memref<10000x128xf32, #tpu.memory_space<hbm>>
    tpu.wait_indirect_dma semaphore(%arg16 : memref<!tpu.dma_semaphore, #tpu.memory_space<semaphore_mem>>) src(%dma_wait3A_79 : memref<10000x128xf32, #tpu.memory_space<hbm>>) dst(%arg12 : memref<50x128xf32, #tpu.memory_space<vmem>>)
    "tpu.region"() ({
      %run_scoped3A = tpu.sem_alloc : memref<!tpu.dma_semaphore, #tpu.memory_space<semaphore_mem>>
      %dma_start3A_87 = arith.constant 0 : i32
      %dma_start3A_88 = arith.constant 0 : i32
      %dma_start3A_89 = tpu.memref_slice %arg14[%dma_start3A_87, %dma_start3A_88] : memref<10240x128xf32, #tpu.memory_space<vmem_shared>> -> memref<10240x128xf32, #tpu.memory_space<vmem_shared>>
      tpu.enqueue_indirect_dma source(%arg12 : memref<50x128xf32, #tpu.memory_space<vmem>>) target(%dma_start3A_89 : memref<10240x128xf32, #tpu.memory_space<vmem_shared>>) offsets(%arg9 : memref<50xi32, #tpu.memory_space<vmem>>) semaphore(%run_scoped3A : memref<!tpu.dma_semaphore, #tpu.memory_space<semaphore_mem>>) {add = true}
      %dma_wait3A_90 = arith.constant 0 : i32
      %dma_wait3A_91 = arith.constant 0 : i32
      %dma_wait3A_92 = tpu.memref_slice %arg14[%dma_wait3A_90, %dma_wait3A_91] : memref<10240x128xf32, #tpu.memory_space<vmem_shared>> -> memref<10240x128xf32, #tpu.memory_space<vmem_shared>>
      tpu.wait_indirect_dma semaphore(%run_scoped3A : memref<!tpu.dma_semaphore, #tpu.memory_space<semaphore_mem>>) src(%arg12 : memref<50x128xf32, #tpu.memory_space<vmem>>) dst(%dma_wait3A_92 : memref<10240x128xf32, #tpu.memory_space<vmem_shared>>)
      tpu.yield
    }) : () -> ()
    %barrier3A_80 = arith.constant 0 : index
    tpu.barrier barrier_id(%barrier3A_80)
    %scan3A_81 = arith.constant 0 : i32
    %scan3A_82 = arith.constant 0 : i32
    %scan3A_83 = arith.constant 10 : i32
    %scan3A_84 = arith.addi %scan3A_82, %scan3A_83 : i32
    %scan3A_85 = arith.constant 1 : i32
    scf.for %scan3A_87 = %scan3A_82 to %scan3A_84 step %scan3A_85  : i32 {
      %mul3A_88 = arith.constant 640 : i32
      %mul3A_89 = arith.muli %arg1, %mul3A_88 : i32
      %mul3A_90 = arith.constant 64 : i32
      %mul3A_91 = arith.muli %scan3A_87, %mul3A_90 : i32
      %add3A_92 = arith.addi %mul3A_89, %mul3A_91 : i32
      "tpu.region"() ({
        %run_scoped3A = tpu.sem_alloc : memref<!tpu.dma_semaphore, #tpu.memory_space<semaphore_mem>>
        %dma_start3A_93 = arith.constant 0 : i32
        %dma_start3A_94 = arith.constant 0 : i32
        %dma_start3A_95 = tpu.memref_slice %arg11[%dma_start3A_93, %dma_start3A_94] : memref<50x128xf32, #tpu.memory_space<vmem>> -> memref<64x128xf32, #tpu.memory_space<vmem>>
        %dma_start3A_96 = arith.constant 0 : i32
        %dma_start3A_97 = tpu.memref_slice %arg14[%add3A_92, %dma_start3A_96] : memref<10240x128xf32, #tpu.memory_space<vmem_shared>> -> memref<64x128xf32, #tpu.memory_space<vmem_shared>>
        %dma_start3A_98 = arith.constant 0 : i32
        %dma_start3A_99 = arith.constant 0 : i32
        %dma_start3A_100 = tpu.memref_slice %arg11[%dma_start3A_98, %dma_start3A_99] : memref<50x128xf32, #tpu.memory_space<vmem>> -> memref<64x128xf32, #tpu.memory_space<vmem>>
        %dma_start3A_101 = arith.constant 0 : i32
        %dma_start3A_102 = tpu.memref_slice %arg14[%add3A_92, %dma_start3A_101] : memref<10240x128xf32, #tpu.memory_space<vmem_shared>> -> memref<64x128xf32, #tpu.memory_space<vmem_shared>>
        tpu.enqueue_dma source(%dma_start3A_102 : memref<64x128xf32, #tpu.memory_space<vmem_shared>>) target(%dma_start3A_100 : memref<64x128xf32, #tpu.memory_space<vmem>>) target_semaphore(%run_scoped3A : memref<!tpu.dma_semaphore, #tpu.memory_space<semaphore_mem>>)
        %dma_wait3A_103 = arith.constant 0 : i32
        %dma_wait3A_104 = arith.constant 0 : i32
        %dma_wait3A_105 = tpu.memref_slice %arg11[%dma_wait3A_103, %dma_wait3A_104] : memref<50x128xf32, #tpu.memory_space<vmem>> -> memref<64x128xf32, #tpu.memory_space<vmem>>
        %dma_wait3A_106 = arith.constant 0 : i32
        %dma_wait3A_107 = tpu.memref_slice %arg14[%add3A_92, %dma_wait3A_106] : memref<10240x128xf32, #tpu.memory_space<vmem_shared>> -> memref<64x128xf32, #tpu.memory_space<vmem_shared>>
        %dma_wait3A_108 = arith.constant 0 : i32
        %dma_wait3A_109 = arith.constant 0 : i32
        %dma_wait3A_110 = tpu.memref_slice %arg11[%dma_wait3A_108, %dma_wait3A_109] : memref<50x128xf32, #tpu.memory_space<vmem>> -> memref<64x128xf32, #tpu.memory_space<vmem>>
        %dma_wait3A_111 = arith.constant 0 : i32
        %dma_wait3A_112 = tpu.memref_slice %arg14[%add3A_92, %dma_wait3A_111] : memref<10240x128xf32, #tpu.memory_space<vmem_shared>> -> memref<64x128xf32, #tpu.memory_space<vmem_shared>>
        tpu.wait_dma2 semaphore(%run_scoped3A : memref<!tpu.dma_semaphore, #tpu.memory_space<semaphore_mem>>) src(%dma_wait3A_112 : memref<64x128xf32, #tpu.memory_space<vmem_shared>>) dst(%dma_wait3A_110 : memref<64x128xf32, #tpu.memory_space<vmem>>)
        tpu.yield
      }) : () -> ()
      "tpu.region"() ({
        %run_scoped3A = tpu.sem_alloc : memref<!tpu.dma_semaphore, #tpu.memory_space<semaphore_mem>>
        %dma_start3A_93 = arith.constant 0 : i32
        %dma_start3A_94 = arith.constant 0 : i32
        %dma_start3A_95 = tpu.memref_slice %arg11[%dma_start3A_93, %dma_start3A_94] : memref<50x128xf32, #tpu.memory_space<vmem>> -> memref<64x128xf32, #tpu.memory_space<vmem>>
        %dma_start3A_96 = arith.constant 0 : i32
        %dma_start3A_97 = tpu.memref_slice %arg6[%arg0, %add3A_92, %dma_start3A_96] : memref<2x10240x128xf32, #tpu.memory_space<hbm>> -> memref<1x64x128xf32, #tpu.memory_space<hbm>>
        %dma_start3A_98 = tpu.memref_squeeze %dma_start3A_97 : memref<1x64x128xf32, #tpu.memory_space<hbm>> -> memref<64x128xf32, #tpu.memory_space<hbm>>
        %dma_start3A_99 = arith.constant 0 : i32
        %dma_start3A_100 = tpu.memref_slice %arg6[%arg0, %add3A_92, %dma_start3A_99] : memref<2x10240x128xf32, #tpu.memory_space<hbm>> -> memref<1x64x128xf32, #tpu.memory_space<hbm>>
        %dma_start3A_101 = tpu.memref_squeeze %dma_start3A_100 : memref<1x64x128xf32, #tpu.memory_space<hbm>> -> memref<64x128xf32, #tpu.memory_space<hbm>>
        %dma_start3A_102 = arith.constant 0 : i32
        %dma_start3A_103 = arith.constant 0 : i32
        %dma_start3A_104 = tpu.memref_slice %arg11[%dma_start3A_102, %dma_start3A_103] : memref<50x128xf32, #tpu.memory_space<vmem>> -> memref<64x128xf32, #tpu.memory_space<vmem>>
        tpu.enqueue_dma source(%dma_start3A_104 : memref<64x128xf32, #tpu.memory_space<vmem>>) target(%dma_start3A_101 : memref<64x128xf32, #tpu.memory_space<hbm>>) target_semaphore(%run_scoped3A : memref<!tpu.dma_semaphore, #tpu.memory_space<semaphore_mem>>)
        %dma_wait3A_105 = arith.constant 0 : i32
        %dma_wait3A_106 = arith.constant 0 : i32
        %dma_wait3A_107 = tpu.memref_slice %arg11[%dma_wait3A_105, %dma_wait3A_106] : memref<50x128xf32, #tpu.memory_space<vmem>> -> memref<64x128xf32, #tpu.memory_space<vmem>>
        %dma_wait3A_108 = arith.constant 0 : i32
        %dma_wait3A_109 = tpu.memref_slice %arg6[%arg0, %add3A_92, %dma_wait3A_108] : memref<2x10240x128xf32, #tpu.memory_space<hbm>> -> memref<1x64x128xf32, #tpu.memory_space<hbm>>
        %dma_wait3A_110 = tpu.memref_squeeze %dma_wait3A_109 : memref<1x64x128xf32, #tpu.memory_space<hbm>> -> memref<64x128xf32, #tpu.memory_space<hbm>>
        %dma_wait3A_111 = arith.constant 0 : i32
        %dma_wait3A_112 = tpu.memref_slice %arg6[%arg0, %add3A_92, %dma_wait3A_111] : memref<2x10240x128xf32, #tpu.memory_space<hbm>> -> memref<1x64x128xf32, #tpu.memory_space<hbm>>
        %dma_wait3A_113 = tpu.memref_squeeze %dma_wait3A_112 : memref<1x64x128xf32, #tpu.memory_space<hbm>> -> memref<64x128xf32, #tpu.memory_space<hbm>>
        %dma_wait3A_114 = arith.constant 0 : i32
        %dma_wait3A_115 = arith.constant 0 : i32
        %dma_wait3A_116 = tpu.memref_slice %arg11[%dma_wait3A_114, %dma_wait3A_115] : memref<50x128xf32, #tpu.memory_space<vmem>> -> memref<64x128xf32, #tpu.memory_space<vmem>>
        tpu.wait_dma2 semaphore(%run_scoped3A : memref<!tpu.dma_semaphore, #tpu.memory_space<semaphore_mem>>) src(%dma_wait3A_116 : memref<64x128xf32, #tpu.memory_space<vmem>>) dst(%dma_wait3A_113 : memref<64x128xf32, #tpu.memory_space<hbm>>)
        tpu.yield
      }) : () -> ()
    }
    %scan3A_86 = arith.constant 10 : i32
    return
  }
}

#map = affine_map<(d0, d1) -> (0)>
module attributes {stable_mosaic.version = 14 : i64} {
  func.func @_deg_sc(%arg0: i32, %arg1: i32, %arg2: memref<320000xi32, #tpu.memory_space<hbm>>, %arg3: memref<10000xf32, #tpu.memory_space<hbm>>, %arg4: memref<320000xf32, #tpu.memory_space<hbm>>, %arg5: memref<10000xi32, #tpu.memory_space<vmem>>, %arg6: memref<10000xf32, #tpu.memory_space<vmem>>) attributes {dimension_semantics = [#tpu.dimension_semantics<core_parallel>, #tpu.dimension_semantics<subcore_parallel>], iteration_bounds = array<i64: 2, 16>, scalar_prefetch = 0 : i64, scratch_operands = 2 : i64, tpu.core_type = #tpu.core_type<sc_vector_subcore>, window_params = [{transform_indices = #map}, {transform_indices = #map}, {transform_indices = #map}]} {
    %mul3A = arith.constant 16 : i32
    %mul3A_0 = arith.muli %arg0, %mul3A : i32
    %add3A = arith.addi %mul3A_0, %arg1 : i32
    "tpu.region"() ({
      %run_scoped3A = tpu.sem_alloc : memref<!tpu.dma_semaphore, #tpu.memory_space<semaphore_mem>>
      tpu.enqueue_dma source(%arg3 : memref<10000xf32, #tpu.memory_space<hbm>>) target(%arg6 : memref<10000xf32, #tpu.memory_space<vmem>>) target_semaphore(%run_scoped3A : memref<!tpu.dma_semaphore, #tpu.memory_space<semaphore_mem>>)
      tpu.wait_dma2 semaphore(%run_scoped3A : memref<!tpu.dma_semaphore, #tpu.memory_space<semaphore_mem>>) src(%arg3 : memref<10000xf32, #tpu.memory_space<hbm>>) dst(%arg6 : memref<10000xf32, #tpu.memory_space<vmem>>)
      tpu.yield
    }) : () -> ()
    %mul3A_1 = arith.constant 10000 : i32
    %mul3A_2 = arith.muli %add3A, %mul3A_1 : i32
    "tpu.region"() ({
      %run_scoped3A = tpu.sem_alloc : memref<!tpu.dma_semaphore, #tpu.memory_space<semaphore_mem>>
      %dma_start3A = tpu.memref_slice %arg2[%mul3A_2] : memref<320000xi32, #tpu.memory_space<hbm>> -> memref<10000xi32, #tpu.memory_space<hbm>>
      %dma_start3A_11 = tpu.memref_slice %arg2[%mul3A_2] : memref<320000xi32, #tpu.memory_space<hbm>> -> memref<10000xi32, #tpu.memory_space<hbm>>
      tpu.enqueue_dma source(%dma_start3A_11 : memref<10000xi32, #tpu.memory_space<hbm>>) target(%arg5 : memref<10000xi32, #tpu.memory_space<vmem>>) target_semaphore(%run_scoped3A : memref<!tpu.dma_semaphore, #tpu.memory_space<semaphore_mem>>)
      %dma_wait3A = tpu.memref_slice %arg2[%mul3A_2] : memref<320000xi32, #tpu.memory_space<hbm>> -> memref<10000xi32, #tpu.memory_space<hbm>>
      %dma_wait3A_12 = tpu.memref_slice %arg2[%mul3A_2] : memref<320000xi32, #tpu.memory_space<hbm>> -> memref<10000xi32, #tpu.memory_space<hbm>>
      tpu.wait_dma2 semaphore(%run_scoped3A : memref<!tpu.dma_semaphore, #tpu.memory_space<semaphore_mem>>) src(%dma_wait3A_12 : memref<10000xi32, #tpu.memory_space<hbm>>) dst(%arg5 : memref<10000xi32, #tpu.memory_space<vmem>>)
      tpu.yield
    }) : () -> ()
    %broadcast_in_dim3A = arith.constant 1.000000e+00 : f32
    %broadcast_in_dim3A_3 = vector.broadcast %broadcast_in_dim3A : f32 to vector<16xf32>
    %scan3A = arith.constant 0 : i32
    %scan3A_4 = arith.constant 0 : i32
    %scan3A_5 = arith.constant 625 : i32
    %scan3A_6 = arith.addi %scan3A_4, %scan3A_5 : i32
    %scan3A_7 = arith.constant 1 : i32
    scf.for %scan3A_11 = %scan3A_4 to %scan3A_6 step %scan3A_7  : i32 {
      %mul3A_12 = arith.constant 16 : i32
      %mul3A_13 = arith.muli %scan3A_11, %mul3A_12 : i32
      %get3A = arith.index_cast %mul3A_13 : i32 to index
      %get3A_14 = tpu.vector_load %arg5[%get3A] {strides = array<i32>} : memref<10000xi32, #tpu.memory_space<vmem>>, vector<16xi32>,
      tpu.vector_store_idx %arg6[%get3A_14], %broadcast_in_dim3A_3 {add = true} : memref<10000xf32, #tpu.memory_space<vmem>>[vector<16xi32>], vector<16xf32>,
    }
    %scan3A_8 = arith.constant 625 : i32
    %mul3A_9 = arith.constant 10000 : i32
    %mul3A_10 = arith.muli %add3A, %mul3A_9 : i32
    "tpu.region"() ({
      %run_scoped3A = tpu.sem_alloc : memref<!tpu.dma_semaphore, #tpu.memory_space<semaphore_mem>>
      %dma_start3A = tpu.memref_slice %arg4[%mul3A_10] : memref<320000xf32, #tpu.memory_space<hbm>> -> memref<10000xf32, #tpu.memory_space<hbm>>
      %dma_start3A_11 = tpu.memref_slice %arg4[%mul3A_10] : memref<320000xf32, #tpu.memory_space<hbm>> -> memref<10000xf32, #tpu.memory_space<hbm>>
      tpu.enqueue_dma source(%arg6 : memref<10000xf32, #tpu.memory_space<vmem>>) target(%dma_start3A_11 : memref<10000xf32, #tpu.memory_space<hbm>>) target_semaphore(%run_scoped3A : memref<!tpu.dma_semaphore, #tpu.memory_space<semaphore_mem>>)
      %dma_wait3A = tpu.memref_slice %arg4[%mul3A_10] : memref<320000xf32, #tpu.memory_space<hbm>> -> memref<10000xf32, #tpu.memory_space<hbm>>
      %dma_wait3A_12 = tpu.memref_slice %arg4[%mul3A_10] : memref<320000xf32, #tpu.memory_space<hbm>> -> memref<10000xf32, #tpu.memory_space<hbm>>
      tpu.wait_dma2 semaphore(%run_scoped3A : memref<!tpu.dma_semaphore, #tpu.memory_space<semaphore_mem>>) src(%arg6 : memref<10000xf32, #tpu.memory_space<vmem>>) dst(%dma_wait3A_12 : memref<10000xf32, #tpu.memory_space<hbm>>)
      tpu.yield
    }) : () -> ()
    return
  }
}

#map = affine_map<(d0, d1) -> (0, 0)>
#map1 = affine_map<(d0, d1) -> (0, 0, 0)>
module attributes {stable_mosaic.version = 14 : i64} {
  func.func @_agg_sc(%arg0: i32, %arg1: i32, %arg2: memref<10000x128xf32, #tpu.memory_space<hbm>>, %arg3: memref<32x200x50xi32, #tpu.memory_space<hbm>>, %arg4: memref<32x200x50xi32, #tpu.memory_space<hbm>>, %arg5: memref<64x128xf32, #tpu.memory_space<hbm>>, %arg6: memref<2x10240x128xf32, #tpu.memory_space<hbm>>, %arg7: memref<200x50xi32, #tpu.memory_space<vmem>>, %arg8: memref<50xi32, #tpu.memory_space<vmem>>, %arg9: memref<50xi32, #tpu.memory_space<vmem>>, %arg10: memref<50xi32, #tpu.memory_space<vmem>>, %arg11: memref<50x128xf32, #tpu.memory_space<vmem>>, %arg12: memref<50x128xf32, #tpu.memory_space<vmem>>, %arg13: memref<50x128xf32, #tpu.memory_space<vmem>>, %arg14: memref<10240x128xf32, #tpu.memory_space<vmem_shared>>, %arg15: memref<!tpu.dma_semaphore, #tpu.memory_space<semaphore_mem>>, %arg16: memref<!tpu.dma_semaphore, #tpu.memory_space<semaphore_mem>>, %arg17: memref<!tpu.dma_semaphore, #tpu.memory_space<semaphore_mem>>, %arg18: memref<!tpu.dma_semaphore, #tpu.memory_space<semaphore_mem>>, %arg19: memref<!tpu.dma_semaphore, #tpu.memory_space<semaphore_mem>>, %arg20: memref<!tpu.dma_semaphore, #tpu.memory_space<semaphore_mem>>) attributes {dimension_semantics = [#tpu.dimension_semantics<core_parallel>, #tpu.dimension_semantics<subcore_parallel>], iteration_bounds = array<i64: 2, 16>, scalar_prefetch = 0 : i64, scratch_operands = 14 : i64, tpu.core_type = #tpu.core_type<sc_vector_subcore>, window_params = [{transform_indices = #map}, {transform_indices = #map1}, {transform_indices = #map1}, {transform_indices = #map}, {transform_indices = #map1}]} {
    %mul3A = arith.constant 16 : i32
    %mul3A_0 = arith.muli %arg0, %mul3A : i32
    %add3A = arith.addi %mul3A_0, %arg1 : i32
    "tpu.region"() ({
      %run_scoped3A = tpu.sem_alloc : memref<!tpu.dma_semaphore, #tpu.memory_space<semaphore_mem>>
      %dma_start3A_87 = arith.constant 0 : i32
      %dma_start3A_88 = arith.constant 0 : i32
      %dma_start3A_89 = tpu.memref_slice %arg11[%dma_start3A_87, %dma_start3A_88] : memref<50x128xf32, #tpu.memory_space<vmem>> -> memref<64x128xf32, #tpu.memory_space<vmem>>
      %dma_start3A_90 = arith.constant 0 : i32
      %dma_start3A_91 = arith.constant 0 : i32
      %dma_start3A_92 = tpu.memref_slice %arg11[%dma_start3A_90, %dma_start3A_91] : memref<50x128xf32, #tpu.memory_space<vmem>> -> memref<64x128xf32, #tpu.memory_space<vmem>>
      tpu.enqueue_dma source(%arg5 : memref<64x128xf32, #tpu.memory_space<hbm>>) target(%dma_start3A_92 : memref<64x128xf32, #tpu.memory_space<vmem>>) target_semaphore(%run_scoped3A : memref<!tpu.dma_semaphore, #tpu.memory_space<semaphore_mem>>)
      %dma_wait3A_93 = arith.constant 0 : i32
      %dma_wait3A_94 = arith.constant 0 : i32
      %dma_wait3A_95 = tpu.memref_slice %arg11[%dma_wait3A_93, %dma_wait3A_94] : memref<50x128xf32, #tpu.memory_space<vmem>> -> memref<64x128xf32, #tpu.memory_space<vmem>>
      %dma_wait3A_96 = arith.constant 0 : i32
      %dma_wait3A_97 = arith.constant 0 : i32
      %dma_wait3A_98 = tpu.memref_slice %arg11[%dma_wait3A_96, %dma_wait3A_97] : memref<50x128xf32, #tpu.memory_space<vmem>> -> memref<64x128xf32, #tpu.memory_space<vmem>>
      tpu.wait_dma2 semaphore(%run_scoped3A : memref<!tpu.dma_semaphore, #tpu.memory_space<semaphore_mem>>) src(%arg5 : memref<64x128xf32, #tpu.memory_space<hbm>>) dst(%dma_wait3A_98 : memref<64x128xf32, #tpu.memory_space<vmem>>)
      tpu.yield
    }) : () -> ()
    %scan3A = arith.constant 0 : i32
    %scan3A_1 = arith.constant 0 : i32
    %scan3A_2 = arith.constant 10 : i32
    %scan3A_3 = arith.addi %scan3A_1, %scan3A_2 : i32
    %scan3A_4 = arith.constant 1 : i32
    scf.for %scan3A_87 = %scan3A_1 to %scan3A_3 step %scan3A_4  : i32 {
      %mul3A_88 = arith.constant 640 : i32
      %mul3A_89 = arith.muli %arg1, %mul3A_88 : i32
      %mul3A_90 = arith.constant 64 : i32
      %mul3A_91 = arith.muli %scan3A_87, %mul3A_90 : i32
      %add3A_92 = arith.addi %mul3A_89, %mul3A_91 : i32
      "tpu.region"() ({
        %run_scoped3A = tpu.sem_alloc : memref<!tpu.dma_semaphore, #tpu.memory_space<semaphore_mem>>
        %dma_start3A_93 = arith.constant 0 : i32
        %dma_start3A_94 = arith.constant 0 : i32
        %dma_start3A_95 = tpu.memref_slice %arg11[%dma_start3A_93, %dma_start3A_94] : memref<50x128xf32, #tpu.memory_space<vmem>> -> memref<64x128xf32, #tpu.memory_space<vmem>>
        %dma_start3A_96 = arith.constant 0 : i32
        %dma_start3A_97 = tpu.memref_slice %arg14[%add3A_92, %dma_start3A_96] : memref<10240x128xf32, #tpu.memory_space<vmem_shared>> -> memref<64x128xf32, #tpu.memory_space<vmem_shared>>
        %dma_start3A_98 = arith.constant 0 : i32
        %dma_start3A_99 = tpu.memref_slice %arg14[%add3A_92, %dma_start3A_98] : memref<10240x128xf32, #tpu.memory_space<vmem_shared>> -> memref<64x128xf32, #tpu.memory_space<vmem_shared>>
        %dma_start3A_100 = arith.constant 0 : i32
        %dma_start3A_101 = arith.constant 0 : i32
        %dma_start3A_102 = tpu.memref_slice %arg11[%dma_start3A_100, %dma_start3A_101] : memref<50x128xf32, #tpu.memory_space<vmem>> -> memref<64x128xf32, #tpu.memory_space<vmem>>
        tpu.enqueue_dma source(%dma_start3A_102 : memref<64x128xf32, #tpu.memory_space<vmem>>) target(%dma_start3A_99 : memref<64x128xf32, #tpu.memory_space<vmem_shared>>) target_semaphore(%run_scoped3A : memref<!tpu.dma_semaphore, #tpu.memory_space<semaphore_mem>>)
        %dma_wait3A_103 = arith.constant 0 : i32
        %dma_wait3A_104 = arith.constant 0 : i32
        %dma_wait3A_105 = tpu.memref_slice %arg11[%dma_wait3A_103, %dma_wait3A_104] : memref<50x128xf32, #tpu.memory_space<vmem>> -> memref<64x128xf32, #tpu.memory_space<vmem>>
        %dma_wait3A_106 = arith.constant 0 : i32
        %dma_wait3A_107 = tpu.memref_slice %arg14[%add3A_92, %dma_wait3A_106] : memref<10240x128xf32, #tpu.memory_space<vmem_shared>> -> memref<64x128xf32, #tpu.memory_space<vmem_shared>>
        %dma_wait3A_108 = arith.constant 0 : i32
        %dma_wait3A_109 = tpu.memref_slice %arg14[%add3A_92, %dma_wait3A_108] : memref<10240x128xf32, #tpu.memory_space<vmem_shared>> -> memref<64x128xf32, #tpu.memory_space<vmem_shared>>
        %dma_wait3A_110 = arith.constant 0 : i32
        %dma_wait3A_111 = arith.constant 0 : i32
        %dma_wait3A_112 = tpu.memref_slice %arg11[%dma_wait3A_110, %dma_wait3A_111] : memref<50x128xf32, #tpu.memory_space<vmem>> -> memref<64x128xf32, #tpu.memory_space<vmem>>
        tpu.wait_dma2 semaphore(%run_scoped3A : memref<!tpu.dma_semaphore, #tpu.memory_space<semaphore_mem>>) src(%dma_wait3A_112 : memref<64x128xf32, #tpu.memory_space<vmem>>) dst(%dma_wait3A_109 : memref<64x128xf32, #tpu.memory_space<vmem_shared>>)
        tpu.yield
      }) : () -> ()
    }
    %scan3A_5 = arith.constant 10 : i32
    "tpu.region"() ({
      %run_scoped3A = tpu.sem_alloc : memref<!tpu.dma_semaphore, #tpu.memory_space<semaphore_mem>>
      %dma_start3A_87 = arith.constant 0 : i32
      %dma_start3A_88 = arith.constant 0 : i32
      %dma_start3A_89 = tpu.memref_slice %arg3[%add3A, %dma_start3A_87, %dma_start3A_88] : memref<32x200x50xi32, #tpu.memory_space<hbm>> -> memref<1x200x50xi32, #tpu.memory_space<hbm>>
      %dma_start3A_90 = tpu.memref_squeeze %dma_start3A_89 : memref<1x200x50xi32, #tpu.memory_space<hbm>> -> memref<200x50xi32, #tpu.memory_space<hbm>>
      %dma_start3A_91 = arith.constant 0 : i32
      %dma_start3A_92 = arith.constant 0 : i32
      %dma_start3A_93 = tpu.memref_slice %arg3[%add3A, %dma_start3A_91, %dma_start3A_92] : memref<32x200x50xi32, #tpu.memory_space<hbm>> -> memref<1x200x50xi32, #tpu.memory_space<hbm>>
      %dma_start3A_94 = tpu.memref_squeeze %dma_start3A_93 : memref<1x200x50xi32, #tpu.memory_space<hbm>> -> memref<200x50xi32, #tpu.memory_space<hbm>>
      tpu.enqueue_dma source(%dma_start3A_94 : memref<200x50xi32, #tpu.memory_space<hbm>>) target(%arg7 : memref<200x50xi32, #tpu.memory_space<vmem>>) target_semaphore(%run_scoped3A : memref<!tpu.dma_semaphore, #tpu.memory_space<semaphore_mem>>)
      %dma_wait3A_95 = arith.constant 0 : i32
      %dma_wait3A_96 = arith.constant 0 : i32
      %dma_wait3A_97 = tpu.memref_slice %arg3[%add3A, %dma_wait3A_95, %dma_wait3A_96] : memref<32x200x50xi32, #tpu.memory_space<hbm>> -> memref<1x200x50xi32, #tpu.memory_space<hbm>>
      %dma_wait3A_98 = tpu.memref_squeeze %dma_wait3A_97 : memref<1x200x50xi32, #tpu.memory_space<hbm>> -> memref<200x50xi32, #tpu.memory_space<hbm>>
      %dma_wait3A_99 = arith.constant 0 : i32
      %dma_wait3A_100 = arith.constant 0 : i32
      %dma_wait3A_101 = tpu.memref_slice %arg3[%add3A, %dma_wait3A_99, %dma_wait3A_100] : memref<32x200x50xi32, #tpu.memory_space<hbm>> -> memref<1x200x50xi32, #tpu.memory_space<hbm>>
      %dma_wait3A_102 = tpu.memref_squeeze %dma_wait3A_101 : memref<1x200x50xi32, #tpu.memory_space<hbm>> -> memref<200x50xi32, #tpu.memory_space<hbm>>
      tpu.wait_dma2 semaphore(%run_scoped3A : memref<!tpu.dma_semaphore, #tpu.memory_space<semaphore_mem>>) src(%dma_wait3A_102 : memref<200x50xi32, #tpu.memory_space<hbm>>) dst(%arg7 : memref<200x50xi32, #tpu.memory_space<vmem>>)
      tpu.yield
    }) : () -> ()
    %barrier3A = arith.constant 0 : index
    tpu.barrier barrier_id(%barrier3A)
    %dma_start3A = arith.constant 0 : i32
    %dma_start3A_6 = arith.constant 0 : i32
    %dma_start3A_7 = tpu.memref_slice %arg7[%dma_start3A, %dma_start3A_6] : memref<200x50xi32, #tpu.memory_space<vmem>> -> memref<1x50xi32, #tpu.memory_space<vmem>>
    %dma_start3A_8 = tpu.memref_squeeze %dma_start3A_7 : memref<1x50xi32, #tpu.memory_space<vmem>> -> memref<50xi32, #tpu.memory_space<vmem>>
    %dma_start3A_9 = arith.constant 0 : i32
    %dma_start3A_10 = arith.constant 0 : i32
    %dma_start3A_11 = tpu.memref_slice %arg2[%dma_start3A_9, %dma_start3A_10] : memref<10000x128xf32, #tpu.memory_space<hbm>> -> memref<10000x128xf32, #tpu.memory_space<hbm>>
    tpu.enqueue_indirect_dma source(%dma_start3A_11 : memref<10000x128xf32, #tpu.memory_space<hbm>>) target(%arg11 : memref<50x128xf32, #tpu.memory_space<vmem>>) offsets(%dma_start3A_8 : memref<50xi32, #tpu.memory_space<vmem>>) semaphore(%arg15 : memref<!tpu.dma_semaphore, #tpu.memory_space<semaphore_mem>>)
    %dma_start3A_12 = arith.constant 0 : i32
    %dma_start3A_13 = arith.constant 0 : i32
    %dma_start3A_14 = tpu.memref_slice %arg4[%add3A, %dma_start3A_12, %dma_start3A_13] : memref<32x200x50xi32, #tpu.memory_space<hbm>> -> memref<1x1x50xi32, #tpu.memory_space<hbm>>
    %dma_start3A_15 = tpu.memref_squeeze %dma_start3A_14 : memref<1x1x50xi32, #tpu.memory_space<hbm>> -> memref<50xi32, #tpu.memory_space<hbm>>
    %dma_start3A_16 = arith.constant 0 : i32
    %dma_start3A_17 = tpu.memref_slice %arg4[%add3A, %dma_start3A_12, %dma_start3A_16] : memref<32x200x50xi32, #tpu.memory_space<hbm>> -> memref<1x1x50xi32, #tpu.memory_space<hbm>>
    %dma_start3A_18 = tpu.memref_squeeze %dma_start3A_17 : memref<1x1x50xi32, #tpu.memory_space<hbm>> -> memref<50xi32, #tpu.memory_space<hbm>>
    tpu.enqueue_dma source(%dma_start3A_18 : memref<50xi32, #tpu.memory_space<hbm>>) target(%arg8 : memref<50xi32, #tpu.memory_space<vmem>>) target_semaphore(%arg18 : memref<!tpu.dma_semaphore, #tpu.memory_space<semaphore_mem>>)
    %dma_start3A_19 = arith.constant 1 : i32
    %dma_start3A_20 = arith.constant 0 : i32
    %dma_start3A_21 = tpu.memref_slice %arg7[%dma_start3A_19, %dma_start3A_20] : memref<200x50xi32, #tpu.memory_space<vmem>> -> memref<1x50xi32, #tpu.memory_space<vmem>>
    %dma_start3A_22 = tpu.memref_squeeze %dma_start3A_21 : memref<1x50xi32, #tpu.memory_space<vmem>> -> memref<50xi32, #tpu.memory_space<vmem>>
    %dma_start3A_23 = arith.constant 0 : i32
    %dma_start3A_24 = arith.constant 0 : i32
    %dma_start3A_25 = tpu.memref_slice %arg2[%dma_start3A_23, %dma_start3A_24] : memref<10000x128xf32, #tpu.memory_space<hbm>> -> memref<10000x128xf32, #tpu.memory_space<hbm>>
    tpu.enqueue_indirect_dma source(%dma_start3A_25 : memref<10000x128xf32, #tpu.memory_space<hbm>>) target(%arg12 : memref<50x128xf32, #tpu.memory_space<vmem>>) offsets(%dma_start3A_22 : memref<50xi32, #tpu.memory_space<vmem>>) semaphore(%arg16 : memref<!tpu.dma_semaphore, #tpu.memory_space<semaphore_mem>>)
    %dma_start3A_26 = arith.constant 1 : i32
    %dma_start3A_27 = arith.constant 0 : i32
    %dma_start3A_28 = tpu.memref_slice %arg4[%add3A, %dma_start3A_26, %dma_start3A_27] : memref<32x200x50xi32, #tpu.memory_space<hbm>> -> memref<1x1x50xi32, #tpu.memory_space<hbm>>
    %dma_start3A_29 = tpu.memref_squeeze %dma_start3A_28 : memref<1x1x50xi32, #tpu.memory_space<hbm>> -> memref<50xi32, #tpu.memory_space<hbm>>
    %dma_start3A_30 = arith.constant 0 : i32
    %dma_start3A_31 = tpu.memref_slice %arg4[%add3A, %dma_start3A_26, %dma_start3A_30] : memref<32x200x50xi32, #tpu.memory_space<hbm>> -> memref<1x1x50xi32, #tpu.memory_space<hbm>>
    %dma_start3A_32 = tpu.memref_squeeze %dma_start3A_31 : memref<1x1x50xi32, #tpu.memory_space<hbm>> -> memref<50xi32, #tpu.memory_space<hbm>>
    tpu.enqueue_dma source(%dma_start3A_32 : memref<50xi32, #tpu.memory_space<hbm>>) target(%arg9 : memref<50xi32, #tpu.memory_space<vmem>>) target_semaphore(%arg19 : memref<!tpu.dma_semaphore, #tpu.memory_space<semaphore_mem>>)
    %dma_start3A_33 = arith.constant 2 : i32
    %dma_start3A_34 = arith.constant 0 : i32
    %dma_start3A_35 = tpu.memref_slice %arg7[%dma_start3A_33, %dma_start3A_34] : memref<200x50xi32, #tpu.memory_space<vmem>> -> memref<1x50xi32, #tpu.memory_space<vmem>>
    %dma_start3A_36 = tpu.memref_squeeze %dma_start3A_35 : memref<1x50xi32, #tpu.memory_space<vmem>> -> memref<50xi32, #tpu.memory_space<vmem>>
    %dma_start3A_37 = arith.constant 0 : i32
    %dma_start3A_38 = arith.constant 0 : i32
    %dma_start3A_39 = tpu.memref_slice %arg2[%dma_start3A_37, %dma_start3A_38] : memref<10000x128xf32, #tpu.memory_space<hbm>> -> memref<10000x128xf32, #tpu.memory_space<hbm>>
    tpu.enqueue_indirect_dma source(%dma_start3A_39 : memref<10000x128xf32, #tpu.memory_space<hbm>>) target(%arg13 : memref<50x128xf32, #tpu.memory_space<vmem>>) offsets(%dma_start3A_36 : memref<50xi32, #tpu.memory_space<vmem>>) semaphore(%arg17 : memref<!tpu.dma_semaphore, #tpu.memory_space<semaphore_mem>>)
    %dma_start3A_40 = arith.constant 2 : i32
    %dma_start3A_41 = arith.constant 0 : i32
    %dma_start3A_42 = tpu.memref_slice %arg4[%add3A, %dma_start3A_40, %dma_start3A_41] : memref<32x200x50xi32, #tpu.memory_space<hbm>> -> memref<1x1x50xi32, #tpu.memory_space<hbm>>
    %dma_start3A_43 = tpu.memref_squeeze %dma_start3A_42 : memref<1x1x50xi32, #tpu.memory_space<hbm>> -> memref<50xi32, #tpu.memory_space<hbm>>
    %dma_start3A_44 = arith.constant 0 : i32
    %dma_start3A_45 = tpu.memref_slice %arg4[%add3A, %dma_start3A_40, %dma_start3A_44] : memref<32x200x50xi32, #tpu.memory_space<hbm>> -> memref<1x1x50xi32, #tpu.memory_space<hbm>>
    %dma_start3A_46 = tpu.memref_squeeze %dma_start3A_45 : memref<1x1x50xi32, #tpu.memory_space<hbm>> -> memref<50xi32, #tpu.memory_space<hbm>>
    tpu.enqueue_dma source(%dma_start3A_46 : memref<50xi32, #tpu.memory_space<hbm>>) target(%arg10 : memref<50xi32, #tpu.memory_space<vmem>>) target_semaphore(%arg20 : memref<!tpu.dma_semaphore, #tpu.memory_space<semaphore_mem>>)
    %scan3A_47 = arith.constant 0 : i32
    %scan3A_48 = arith.constant 0 : i32
    %scan3A_49 = arith.constant 66 : i32
    %scan3A_50 = arith.addi %scan3A_48, %scan3A_49 : i32
    %scan3A_51 = arith.constant 1 : i32
    scf.for %scan3A_87 = %scan3A_48 to %scan3A_50 step %scan3A_51  : i32 {
      %mul3A_88 = arith.constant 3 : i32
      %mul3A_89 = arith.muli %scan3A_87, %mul3A_88 : i32
      %add3A_90 = arith.constant 0 : i32
      %add3A_91 = arith.addi %mul3A_89, %add3A_90 : i32
      %dma_wait3A_92 = arith.constant 0 : i32
      %dma_wait3A_93 = tpu.memref_slice %arg4[%add3A, %add3A_91, %dma_wait3A_92] : memref<32x200x50xi32, #tpu.memory_space<hbm>> -> memref<1x1x50xi32, #tpu.memory_space<hbm>>
      %dma_wait3A_94 = tpu.memref_squeeze %dma_wait3A_93 : memref<1x1x50xi32, #tpu.memory_space<hbm>> -> memref<50xi32, #tpu.memory_space<hbm>>
      %dma_wait3A_95 = arith.constant 0 : i32
      %dma_wait3A_96 = tpu.memref_slice %arg4[%add3A, %add3A_91, %dma_wait3A_95] : memref<32x200x50xi32, #tpu.memory_space<hbm>> -> memref<1x1x50xi32, #tpu.memory_space<hbm>>
      %dma_wait3A_97 = tpu.memref_squeeze %dma_wait3A_96 : memref<1x1x50xi32, #tpu.memory_space<hbm>> -> memref<50xi32, #tpu.memory_space<hbm>>
      tpu.wait_dma2 semaphore(%arg18 : memref<!tpu.dma_semaphore, #tpu.memory_space<semaphore_mem>>) src(%dma_wait3A_97 : memref<50xi32, #tpu.memory_space<hbm>>) dst(%arg8 : memref<50xi32, #tpu.memory_space<vmem>>)
      %dma_wait3A_98 = arith.constant 0 : i32
      %dma_wait3A_99 = tpu.memref_slice %arg7[%add3A_91, %dma_wait3A_98] : memref<200x50xi32, #tpu.memory_space<vmem>> -> memref<1x50xi32, #tpu.memory_space<vmem>>
      %dma_wait3A_100 = tpu.memref_squeeze %dma_wait3A_99 : memref<1x50xi32, #tpu.memory_space<vmem>> -> memref<50xi32, #tpu.memory_space<vmem>>
      %dma_wait3A_101 = arith.constant 0 : i32
      %dma_wait3A_102 = arith.constant 0 : i32
      %dma_wait3A_103 = tpu.memref_slice %arg2[%dma_wait3A_101, %dma_wait3A_102] : memref<10000x128xf32, #tpu.memory_space<hbm>> -> memref<10000x128xf32, #tpu.memory_space<hbm>>
      tpu.wait_indirect_dma semaphore(%arg15 : memref<!tpu.dma_semaphore, #tpu.memory_space<semaphore_mem>>) src(%dma_wait3A_103 : memref<10000x128xf32, #tpu.memory_space<hbm>>) dst(%arg11 : memref<50x128xf32, #tpu.memory_space<vmem>>)
      "tpu.region"() ({
        %run_scoped3A = tpu.sem_alloc : memref<!tpu.dma_semaphore, #tpu.memory_space<semaphore_mem>>
        %dma_start3A_150 = arith.constant 0 : i32
        %dma_start3A_151 = arith.constant 0 : i32
        %dma_start3A_152 = tpu.memref_slice %arg14[%dma_start3A_150, %dma_start3A_151] : memref<10240x128xf32, #tpu.memory_space<vmem_shared>> -> memref<10240x128xf32, #tpu.memory_space<vmem_shared>>
        tpu.enqueue_indirect_dma source(%arg11 : memref<50x128xf32, #tpu.memory_space<vmem>>) target(%dma_start3A_152 : memref<10240x128xf32, #tpu.memory_space<vmem_shared>>) offsets(%arg8 : memref<50xi32, #tpu.memory_space<vmem>>) semaphore(%run_scoped3A : memref<!tpu.dma_semaphore, #tpu.memory_space<semaphore_mem>>) {add = true}
        %dma_wait3A_153 = arith.constant 0 : i32
        %dma_wait3A_154 = arith.constant 0 : i32
        %dma_wait3A_155 = tpu.memref_slice %arg14[%dma_wait3A_153, %dma_wait3A_154] : memref<10240x128xf32, #tpu.memory_space<vmem_shared>> -> memref<10240x128xf32, #tpu.memory_space<vmem_shared>>
        tpu.wait_indirect_dma semaphore(%run_scoped3A : memref<!tpu.dma_semaphore, #tpu.memory_space<semaphore_mem>>) src(%arg11 : memref<50x128xf32, #tpu.memory_space<vmem>>) dst(%dma_wait3A_155 : memref<10240x128xf32, #tpu.memory_space<vmem_shared>>)
        tpu.yield
      }) : () -> ()
      %add3A_104 = arith.constant 3 : i32
      %add3A_105 = arith.addi %add3A_91, %add3A_104 : i32
      %lt3A = arith.constant 200 : i32
      %lt3A_106 = arith.cmpi slt, %add3A_105, %lt3A : i32
      %convert_element_type3A = arith.extui %lt3A_106 : i1 to i32
      %cond3A = arith.constant 0 : i32
      %cond3A_107 = arith.cmpi ne, %convert_element_type3A, %cond3A : i32
      scf.if %cond3A_107 {
        %add3A_150 = arith.constant 3 : i32
        %add3A_151 = arith.addi %add3A_91, %add3A_150 : i32
        %dma_start3A_152 = arith.constant 0 : i32
        %dma_start3A_153 = tpu.memref_slice %arg7[%add3A_151, %dma_start3A_152] : memref<200x50xi32, #tpu.memory_space<vmem>> -> memref<1x50xi32, #tpu.memory_space<vmem>>
        %dma_start3A_154 = tpu.memref_squeeze %dma_start3A_153 : memref<1x50xi32, #tpu.memory_space<vmem>> -> memref<50xi32, #tpu.memory_space<vmem>>
        %dma_start3A_155 = arith.constant 0 : i32
        %dma_start3A_156 = arith.constant 0 : i32
        %dma_start3A_157 = tpu.memref_slice %arg2[%dma_start3A_155, %dma_start3A_156] : memref<10000x128xf32, #tpu.memory_space<hbm>> -> memref<10000x128xf32, #tpu.memory_space<hbm>>
        tpu.enqueue_indirect_dma source(%dma_start3A_157 : memref<10000x128xf32, #tpu.memory_space<hbm>>) target(%arg11 : memref<50x128xf32, #tpu.memory_space<vmem>>) offsets(%dma_start3A_154 : memref<50xi32, #tpu.memory_space<vmem>>) semaphore(%arg15 : memref<!tpu.dma_semaphore, #tpu.memory_space<semaphore_mem>>)
        %add3A_158 = arith.constant 3 : i32
        %add3A_159 = arith.addi %add3A_91, %add3A_158 : i32
        %dma_start3A_160 = arith.constant 0 : i32
        %dma_start3A_161 = tpu.memref_slice %arg4[%add3A, %add3A_159, %dma_start3A_160] : memref<32x200x50xi32, #tpu.memory_space<hbm>> -> memref<1x1x50xi32, #tpu.memory_space<hbm>>
        %dma_start3A_162 = tpu.memref_squeeze %dma_start3A_161 : memref<1x1x50xi32, #tpu.memory_space<hbm>> -> memref<50xi32, #tpu.memory_space<hbm>>
        %dma_start3A_163 = arith.constant 0 : i32
        %dma_start3A_164 = tpu.memref_slice %arg4[%add3A, %add3A_159, %dma_start3A_163] : memref<32x200x50xi32, #tpu.memory_space<hbm>> -> memref<1x1x50xi32, #tpu.memory_space<hbm>>
        %dma_start3A_165 = tpu.memref_squeeze %dma_start3A_164 : memref<1x1x50xi32, #tpu.memory_space<hbm>> -> memref<50xi32, #tpu.memory_space<hbm>>
        tpu.enqueue_dma source(%dma_start3A_165 : memref<50xi32, #tpu.memory_space<hbm>>) target(%arg8 : memref<50xi32, #tpu.memory_space<vmem>>) target_semaphore(%arg18 : memref<!tpu.dma_semaphore, #tpu.memory_space<semaphore_mem>>)
      } else {
      }
      %add3A_108 = arith.constant 1 : i32
      %add3A_109 = arith.addi %mul3A_89, %add3A_108 : i32
      %dma_wait3A_110 = arith.constant 0 : i32
      %dma_wait3A_111 = tpu.memref_slice %arg4[%add3A, %add3A_109, %dma_wait3A_110] : memref<32x200x50xi32, #tpu.memory_space<hbm>> -> memref<1x1x50xi32, #tpu.memory_space<hbm>>
      %dma_wait3A_112 = tpu.memref_squeeze %dma_wait3A_111 : memref<1x1x50xi32, #tpu.memory_space<hbm>> -> memref<50xi32, #tpu.memory_space<hbm>>
      %dma_wait3A_113 = arith.constant 0 : i32
      %dma_wait3A_114 = tpu.memref_slice %arg4[%add3A, %add3A_109, %dma_wait3A_113] : memref<32x200x50xi32, #tpu.memory_space<hbm>> -> memref<1x1x50xi32, #tpu.memory_space<hbm>>
      %dma_wait3A_115 = tpu.memref_squeeze %dma_wait3A_114 : memref<1x1x50xi32, #tpu.memory_space<hbm>> -> memref<50xi32, #tpu.memory_space<hbm>>
      tpu.wait_dma2 semaphore(%arg19 : memref<!tpu.dma_semaphore, #tpu.memory_space<semaphore_mem>>) src(%dma_wait3A_115 : memref<50xi32, #tpu.memory_space<hbm>>) dst(%arg9 : memref<50xi32, #tpu.memory_space<vmem>>)
      %dma_wait3A_116 = arith.constant 0 : i32
      %dma_wait3A_117 = tpu.memref_slice %arg7[%add3A_109, %dma_wait3A_116] : memref<200x50xi32, #tpu.memory_space<vmem>> -> memref<1x50xi32, #tpu.memory_space<vmem>>
      %dma_wait3A_118 = tpu.memref_squeeze %dma_wait3A_117 : memref<1x50xi32, #tpu.memory_space<vmem>> -> memref<50xi32, #tpu.memory_space<vmem>>
      %dma_wait3A_119 = arith.constant 0 : i32
      %dma_wait3A_120 = arith.constant 0 : i32
      %dma_wait3A_121 = tpu.memref_slice %arg2[%dma_wait3A_119, %dma_wait3A_120] : memref<10000x128xf32, #tpu.memory_space<hbm>> -> memref<10000x128xf32, #tpu.memory_space<hbm>>
      tpu.wait_indirect_dma semaphore(%arg16 : memref<!tpu.dma_semaphore, #tpu.memory_space<semaphore_mem>>) src(%dma_wait3A_121 : memref<10000x128xf32, #tpu.memory_space<hbm>>) dst(%arg12 : memref<50x128xf32, #tpu.memory_space<vmem>>)
      "tpu.region"() ({
        %run_scoped3A = tpu.sem_alloc : memref<!tpu.dma_semaphore, #tpu.memory_space<semaphore_mem>>
        %dma_start3A_150 = arith.constant 0 : i32
        %dma_start3A_151 = arith.constant 0 : i32
        %dma_start3A_152 = tpu.memref_slice %arg14[%dma_start3A_150, %dma_start3A_151] : memref<10240x128xf32, #tpu.memory_space<vmem_shared>> -> memref<10240x128xf32, #tpu.memory_space<vmem_shared>>
        tpu.enqueue_indirect_dma source(%arg12 : memref<50x128xf32, #tpu.memory_space<vmem>>) target(%dma_start3A_152 : memref<10240x128xf32, #tpu.memory_space<vmem_shared>>) offsets(%arg9 : memref<50xi32, #tpu.memory_space<vmem>>) semaphore(%run_scoped3A : memref<!tpu.dma_semaphore, #tpu.memory_space<semaphore_mem>>) {add = true}
        %dma_wait3A_153 = arith.constant 0 : i32
        %dma_wait3A_154 = arith.constant 0 : i32
        %dma_wait3A_155 = tpu.memref_slice %arg14[%dma_wait3A_153, %dma_wait3A_154] : memref<10240x128xf32, #tpu.memory_space<vmem_shared>> -> memref<10240x128xf32, #tpu.memory_space<vmem_shared>>
        tpu.wait_indirect_dma semaphore(%run_scoped3A : memref<!tpu.dma_semaphore, #tpu.memory_space<semaphore_mem>>) src(%arg12 : memref<50x128xf32, #tpu.memory_space<vmem>>) dst(%dma_wait3A_155 : memref<10240x128xf32, #tpu.memory_space<vmem_shared>>)
        tpu.yield
      }) : () -> ()
      %add3A_122 = arith.constant 3 : i32
      %add3A_123 = arith.addi %add3A_109, %add3A_122 : i32
      %lt3A_124 = arith.constant 200 : i32
      %lt3A_125 = arith.cmpi slt, %add3A_123, %lt3A_124 : i32
      %convert_element_type3A_126 = arith.extui %lt3A_125 : i1 to i32
      %cond3A_127 = arith.constant 0 : i32
      %cond3A_128 = arith.cmpi ne, %convert_element_type3A_126, %cond3A_127 : i32
      scf.if %cond3A_128 {
        %add3A_150 = arith.constant 3 : i32
        %add3A_151 = arith.addi %add3A_109, %add3A_150 : i32
        %dma_start3A_152 = arith.constant 0 : i32
        %dma_start3A_153 = tpu.memref_slice %arg7[%add3A_151, %dma_start3A_152] : memref<200x50xi32, #tpu.memory_space<vmem>> -> memref<1x50xi32, #tpu.memory_space<vmem>>
        %dma_start3A_154 = tpu.memref_squeeze %dma_start3A_153 : memref<1x50xi32, #tpu.memory_space<vmem>> -> memref<50xi32, #tpu.memory_space<vmem>>
        %dma_start3A_155 = arith.constant 0 : i32
        %dma_start3A_156 = arith.constant 0 : i32
        %dma_start3A_157 = tpu.memref_slice %arg2[%dma_start3A_155, %dma_start3A_156] : memref<10000x128xf32, #tpu.memory_space<hbm>> -> memref<10000x128xf32, #tpu.memory_space<hbm>>
        tpu.enqueue_indirect_dma source(%dma_start3A_157 : memref<10000x128xf32, #tpu.memory_space<hbm>>) target(%arg12 : memref<50x128xf32, #tpu.memory_space<vmem>>) offsets(%dma_start3A_154 : memref<50xi32, #tpu.memory_space<vmem>>) semaphore(%arg16 : memref<!tpu.dma_semaphore, #tpu.memory_space<semaphore_mem>>)
        %add3A_158 = arith.constant 3 : i32
        %add3A_159 = arith.addi %add3A_109, %add3A_158 : i32
        %dma_start3A_160 = arith.constant 0 : i32
        %dma_start3A_161 = tpu.memref_slice %arg4[%add3A, %add3A_159, %dma_start3A_160] : memref<32x200x50xi32, #tpu.memory_space<hbm>> -> memref<1x1x50xi32, #tpu.memory_space<hbm>>
        %dma_start3A_162 = tpu.memref_squeeze %dma_start3A_161 : memref<1x1x50xi32, #tpu.memory_space<hbm>> -> memref<50xi32, #tpu.memory_space<hbm>>
        %dma_start3A_163 = arith.constant 0 : i32
        %dma_start3A_164 = tpu.memref_slice %arg4[%add3A, %add3A_159, %dma_start3A_163] : memref<32x200x50xi32, #tpu.memory_space<hbm>> -> memref<1x1x50xi32, #tpu.memory_space<hbm>>
        %dma_start3A_165 = tpu.memref_squeeze %dma_start3A_164 : memref<1x1x50xi32, #tpu.memory_space<hbm>> -> memref<50xi32, #tpu.memory_space<hbm>>
        tpu.enqueue_dma source(%dma_start3A_165 : memref<50xi32, #tpu.memory_space<hbm>>) target(%arg9 : memref<50xi32, #tpu.memory_space<vmem>>) target_semaphore(%arg19 : memref<!tpu.dma_semaphore, #tpu.memory_space<semaphore_mem>>)
      } else {
      }
      %add3A_129 = arith.constant 2 : i32
      %add3A_130 = arith.addi %mul3A_89, %add3A_129 : i32
      %dma_wait3A_131 = arith.constant 0 : i32
      %dma_wait3A_132 = tpu.memref_slice %arg4[%add3A, %add3A_130, %dma_wait3A_131] : memref<32x200x50xi32, #tpu.memory_space<hbm>> -> memref<1x1x50xi32, #tpu.memory_space<hbm>>
      %dma_wait3A_133 = tpu.memref_squeeze %dma_wait3A_132 : memref<1x1x50xi32, #tpu.memory_space<hbm>> -> memref<50xi32, #tpu.memory_space<hbm>>
      %dma_wait3A_134 = arith.constant 0 : i32
      %dma_wait3A_135 = tpu.memref_slice %arg4[%add3A, %add3A_130, %dma_wait3A_134] : memref<32x200x50xi32, #tpu.memory_space<hbm>> -> memref<1x1x50xi32, #tpu.memory_space<hbm>>
      %dma_wait3A_136 = tpu.memref_squeeze %dma_wait3A_135 : memref<1x1x50xi32, #tpu.memory_space<hbm>> -> memref<50xi32, #tpu.memory_space<hbm>>
      tpu.wait_dma2 semaphore(%arg20 : memref<!tpu.dma_semaphore, #tpu.memory_space<semaphore_mem>>) src(%dma_wait3A_136 : memref<50xi32, #tpu.memory_space<hbm>>) dst(%arg10 : memref<50xi32, #tpu.memory_space<vmem>>)
      %dma_wait3A_137 = arith.constant 0 : i32
      %dma_wait3A_138 = tpu.memref_slice %arg7[%add3A_130, %dma_wait3A_137] : memref<200x50xi32, #tpu.memory_space<vmem>> -> memref<1x50xi32, #tpu.memory_space<vmem>>
      %dma_wait3A_139 = tpu.memref_squeeze %dma_wait3A_138 : memref<1x50xi32, #tpu.memory_space<vmem>> -> memref<50xi32, #tpu.memory_space<vmem>>
      %dma_wait3A_140 = arith.constant 0 : i32
      %dma_wait3A_141 = arith.constant 0 : i32
      %dma_wait3A_142 = tpu.memref_slice %arg2[%dma_wait3A_140, %dma_wait3A_141] : memref<10000x128xf32, #tpu.memory_space<hbm>> -> memref<10000x128xf32, #tpu.memory_space<hbm>>
      tpu.wait_indirect_dma semaphore(%arg17 : memref<!tpu.dma_semaphore, #tpu.memory_space<semaphore_mem>>) src(%dma_wait3A_142 : memref<10000x128xf32, #tpu.memory_space<hbm>>) dst(%arg13 : memref<50x128xf32, #tpu.memory_space<vmem>>)
      "tpu.region"() ({
        %run_scoped3A = tpu.sem_alloc : memref<!tpu.dma_semaphore, #tpu.memory_space<semaphore_mem>>
        %dma_start3A_150 = arith.constant 0 : i32
        %dma_start3A_151 = arith.constant 0 : i32
        %dma_start3A_152 = tpu.memref_slice %arg14[%dma_start3A_150, %dma_start3A_151] : memref<10240x128xf32, #tpu.memory_space<vmem_shared>> -> memref<10240x128xf32, #tpu.memory_space<vmem_shared>>
        tpu.enqueue_indirect_dma source(%arg13 : memref<50x128xf32, #tpu.memory_space<vmem>>) target(%dma_start3A_152 : memref<10240x128xf32, #tpu.memory_space<vmem_shared>>) offsets(%arg10 : memref<50xi32, #tpu.memory_space<vmem>>) semaphore(%run_scoped3A : memref<!tpu.dma_semaphore, #tpu.memory_space<semaphore_mem>>) {add = true}
        %dma_wait3A_153 = arith.constant 0 : i32
        %dma_wait3A_154 = arith.constant 0 : i32
        %dma_wait3A_155 = tpu.memref_slice %arg14[%dma_wait3A_153, %dma_wait3A_154] : memref<10240x128xf32, #tpu.memory_space<vmem_shared>> -> memref<10240x128xf32, #tpu.memory_space<vmem_shared>>
        tpu.wait_indirect_dma semaphore(%run_scoped3A : memref<!tpu.dma_semaphore, #tpu.memory_space<semaphore_mem>>) src(%arg13 : memref<50x128xf32, #tpu.memory_space<vmem>>) dst(%dma_wait3A_155 : memref<10240x128xf32, #tpu.memory_space<vmem_shared>>)
        tpu.yield
      }) : () -> ()
      %add3A_143 = arith.constant 3 : i32
      %add3A_144 = arith.addi %add3A_130, %add3A_143 : i32
      %lt3A_145 = arith.constant 200 : i32
      %lt3A_146 = arith.cmpi slt, %add3A_144, %lt3A_145 : i32
      %convert_element_type3A_147 = arith.extui %lt3A_146 : i1 to i32
      %cond3A_148 = arith.constant 0 : i32
      %cond3A_149 = arith.cmpi ne, %convert_element_type3A_147, %cond3A_148 : i32
      scf.if %cond3A_149 {
        %add3A_150 = arith.constant 3 : i32
        %add3A_151 = arith.addi %add3A_130, %add3A_150 : i32
        %dma_start3A_152 = arith.constant 0 : i32
        %dma_start3A_153 = tpu.memref_slice %arg7[%add3A_151, %dma_start3A_152] : memref<200x50xi32, #tpu.memory_space<vmem>> -> memref<1x50xi32, #tpu.memory_space<vmem>>
        %dma_start3A_154 = tpu.memref_squeeze %dma_start3A_153 : memref<1x50xi32, #tpu.memory_space<vmem>> -> memref<50xi32, #tpu.memory_space<vmem>>
        %dma_start3A_155 = arith.constant 0 : i32
        %dma_start3A_156 = arith.constant 0 : i32
        %dma_start3A_157 = tpu.memref_slice %arg2[%dma_start3A_155, %dma_start3A_156] : memref<10000x128xf32, #tpu.memory_space<hbm>> -> memref<10000x128xf32, #tpu.memory_space<hbm>>
        tpu.enqueue_indirect_dma source(%dma_start3A_157 : memref<10000x128xf32, #tpu.memory_space<hbm>>) target(%arg13 : memref<50x128xf32, #tpu.memory_space<vmem>>) offsets(%dma_start3A_154 : memref<50xi32, #tpu.memory_space<vmem>>) semaphore(%arg17 : memref<!tpu.dma_semaphore, #tpu.memory_space<semaphore_mem>>)
        %add3A_158 = arith.constant 3 : i32
        %add3A_159 = arith.addi %add3A_130, %add3A_158 : i32
        %dma_start3A_160 = arith.constant 0 : i32
        %dma_start3A_161 = tpu.memref_slice %arg4[%add3A, %add3A_159, %dma_start3A_160] : memref<32x200x50xi32, #tpu.memory_space<hbm>> -> memref<1x1x50xi32, #tpu.memory_space<hbm>>
        %dma_start3A_162 = tpu.memref_squeeze %dma_start3A_161 : memref<1x1x50xi32, #tpu.memory_space<hbm>> -> memref<50xi32, #tpu.memory_space<hbm>>
        %dma_start3A_163 = arith.constant 0 : i32
        %dma_start3A_164 = tpu.memref_slice %arg4[%add3A, %add3A_159, %dma_start3A_163] : memref<32x200x50xi32, #tpu.memory_space<hbm>> -> memref<1x1x50xi32, #tpu.memory_space<hbm>>
        %dma_start3A_165 = tpu.memref_squeeze %dma_start3A_164 : memref<1x1x50xi32, #tpu.memory_space<hbm>> -> memref<50xi32, #tpu.memory_space<hbm>>
        tpu.enqueue_dma source(%dma_start3A_165 : memref<50xi32, #tpu.memory_space<hbm>>) target(%arg10 : memref<50xi32, #tpu.memory_space<vmem>>) target_semaphore(%arg20 : memref<!tpu.dma_semaphore, #tpu.memory_space<semaphore_mem>>)
      } else {
      }
    }
    %scan3A_52 = arith.constant 66 : i32
    %dma_wait3A = arith.constant 198 : i32
    %dma_wait3A_53 = arith.constant 0 : i32
    %dma_wait3A_54 = tpu.memref_slice %arg4[%add3A, %dma_wait3A, %dma_wait3A_53] : memref<32x200x50xi32, #tpu.memory_space<hbm>> -> memref<1x1x50xi32, #tpu.memory_space<hbm>>
    %dma_wait3A_55 = tpu.memref_squeeze %dma_wait3A_54 : memref<1x1x50xi32, #tpu.memory_space<hbm>> -> memref<50xi32, #tpu.memory_space<hbm>>
    %dma_wait3A_56 = arith.constant 0 : i32
    %dma_wait3A_57 = tpu.memref_slice %arg4[%add3A, %dma_wait3A, %dma_wait3A_56] : memref<32x200x50xi32, #tpu.memory_space<hbm>> -> memref<1x1x50xi32, #tpu.memory_space<hbm>>
    %dma_wait3A_58 = tpu.memref_squeeze %dma_wait3A_57 : memref<1x1x50xi32, #tpu.memory_space<hbm>> -> memref<50xi32, #tpu.memory_space<hbm>>
    tpu.wait_dma2 semaphore(%arg18 : memref<!tpu.dma_semaphore, #tpu.memory_space<semaphore_mem>>) src(%dma_wait3A_58 : memref<50xi32, #tpu.memory_space<hbm>>) dst(%arg8 : memref<50xi32, #tpu.memory_space<vmem>>)
    %dma_wait3A_59 = arith.constant 198 : i32
    %dma_wait3A_60 = arith.constant 0 : i32
    %dma_wait3A_61 = tpu.memref_slice %arg7[%dma_wait3A_59, %dma_wait3A_60] : memref<200x50xi32, #tpu.memory_space<vmem>> -> memref<1x50xi32, #tpu.memory_space<vmem>>
    %dma_wait3A_62 = tpu.memref_squeeze %dma_wait3A_61 : memref<1x50xi32, #tpu.memory_space<vmem>> -> memref<50xi32, #tpu.memory_space<vmem>>
    %dma_wait3A_63 = arith.constant 0 : i32
    %dma_wait3A_64 = arith.constant 0 : i32
    %dma_wait3A_65 = tpu.memref_slice %arg2[%dma_wait3A_63, %dma_wait3A_64] : memref<10000x128xf32, #tpu.memory_space<hbm>> -> memref<10000x128xf32, #tpu.memory_space<hbm>>
    tpu.wait_indirect_dma semaphore(%arg15 : memref<!tpu.dma_semaphore, #tpu.memory_space<semaphore_mem>>) src(%dma_wait3A_65 : memref<10000x128xf32, #tpu.memory_space<hbm>>) dst(%arg11 : memref<50x128xf32, #tpu.memory_space<vmem>>)
    "tpu.region"() ({
      %run_scoped3A = tpu.sem_alloc : memref<!tpu.dma_semaphore, #tpu.memory_space<semaphore_mem>>
      %dma_start3A_87 = arith.constant 0 : i32
      %dma_start3A_88 = arith.constant 0 : i32
      %dma_start3A_89 = tpu.memref_slice %arg14[%dma_start3A_87, %dma_start3A_88] : memref<10240x128xf32, #tpu.memory_space<vmem_shared>> -> memref<10240x128xf32, #tpu.memory_space<vmem_shared>>
      tpu.enqueue_indirect_dma source(%arg11 : memref<50x128xf32, #tpu.memory_space<vmem>>) target(%dma_start3A_89 : memref<10240x128xf32, #tpu.memory_space<vmem_shared>>) offsets(%arg8 : memref<50xi32, #tpu.memory_space<vmem>>) semaphore(%run_scoped3A : memref<!tpu.dma_semaphore, #tpu.memory_space<semaphore_mem>>) {add = true}
      %dma_wait3A_90 = arith.constant 0 : i32
      %dma_wait3A_91 = arith.constant 0 : i32
      %dma_wait3A_92 = tpu.memref_slice %arg14[%dma_wait3A_90, %dma_wait3A_91] : memref<10240x128xf32, #tpu.memory_space<vmem_shared>> -> memref<10240x128xf32, #tpu.memory_space<vmem_shared>>
      tpu.wait_indirect_dma semaphore(%run_scoped3A : memref<!tpu.dma_semaphore, #tpu.memory_space<semaphore_mem>>) src(%arg11 : memref<50x128xf32, #tpu.memory_space<vmem>>) dst(%dma_wait3A_92 : memref<10240x128xf32, #tpu.memory_space<vmem_shared>>)
      tpu.yield
    }) : () -> ()
    %dma_wait3A_66 = arith.constant 199 : i32
    %dma_wait3A_67 = arith.constant 0 : i32
    %dma_wait3A_68 = tpu.memref_slice %arg4[%add3A, %dma_wait3A_66, %dma_wait3A_67] : memref<32x200x50xi32, #tpu.memory_space<hbm>> -> memref<1x1x50xi32, #tpu.memory_space<hbm>>
    %dma_wait3A_69 = tpu.memref_squeeze %dma_wait3A_68 : memref<1x1x50xi32, #tpu.memory_space<hbm>> -> memref<50xi32, #tpu.memory_space<hbm>>
    %dma_wait3A_70 = arith.constant 0 : i32
    %dma_wait3A_71 = tpu.memref_slice %arg4[%add3A, %dma_wait3A_66, %dma_wait3A_70] : memref<32x200x50xi32, #tpu.memory_space<hbm>> -> memref<1x1x50xi32, #tpu.memory_space<hbm>>
    %dma_wait3A_72 = tpu.memref_squeeze %dma_wait3A_71 : memref<1x1x50xi32, #tpu.memory_space<hbm>> -> memref<50xi32, #tpu.memory_space<hbm>>
    tpu.wait_dma2 semaphore(%arg19 : memref<!tpu.dma_semaphore, #tpu.memory_space<semaphore_mem>>) src(%dma_wait3A_72 : memref<50xi32, #tpu.memory_space<hbm>>) dst(%arg9 : memref<50xi32, #tpu.memory_space<vmem>>)
    %dma_wait3A_73 = arith.constant 199 : i32
    %dma_wait3A_74 = arith.constant 0 : i32
    %dma_wait3A_75 = tpu.memref_slice %arg7[%dma_wait3A_73, %dma_wait3A_74] : memref<200x50xi32, #tpu.memory_space<vmem>> -> memref<1x50xi32, #tpu.memory_space<vmem>>
    %dma_wait3A_76 = tpu.memref_squeeze %dma_wait3A_75 : memref<1x50xi32, #tpu.memory_space<vmem>> -> memref<50xi32, #tpu.memory_space<vmem>>
    %dma_wait3A_77 = arith.constant 0 : i32
    %dma_wait3A_78 = arith.constant 0 : i32
    %dma_wait3A_79 = tpu.memref_slice %arg2[%dma_wait3A_77, %dma_wait3A_78] : memref<10000x128xf32, #tpu.memory_space<hbm>> -> memref<10000x128xf32, #tpu.memory_space<hbm>>
    tpu.wait_indirect_dma semaphore(%arg16 : memref<!tpu.dma_semaphore, #tpu.memory_space<semaphore_mem>>) src(%dma_wait3A_79 : memref<10000x128xf32, #tpu.memory_space<hbm>>) dst(%arg12 : memref<50x128xf32, #tpu.memory_space<vmem>>)
    "tpu.region"() ({
      %run_scoped3A = tpu.sem_alloc : memref<!tpu.dma_semaphore, #tpu.memory_space<semaphore_mem>>
      %dma_start3A_87 = arith.constant 0 : i32
      %dma_start3A_88 = arith.constant 0 : i32
      %dma_start3A_89 = tpu.memref_slice %arg14[%dma_start3A_87, %dma_start3A_88] : memref<10240x128xf32, #tpu.memory_space<vmem_shared>> -> memref<10240x128xf32, #tpu.memory_space<vmem_shared>>
      tpu.enqueue_indirect_dma source(%arg12 : memref<50x128xf32, #tpu.memory_space<vmem>>) target(%dma_start3A_89 : memref<10240x128xf32, #tpu.memory_space<vmem_shared>>) offsets(%arg9 : memref<50xi32, #tpu.memory_space<vmem>>) semaphore(%run_scoped3A : memref<!tpu.dma_semaphore, #tpu.memory_space<semaphore_mem>>) {add = true}
      %dma_wait3A_90 = arith.constant 0 : i32
      %dma_wait3A_91 = arith.constant 0 : i32
      %dma_wait3A_92 = tpu.memref_slice %arg14[%dma_wait3A_90, %dma_wait3A_91] : memref<10240x128xf32, #tpu.memory_space<vmem_shared>> -> memref<10240x128xf32, #tpu.memory_space<vmem_shared>>
      tpu.wait_indirect_dma semaphore(%run_scoped3A : memref<!tpu.dma_semaphore, #tpu.memory_space<semaphore_mem>>) src(%arg12 : memref<50x128xf32, #tpu.memory_space<vmem>>) dst(%dma_wait3A_92 : memref<10240x128xf32, #tpu.memory_space<vmem_shared>>)
      tpu.yield
    }) : () -> ()
    %barrier3A_80 = arith.constant 0 : index
    tpu.barrier barrier_id(%barrier3A_80)
    %scan3A_81 = arith.constant 0 : i32
    %scan3A_82 = arith.constant 0 : i32
    %scan3A_83 = arith.constant 10 : i32
    %scan3A_84 = arith.addi %scan3A_82, %scan3A_83 : i32
    %scan3A_85 = arith.constant 1 : i32
    scf.for %scan3A_87 = %scan3A_82 to %scan3A_84 step %scan3A_85  : i32 {
      %mul3A_88 = arith.constant 640 : i32
      %mul3A_89 = arith.muli %arg1, %mul3A_88 : i32
      %mul3A_90 = arith.constant 64 : i32
      %mul3A_91 = arith.muli %scan3A_87, %mul3A_90 : i32
      %add3A_92 = arith.addi %mul3A_89, %mul3A_91 : i32
      "tpu.region"() ({
        %run_scoped3A = tpu.sem_alloc : memref<!tpu.dma_semaphore, #tpu.memory_space<semaphore_mem>>
        %dma_start3A_93 = arith.constant 0 : i32
        %dma_start3A_94 = arith.constant 0 : i32
        %dma_start3A_95 = tpu.memref_slice %arg11[%dma_start3A_93, %dma_start3A_94] : memref<50x128xf32, #tpu.memory_space<vmem>> -> memref<64x128xf32, #tpu.memory_space<vmem>>
        %dma_start3A_96 = arith.constant 0 : i32
        %dma_start3A_97 = tpu.memref_slice %arg14[%add3A_92, %dma_start3A_96] : memref<10240x128xf32, #tpu.memory_space<vmem_shared>> -> memref<64x128xf32, #tpu.memory_space<vmem_shared>>
        %dma_start3A_98 = arith.constant 0 : i32
        %dma_start3A_99 = arith.constant 0 : i32
        %dma_start3A_100 = tpu.memref_slice %arg11[%dma_start3A_98, %dma_start3A_99] : memref<50x128xf32, #tpu.memory_space<vmem>> -> memref<64x128xf32, #tpu.memory_space<vmem>>
        %dma_start3A_101 = arith.constant 0 : i32
        %dma_start3A_102 = tpu.memref_slice %arg14[%add3A_92, %dma_start3A_101] : memref<10240x128xf32, #tpu.memory_space<vmem_shared>> -> memref<64x128xf32, #tpu.memory_space<vmem_shared>>
        tpu.enqueue_dma source(%dma_start3A_102 : memref<64x128xf32, #tpu.memory_space<vmem_shared>>) target(%dma_start3A_100 : memref<64x128xf32, #tpu.memory_space<vmem>>) target_semaphore(%run_scoped3A : memref<!tpu.dma_semaphore, #tpu.memory_space<semaphore_mem>>)
        %dma_wait3A_103 = arith.constant 0 : i32
        %dma_wait3A_104 = arith.constant 0 : i32
        %dma_wait3A_105 = tpu.memref_slice %arg11[%dma_wait3A_103, %dma_wait3A_104] : memref<50x128xf32, #tpu.memory_space<vmem>> -> memref<64x128xf32, #tpu.memory_space<vmem>>
        %dma_wait3A_106 = arith.constant 0 : i32
        %dma_wait3A_107 = tpu.memref_slice %arg14[%add3A_92, %dma_wait3A_106] : memref<10240x128xf32, #tpu.memory_space<vmem_shared>> -> memref<64x128xf32, #tpu.memory_space<vmem_shared>>
        %dma_wait3A_108 = arith.constant 0 : i32
        %dma_wait3A_109 = arith.constant 0 : i32
        %dma_wait3A_110 = tpu.memref_slice %arg11[%dma_wait3A_108, %dma_wait3A_109] : memref<50x128xf32, #tpu.memory_space<vmem>> -> memref<64x128xf32, #tpu.memory_space<vmem>>
        %dma_wait3A_111 = arith.constant 0 : i32
        %dma_wait3A_112 = tpu.memref_slice %arg14[%add3A_92, %dma_wait3A_111] : memref<10240x128xf32, #tpu.memory_space<vmem_shared>> -> memref<64x128xf32, #tpu.memory_space<vmem_shared>>
        tpu.wait_dma2 semaphore(%run_scoped3A : memref<!tpu.dma_semaphore, #tpu.memory_space<semaphore_mem>>) src(%dma_wait3A_112 : memref<64x128xf32, #tpu.memory_space<vmem_shared>>) dst(%dma_wait3A_110 : memref<64x128xf32, #tpu.memory_space<vmem>>)
        tpu.yield
      }) : () -> ()
      "tpu.region"() ({
        %run_scoped3A = tpu.sem_alloc : memref<!tpu.dma_semaphore, #tpu.memory_space<semaphore_mem>>
        %dma_start3A_93 = arith.constant 0 : i32
        %dma_start3A_94 = arith.constant 0 : i32
        %dma_start3A_95 = tpu.memref_slice %arg11[%dma_start3A_93, %dma_start3A_94] : memref<50x128xf32, #tpu.memory_space<vmem>> -> memref<64x128xf32, #tpu.memory_space<vmem>>
        %dma_start3A_96 = arith.constant 0 : i32
        %dma_start3A_97 = tpu.memref_slice %arg6[%arg0, %add3A_92, %dma_start3A_96] : memref<2x10240x128xf32, #tpu.memory_space<hbm>> -> memref<1x64x128xf32, #tpu.memory_space<hbm>>
        %dma_start3A_98 = tpu.memref_squeeze %dma_start3A_97 : memref<1x64x128xf32, #tpu.memory_space<hbm>> -> memref<64x128xf32, #tpu.memory_space<hbm>>
        %dma_start3A_99 = arith.constant 0 : i32
        %dma_start3A_100 = tpu.memref_slice %arg6[%arg0, %add3A_92, %dma_start3A_99] : memref<2x10240x128xf32, #tpu.memory_space<hbm>> -> memref<1x64x128xf32, #tpu.memory_space<hbm>>
        %dma_start3A_101 = tpu.memref_squeeze %dma_start3A_100 : memref<1x64x128xf32, #tpu.memory_space<hbm>> -> memref<64x128xf32, #tpu.memory_space<hbm>>
        %dma_start3A_102 = arith.constant 0 : i32
        %dma_start3A_103 = arith.constant 0 : i32
        %dma_start3A_104 = tpu.memref_slice %arg11[%dma_start3A_102, %dma_start3A_103] : memref<50x128xf32, #tpu.memory_space<vmem>> -> memref<64x128xf32, #tpu.memory_space<vmem>>
        tpu.enqueue_dma source(%dma_start3A_104 : memref<64x128xf32, #tpu.memory_space<vmem>>) target(%dma_start3A_101 : memref<64x128xf32, #tpu.memory_space<hbm>>) target_semaphore(%run_scoped3A : memref<!tpu.dma_semaphore, #tpu.memory_space<semaphore_mem>>)
        %dma_wait3A_105 = arith.constant 0 : i32
        %dma_wait3A_106 = arith.constant 0 : i32
        %dma_wait3A_107 = tpu.memref_slice %arg11[%dma_wait3A_105, %dma_wait3A_106] : memref<50x128xf32, #tpu.memory_space<vmem>> -> memref<64x128xf32, #tpu.memory_space<vmem>>
        %dma_wait3A_108 = arith.constant 0 : i32
        %dma_wait3A_109 = tpu.memref_slice %arg6[%arg0, %add3A_92, %dma_wait3A_108] : memref<2x10240x128xf32, #tpu.memory_space<hbm>> -> memref<1x64x128xf32, #tpu.memory_space<hbm>>
        %dma_wait3A_110 = tpu.memref_squeeze %dma_wait3A_109 : memref<1x64x128xf32, #tpu.memory_space<hbm>> -> memref<64x128xf32, #tpu.memory_space<hbm>>
        %dma_wait3A_111 = arith.constant 0 : i32
        %dma_wait3A_112 = tpu.memref_slice %arg6[%arg0, %add3A_92, %dma_wait3A_111] : memref<2x10240x128xf32, #tpu.memory_space<hbm>> -> memref<1x64x128xf32, #tpu.memory_space<hbm>>
        %dma_wait3A_113 = tpu.memref_squeeze %dma_wait3A_112 : memref<1x64x128xf32, #tpu.memory_space<hbm>> -> memref<64x128xf32, #tpu.memory_space<hbm>>
        %dma_wait3A_114 = arith.constant 0 : i32
        %dma_wait3A_115 = arith.constant 0 : i32
        %dma_wait3A_116 = tpu.memref_slice %arg11[%dma_wait3A_114, %dma_wait3A_115] : memref<50x128xf32, #tpu.memory_space<vmem>> -> memref<64x128xf32, #tpu.memory_space<vmem>>
        tpu.wait_dma2 semaphore(%run_scoped3A : memref<!tpu.dma_semaphore, #tpu.memory_space<semaphore_mem>>) src(%dma_wait3A_116 : memref<64x128xf32, #tpu.memory_space<vmem>>) dst(%dma_wait3A_113 : memref<64x128xf32, #tpu.memory_space<hbm>>)
        tpu.yield
      }) : () -> ()
    }
    %scan3A_86 = arith.constant 10 : i32
    return
  }
}

#map = affine_map<(d0, d1) -> (0, 0)>
#map1 = affine_map<(d0, d1) -> (0, 0, 0)>
module attributes {stable_mosaic.version = 14 : i64} {
  func.func @_agg_sc(%arg0: i32, %arg1: i32, %arg2: memref<10000x128xf32, #tpu.memory_space<hbm>>, %arg3: memref<32x200x50xi32, #tpu.memory_space<hbm>>, %arg4: memref<32x200x50xi32, #tpu.memory_space<hbm>>, %arg5: memref<64x128xf32, #tpu.memory_space<hbm>>, %arg6: memref<2x10240x128xf32, #tpu.memory_space<hbm>>, %arg7: memref<200x50xi32, #tpu.memory_space<vmem>>, %arg8: memref<50xi32, #tpu.memory_space<vmem>>, %arg9: memref<50xi32, #tpu.memory_space<vmem>>, %arg10: memref<50xi32, #tpu.memory_space<vmem>>, %arg11: memref<50x128xf32, #tpu.memory_space<vmem>>, %arg12: memref<50x128xf32, #tpu.memory_space<vmem>>, %arg13: memref<50x128xf32, #tpu.memory_space<vmem>>, %arg14: memref<10240x128xf32, #tpu.memory_space<vmem_shared>>, %arg15: memref<!tpu.dma_semaphore, #tpu.memory_space<semaphore_mem>>, %arg16: memref<!tpu.dma_semaphore, #tpu.memory_space<semaphore_mem>>, %arg17: memref<!tpu.dma_semaphore, #tpu.memory_space<semaphore_mem>>, %arg18: memref<!tpu.dma_semaphore, #tpu.memory_space<semaphore_mem>>, %arg19: memref<!tpu.dma_semaphore, #tpu.memory_space<semaphore_mem>>, %arg20: memref<!tpu.dma_semaphore, #tpu.memory_space<semaphore_mem>>) attributes {dimension_semantics = [#tpu.dimension_semantics<core_parallel>, #tpu.dimension_semantics<subcore_parallel>], iteration_bounds = array<i64: 2, 16>, scalar_prefetch = 0 : i64, scratch_operands = 14 : i64, tpu.core_type = #tpu.core_type<sc_vector_subcore>, window_params = [{transform_indices = #map}, {transform_indices = #map1}, {transform_indices = #map1}, {transform_indices = #map}, {transform_indices = #map1}]} {
    %mul3A = arith.constant 16 : i32
    %mul3A_0 = arith.muli %arg0, %mul3A : i32
    %add3A = arith.addi %mul3A_0, %arg1 : i32
    "tpu.region"() ({
      %run_scoped3A = tpu.sem_alloc : memref<!tpu.dma_semaphore, #tpu.memory_space<semaphore_mem>>
      %dma_start3A_87 = arith.constant 0 : i32
      %dma_start3A_88 = arith.constant 0 : i32
      %dma_start3A_89 = tpu.memref_slice %arg11[%dma_start3A_87, %dma_start3A_88] : memref<50x128xf32, #tpu.memory_space<vmem>> -> memref<64x128xf32, #tpu.memory_space<vmem>>
      %dma_start3A_90 = arith.constant 0 : i32
      %dma_start3A_91 = arith.constant 0 : i32
      %dma_start3A_92 = tpu.memref_slice %arg11[%dma_start3A_90, %dma_start3A_91] : memref<50x128xf32, #tpu.memory_space<vmem>> -> memref<64x128xf32, #tpu.memory_space<vmem>>
      tpu.enqueue_dma source(%arg5 : memref<64x128xf32, #tpu.memory_space<hbm>>) target(%dma_start3A_92 : memref<64x128xf32, #tpu.memory_space<vmem>>) target_semaphore(%run_scoped3A : memref<!tpu.dma_semaphore, #tpu.memory_space<semaphore_mem>>)
      %dma_wait3A_93 = arith.constant 0 : i32
      %dma_wait3A_94 = arith.constant 0 : i32
      %dma_wait3A_95 = tpu.memref_slice %arg11[%dma_wait3A_93, %dma_wait3A_94] : memref<50x128xf32, #tpu.memory_space<vmem>> -> memref<64x128xf32, #tpu.memory_space<vmem>>
      %dma_wait3A_96 = arith.constant 0 : i32
      %dma_wait3A_97 = arith.constant 0 : i32
      %dma_wait3A_98 = tpu.memref_slice %arg11[%dma_wait3A_96, %dma_wait3A_97] : memref<50x128xf32, #tpu.memory_space<vmem>> -> memref<64x128xf32, #tpu.memory_space<vmem>>
      tpu.wait_dma2 semaphore(%run_scoped3A : memref<!tpu.dma_semaphore, #tpu.memory_space<semaphore_mem>>) src(%arg5 : memref<64x128xf32, #tpu.memory_space<hbm>>) dst(%dma_wait3A_98 : memref<64x128xf32, #tpu.memory_space<vmem>>)
      tpu.yield
    }) : () -> ()
    %scan3A = arith.constant 0 : i32
    %scan3A_1 = arith.constant 0 : i32
    %scan3A_2 = arith.constant 10 : i32
    %scan3A_3 = arith.addi %scan3A_1, %scan3A_2 : i32
    %scan3A_4 = arith.constant 1 : i32
    scf.for %scan3A_87 = %scan3A_1 to %scan3A_3 step %scan3A_4  : i32 {
      %mul3A_88 = arith.constant 640 : i32
      %mul3A_89 = arith.muli %arg1, %mul3A_88 : i32
      %mul3A_90 = arith.constant 64 : i32
      %mul3A_91 = arith.muli %scan3A_87, %mul3A_90 : i32
      %add3A_92 = arith.addi %mul3A_89, %mul3A_91 : i32
      "tpu.region"() ({
        %run_scoped3A = tpu.sem_alloc : memref<!tpu.dma_semaphore, #tpu.memory_space<semaphore_mem>>
        %dma_start3A_93 = arith.constant 0 : i32
        %dma_start3A_94 = arith.constant 0 : i32
        %dma_start3A_95 = tpu.memref_slice %arg11[%dma_start3A_93, %dma_start3A_94] : memref<50x128xf32, #tpu.memory_space<vmem>> -> memref<64x128xf32, #tpu.memory_space<vmem>>
        %dma_start3A_96 = arith.constant 0 : i32
        %dma_start3A_97 = tpu.memref_slice %arg14[%add3A_92, %dma_start3A_96] : memref<10240x128xf32, #tpu.memory_space<vmem_shared>> -> memref<64x128xf32, #tpu.memory_space<vmem_shared>>
        %dma_start3A_98 = arith.constant 0 : i32
        %dma_start3A_99 = tpu.memref_slice %arg14[%add3A_92, %dma_start3A_98] : memref<10240x128xf32, #tpu.memory_space<vmem_shared>> -> memref<64x128xf32, #tpu.memory_space<vmem_shared>>
        %dma_start3A_100 = arith.constant 0 : i32
        %dma_start3A_101 = arith.constant 0 : i32
        %dma_start3A_102 = tpu.memref_slice %arg11[%dma_start3A_100, %dma_start3A_101] : memref<50x128xf32, #tpu.memory_space<vmem>> -> memref<64x128xf32, #tpu.memory_space<vmem>>
        tpu.enqueue_dma source(%dma_start3A_102 : memref<64x128xf32, #tpu.memory_space<vmem>>) target(%dma_start3A_99 : memref<64x128xf32, #tpu.memory_space<vmem_shared>>) target_semaphore(%run_scoped3A : memref<!tpu.dma_semaphore, #tpu.memory_space<semaphore_mem>>)
        %dma_wait3A_103 = arith.constant 0 : i32
        %dma_wait3A_104 = arith.constant 0 : i32
        %dma_wait3A_105 = tpu.memref_slice %arg11[%dma_wait3A_103, %dma_wait3A_104] : memref<50x128xf32, #tpu.memory_space<vmem>> -> memref<64x128xf32, #tpu.memory_space<vmem>>
        %dma_wait3A_106 = arith.constant 0 : i32
        %dma_wait3A_107 = tpu.memref_slice %arg14[%add3A_92, %dma_wait3A_106] : memref<10240x128xf32, #tpu.memory_space<vmem_shared>> -> memref<64x128xf32, #tpu.memory_space<vmem_shared>>
        %dma_wait3A_108 = arith.constant 0 : i32
        %dma_wait3A_109 = tpu.memref_slice %arg14[%add3A_92, %dma_wait3A_108] : memref<10240x128xf32, #tpu.memory_space<vmem_shared>> -> memref<64x128xf32, #tpu.memory_space<vmem_shared>>
        %dma_wait3A_110 = arith.constant 0 : i32
        %dma_wait3A_111 = arith.constant 0 : i32
        %dma_wait3A_112 = tpu.memref_slice %arg11[%dma_wait3A_110, %dma_wait3A_111] : memref<50x128xf32, #tpu.memory_space<vmem>> -> memref<64x128xf32, #tpu.memory_space<vmem>>
        tpu.wait_dma2 semaphore(%run_scoped3A : memref<!tpu.dma_semaphore, #tpu.memory_space<semaphore_mem>>) src(%dma_wait3A_112 : memref<64x128xf32, #tpu.memory_space<vmem>>) dst(%dma_wait3A_109 : memref<64x128xf32, #tpu.memory_space<vmem_shared>>)
        tpu.yield
      }) : () -> ()
    }
    %scan3A_5 = arith.constant 10 : i32
    "tpu.region"() ({
      %run_scoped3A = tpu.sem_alloc : memref<!tpu.dma_semaphore, #tpu.memory_space<semaphore_mem>>
      %dma_start3A_87 = arith.constant 0 : i32
      %dma_start3A_88 = arith.constant 0 : i32
      %dma_start3A_89 = tpu.memref_slice %arg3[%add3A, %dma_start3A_87, %dma_start3A_88] : memref<32x200x50xi32, #tpu.memory_space<hbm>> -> memref<1x200x50xi32, #tpu.memory_space<hbm>>
      %dma_start3A_90 = tpu.memref_squeeze %dma_start3A_89 : memref<1x200x50xi32, #tpu.memory_space<hbm>> -> memref<200x50xi32, #tpu.memory_space<hbm>>
      %dma_start3A_91 = arith.constant 0 : i32
      %dma_start3A_92 = arith.constant 0 : i32
      %dma_start3A_93 = tpu.memref_slice %arg3[%add3A, %dma_start3A_91, %dma_start3A_92] : memref<32x200x50xi32, #tpu.memory_space<hbm>> -> memref<1x200x50xi32, #tpu.memory_space<hbm>>
      %dma_start3A_94 = tpu.memref_squeeze %dma_start3A_93 : memref<1x200x50xi32, #tpu.memory_space<hbm>> -> memref<200x50xi32, #tpu.memory_space<hbm>>
      tpu.enqueue_dma source(%dma_start3A_94 : memref<200x50xi32, #tpu.memory_space<hbm>>) target(%arg7 : memref<200x50xi32, #tpu.memory_space<vmem>>) target_semaphore(%run_scoped3A : memref<!tpu.dma_semaphore, #tpu.memory_space<semaphore_mem>>)
      %dma_wait3A_95 = arith.constant 0 : i32
      %dma_wait3A_96 = arith.constant 0 : i32
      %dma_wait3A_97 = tpu.memref_slice %arg3[%add3A, %dma_wait3A_95, %dma_wait3A_96] : memref<32x200x50xi32, #tpu.memory_space<hbm>> -> memref<1x200x50xi32, #tpu.memory_space<hbm>>
      %dma_wait3A_98 = tpu.memref_squeeze %dma_wait3A_97 : memref<1x200x50xi32, #tpu.memory_space<hbm>> -> memref<200x50xi32, #tpu.memory_space<hbm>>
      %dma_wait3A_99 = arith.constant 0 : i32
      %dma_wait3A_100 = arith.constant 0 : i32
      %dma_wait3A_101 = tpu.memref_slice %arg3[%add3A, %dma_wait3A_99, %dma_wait3A_100] : memref<32x200x50xi32, #tpu.memory_space<hbm>> -> memref<1x200x50xi32, #tpu.memory_space<hbm>>
      %dma_wait3A_102 = tpu.memref_squeeze %dma_wait3A_101 : memref<1x200x50xi32, #tpu.memory_space<hbm>> -> memref<200x50xi32, #tpu.memory_space<hbm>>
      tpu.wait_dma2 semaphore(%run_scoped3A : memref<!tpu.dma_semaphore, #tpu.memory_space<semaphore_mem>>) src(%dma_wait3A_102 : memref<200x50xi32, #tpu.memory_space<hbm>>) dst(%arg7 : memref<200x50xi32, #tpu.memory_space<vmem>>)
      tpu.yield
    }) : () -> ()
    %barrier3A = arith.constant 0 : index
    tpu.barrier barrier_id(%barrier3A)
    %dma_start3A = arith.constant 0 : i32
    %dma_start3A_6 = arith.constant 0 : i32
    %dma_start3A_7 = tpu.memref_slice %arg7[%dma_start3A, %dma_start3A_6] : memref<200x50xi32, #tpu.memory_space<vmem>> -> memref<1x50xi32, #tpu.memory_space<vmem>>
    %dma_start3A_8 = tpu.memref_squeeze %dma_start3A_7 : memref<1x50xi32, #tpu.memory_space<vmem>> -> memref<50xi32, #tpu.memory_space<vmem>>
    %dma_start3A_9 = arith.constant 0 : i32
    %dma_start3A_10 = arith.constant 0 : i32
    %dma_start3A_11 = tpu.memref_slice %arg2[%dma_start3A_9, %dma_start3A_10] : memref<10000x128xf32, #tpu.memory_space<hbm>> -> memref<10000x128xf32, #tpu.memory_space<hbm>>
    tpu.enqueue_indirect_dma source(%dma_start3A_11 : memref<10000x128xf32, #tpu.memory_space<hbm>>) target(%arg11 : memref<50x128xf32, #tpu.memory_space<vmem>>) offsets(%dma_start3A_8 : memref<50xi32, #tpu.memory_space<vmem>>) semaphore(%arg15 : memref<!tpu.dma_semaphore, #tpu.memory_space<semaphore_mem>>)
    %dma_start3A_12 = arith.constant 0 : i32
    %dma_start3A_13 = arith.constant 0 : i32
    %dma_start3A_14 = tpu.memref_slice %arg4[%add3A, %dma_start3A_12, %dma_start3A_13] : memref<32x200x50xi32, #tpu.memory_space<hbm>> -> memref<1x1x50xi32, #tpu.memory_space<hbm>>
    %dma_start3A_15 = tpu.memref_squeeze %dma_start3A_14 : memref<1x1x50xi32, #tpu.memory_space<hbm>> -> memref<50xi32, #tpu.memory_space<hbm>>
    %dma_start3A_16 = arith.constant 0 : i32
    %dma_start3A_17 = tpu.memref_slice %arg4[%add3A, %dma_start3A_12, %dma_start3A_16] : memref<32x200x50xi32, #tpu.memory_space<hbm>> -> memref<1x1x50xi32, #tpu.memory_space<hbm>>
    %dma_start3A_18 = tpu.memref_squeeze %dma_start3A_17 : memref<1x1x50xi32, #tpu.memory_space<hbm>> -> memref<50xi32, #tpu.memory_space<hbm>>
    tpu.enqueue_dma source(%dma_start3A_18 : memref<50xi32, #tpu.memory_space<hbm>>) target(%arg8 : memref<50xi32, #tpu.memory_space<vmem>>) target_semaphore(%arg18 : memref<!tpu.dma_semaphore, #tpu.memory_space<semaphore_mem>>)
    %dma_start3A_19 = arith.constant 1 : i32
    %dma_start3A_20 = arith.constant 0 : i32
    %dma_start3A_21 = tpu.memref_slice %arg7[%dma_start3A_19, %dma_start3A_20] : memref<200x50xi32, #tpu.memory_space<vmem>> -> memref<1x50xi32, #tpu.memory_space<vmem>>
    %dma_start3A_22 = tpu.memref_squeeze %dma_start3A_21 : memref<1x50xi32, #tpu.memory_space<vmem>> -> memref<50xi32, #tpu.memory_space<vmem>>
    %dma_start3A_23 = arith.constant 0 : i32
    %dma_start3A_24 = arith.constant 0 : i32
    %dma_start3A_25 = tpu.memref_slice %arg2[%dma_start3A_23, %dma_start3A_24] : memref<10000x128xf32, #tpu.memory_space<hbm>> -> memref<10000x128xf32, #tpu.memory_space<hbm>>
    tpu.enqueue_indirect_dma source(%dma_start3A_25 : memref<10000x128xf32, #tpu.memory_space<hbm>>) target(%arg12 : memref<50x128xf32, #tpu.memory_space<vmem>>) offsets(%dma_start3A_22 : memref<50xi32, #tpu.memory_space<vmem>>) semaphore(%arg16 : memref<!tpu.dma_semaphore, #tpu.memory_space<semaphore_mem>>)
    %dma_start3A_26 = arith.constant 1 : i32
    %dma_start3A_27 = arith.constant 0 : i32
    %dma_start3A_28 = tpu.memref_slice %arg4[%add3A, %dma_start3A_26, %dma_start3A_27] : memref<32x200x50xi32, #tpu.memory_space<hbm>> -> memref<1x1x50xi32, #tpu.memory_space<hbm>>
    %dma_start3A_29 = tpu.memref_squeeze %dma_start3A_28 : memref<1x1x50xi32, #tpu.memory_space<hbm>> -> memref<50xi32, #tpu.memory_space<hbm>>
    %dma_start3A_30 = arith.constant 0 : i32
    %dma_start3A_31 = tpu.memref_slice %arg4[%add3A, %dma_start3A_26, %dma_start3A_30] : memref<32x200x50xi32, #tpu.memory_space<hbm>> -> memref<1x1x50xi32, #tpu.memory_space<hbm>>
    %dma_start3A_32 = tpu.memref_squeeze %dma_start3A_31 : memref<1x1x50xi32, #tpu.memory_space<hbm>> -> memref<50xi32, #tpu.memory_space<hbm>>
    tpu.enqueue_dma source(%dma_start3A_32 : memref<50xi32, #tpu.memory_space<hbm>>) target(%arg9 : memref<50xi32, #tpu.memory_space<vmem>>) target_semaphore(%arg19 : memref<!tpu.dma_semaphore, #tpu.memory_space<semaphore_mem>>)
    %dma_start3A_33 = arith.constant 2 : i32
    %dma_start3A_34 = arith.constant 0 : i32
    %dma_start3A_35 = tpu.memref_slice %arg7[%dma_start3A_33, %dma_start3A_34] : memref<200x50xi32, #tpu.memory_space<vmem>> -> memref<1x50xi32, #tpu.memory_space<vmem>>
    %dma_start3A_36 = tpu.memref_squeeze %dma_start3A_35 : memref<1x50xi32, #tpu.memory_space<vmem>> -> memref<50xi32, #tpu.memory_space<vmem>>
    %dma_start3A_37 = arith.constant 0 : i32
    %dma_start3A_38 = arith.constant 0 : i32
    %dma_start3A_39 = tpu.memref_slice %arg2[%dma_start3A_37, %dma_start3A_38] : memref<10000x128xf32, #tpu.memory_space<hbm>> -> memref<10000x128xf32, #tpu.memory_space<hbm>>
    tpu.enqueue_indirect_dma source(%dma_start3A_39 : memref<10000x128xf32, #tpu.memory_space<hbm>>) target(%arg13 : memref<50x128xf32, #tpu.memory_space<vmem>>) offsets(%dma_start3A_36 : memref<50xi32, #tpu.memory_space<vmem>>) semaphore(%arg17 : memref<!tpu.dma_semaphore, #tpu.memory_space<semaphore_mem>>)
    %dma_start3A_40 = arith.constant 2 : i32
    %dma_start3A_41 = arith.constant 0 : i32
    %dma_start3A_42 = tpu.memref_slice %arg4[%add3A, %dma_start3A_40, %dma_start3A_41] : memref<32x200x50xi32, #tpu.memory_space<hbm>> -> memref<1x1x50xi32, #tpu.memory_space<hbm>>
    %dma_start3A_43 = tpu.memref_squeeze %dma_start3A_42 : memref<1x1x50xi32, #tpu.memory_space<hbm>> -> memref<50xi32, #tpu.memory_space<hbm>>
    %dma_start3A_44 = arith.constant 0 : i32
    %dma_start3A_45 = tpu.memref_slice %arg4[%add3A, %dma_start3A_40, %dma_start3A_44] : memref<32x200x50xi32, #tpu.memory_space<hbm>> -> memref<1x1x50xi32, #tpu.memory_space<hbm>>
    %dma_start3A_46 = tpu.memref_squeeze %dma_start3A_45 : memref<1x1x50xi32, #tpu.memory_space<hbm>> -> memref<50xi32, #tpu.memory_space<hbm>>
    tpu.enqueue_dma source(%dma_start3A_46 : memref<50xi32, #tpu.memory_space<hbm>>) target(%arg10 : memref<50xi32, #tpu.memory_space<vmem>>) target_semaphore(%arg20 : memref<!tpu.dma_semaphore, #tpu.memory_space<semaphore_mem>>)
    %scan3A_47 = arith.constant 0 : i32
    %scan3A_48 = arith.constant 0 : i32
    %scan3A_49 = arith.constant 66 : i32
    %scan3A_50 = arith.addi %scan3A_48, %scan3A_49 : i32
    %scan3A_51 = arith.constant 1 : i32
    scf.for %scan3A_87 = %scan3A_48 to %scan3A_50 step %scan3A_51  : i32 {
      %mul3A_88 = arith.constant 3 : i32
      %mul3A_89 = arith.muli %scan3A_87, %mul3A_88 : i32
      %add3A_90 = arith.constant 0 : i32
      %add3A_91 = arith.addi %mul3A_89, %add3A_90 : i32
      %dma_wait3A_92 = arith.constant 0 : i32
      %dma_wait3A_93 = tpu.memref_slice %arg4[%add3A, %add3A_91, %dma_wait3A_92] : memref<32x200x50xi32, #tpu.memory_space<hbm>> -> memref<1x1x50xi32, #tpu.memory_space<hbm>>
      %dma_wait3A_94 = tpu.memref_squeeze %dma_wait3A_93 : memref<1x1x50xi32, #tpu.memory_space<hbm>> -> memref<50xi32, #tpu.memory_space<hbm>>
      %dma_wait3A_95 = arith.constant 0 : i32
      %dma_wait3A_96 = tpu.memref_slice %arg4[%add3A, %add3A_91, %dma_wait3A_95] : memref<32x200x50xi32, #tpu.memory_space<hbm>> -> memref<1x1x50xi32, #tpu.memory_space<hbm>>
      %dma_wait3A_97 = tpu.memref_squeeze %dma_wait3A_96 : memref<1x1x50xi32, #tpu.memory_space<hbm>> -> memref<50xi32, #tpu.memory_space<hbm>>
      tpu.wait_dma2 semaphore(%arg18 : memref<!tpu.dma_semaphore, #tpu.memory_space<semaphore_mem>>) src(%dma_wait3A_97 : memref<50xi32, #tpu.memory_space<hbm>>) dst(%arg8 : memref<50xi32, #tpu.memory_space<vmem>>)
      %dma_wait3A_98 = arith.constant 0 : i32
      %dma_wait3A_99 = tpu.memref_slice %arg7[%add3A_91, %dma_wait3A_98] : memref<200x50xi32, #tpu.memory_space<vmem>> -> memref<1x50xi32, #tpu.memory_space<vmem>>
      %dma_wait3A_100 = tpu.memref_squeeze %dma_wait3A_99 : memref<1x50xi32, #tpu.memory_space<vmem>> -> memref<50xi32, #tpu.memory_space<vmem>>
      %dma_wait3A_101 = arith.constant 0 : i32
      %dma_wait3A_102 = arith.constant 0 : i32
      %dma_wait3A_103 = tpu.memref_slice %arg2[%dma_wait3A_101, %dma_wait3A_102] : memref<10000x128xf32, #tpu.memory_space<hbm>> -> memref<10000x128xf32, #tpu.memory_space<hbm>>
      tpu.wait_indirect_dma semaphore(%arg15 : memref<!tpu.dma_semaphore, #tpu.memory_space<semaphore_mem>>) src(%dma_wait3A_103 : memref<10000x128xf32, #tpu.memory_space<hbm>>) dst(%arg11 : memref<50x128xf32, #tpu.memory_space<vmem>>)
      "tpu.region"() ({
        %run_scoped3A = tpu.sem_alloc : memref<!tpu.dma_semaphore, #tpu.memory_space<semaphore_mem>>
        %dma_start3A_150 = arith.constant 0 : i32
        %dma_start3A_151 = arith.constant 0 : i32
        %dma_start3A_152 = tpu.memref_slice %arg14[%dma_start3A_150, %dma_start3A_151] : memref<10240x128xf32, #tpu.memory_space<vmem_shared>> -> memref<10240x128xf32, #tpu.memory_space<vmem_shared>>
        tpu.enqueue_indirect_dma source(%arg11 : memref<50x128xf32, #tpu.memory_space<vmem>>) target(%dma_start3A_152 : memref<10240x128xf32, #tpu.memory_space<vmem_shared>>) offsets(%arg8 : memref<50xi32, #tpu.memory_space<vmem>>) semaphore(%run_scoped3A : memref<!tpu.dma_semaphore, #tpu.memory_space<semaphore_mem>>) {add = true}
        %dma_wait3A_153 = arith.constant 0 : i32
        %dma_wait3A_154 = arith.constant 0 : i32
        %dma_wait3A_155 = tpu.memref_slice %arg14[%dma_wait3A_153, %dma_wait3A_154] : memref<10240x128xf32, #tpu.memory_space<vmem_shared>> -> memref<10240x128xf32, #tpu.memory_space<vmem_shared>>
        tpu.wait_indirect_dma semaphore(%run_scoped3A : memref<!tpu.dma_semaphore, #tpu.memory_space<semaphore_mem>>) src(%arg11 : memref<50x128xf32, #tpu.memory_space<vmem>>) dst(%dma_wait3A_155 : memref<10240x128xf32, #tpu.memory_space<vmem_shared>>)
        tpu.yield
      }) : () -> ()
      %add3A_104 = arith.constant 3 : i32
      %add3A_105 = arith.addi %add3A_91, %add3A_104 : i32
      %lt3A = arith.constant 200 : i32
      %lt3A_106 = arith.cmpi slt, %add3A_105, %lt3A : i32
      %convert_element_type3A = arith.extui %lt3A_106 : i1 to i32
      %cond3A = arith.constant 0 : i32
      %cond3A_107 = arith.cmpi ne, %convert_element_type3A, %cond3A : i32
      scf.if %cond3A_107 {
        %add3A_150 = arith.constant 3 : i32
        %add3A_151 = arith.addi %add3A_91, %add3A_150 : i32
        %dma_start3A_152 = arith.constant 0 : i32
        %dma_start3A_153 = tpu.memref_slice %arg7[%add3A_151, %dma_start3A_152] : memref<200x50xi32, #tpu.memory_space<vmem>> -> memref<1x50xi32, #tpu.memory_space<vmem>>
        %dma_start3A_154 = tpu.memref_squeeze %dma_start3A_153 : memref<1x50xi32, #tpu.memory_space<vmem>> -> memref<50xi32, #tpu.memory_space<vmem>>
        %dma_start3A_155 = arith.constant 0 : i32
        %dma_start3A_156 = arith.constant 0 : i32
        %dma_start3A_157 = tpu.memref_slice %arg2[%dma_start3A_155, %dma_start3A_156] : memref<10000x128xf32, #tpu.memory_space<hbm>> -> memref<10000x128xf32, #tpu.memory_space<hbm>>
        tpu.enqueue_indirect_dma source(%dma_start3A_157 : memref<10000x128xf32, #tpu.memory_space<hbm>>) target(%arg11 : memref<50x128xf32, #tpu.memory_space<vmem>>) offsets(%dma_start3A_154 : memref<50xi32, #tpu.memory_space<vmem>>) semaphore(%arg15 : memref<!tpu.dma_semaphore, #tpu.memory_space<semaphore_mem>>)
        %add3A_158 = arith.constant 3 : i32
        %add3A_159 = arith.addi %add3A_91, %add3A_158 : i32
        %dma_start3A_160 = arith.constant 0 : i32
        %dma_start3A_161 = tpu.memref_slice %arg4[%add3A, %add3A_159, %dma_start3A_160] : memref<32x200x50xi32, #tpu.memory_space<hbm>> -> memref<1x1x50xi32, #tpu.memory_space<hbm>>
        %dma_start3A_162 = tpu.memref_squeeze %dma_start3A_161 : memref<1x1x50xi32, #tpu.memory_space<hbm>> -> memref<50xi32, #tpu.memory_space<hbm>>
        %dma_start3A_163 = arith.constant 0 : i32
        %dma_start3A_164 = tpu.memref_slice %arg4[%add3A, %add3A_159, %dma_start3A_163] : memref<32x200x50xi32, #tpu.memory_space<hbm>> -> memref<1x1x50xi32, #tpu.memory_space<hbm>>
        %dma_start3A_165 = tpu.memref_squeeze %dma_start3A_164 : memref<1x1x50xi32, #tpu.memory_space<hbm>> -> memref<50xi32, #tpu.memory_space<hbm>>
        tpu.enqueue_dma source(%dma_start3A_165 : memref<50xi32, #tpu.memory_space<hbm>>) target(%arg8 : memref<50xi32, #tpu.memory_space<vmem>>) target_semaphore(%arg18 : memref<!tpu.dma_semaphore, #tpu.memory_space<semaphore_mem>>)
      } else {
      }
      %add3A_108 = arith.constant 1 : i32
      %add3A_109 = arith.addi %mul3A_89, %add3A_108 : i32
      %dma_wait3A_110 = arith.constant 0 : i32
      %dma_wait3A_111 = tpu.memref_slice %arg4[%add3A, %add3A_109, %dma_wait3A_110] : memref<32x200x50xi32, #tpu.memory_space<hbm>> -> memref<1x1x50xi32, #tpu.memory_space<hbm>>
      %dma_wait3A_112 = tpu.memref_squeeze %dma_wait3A_111 : memref<1x1x50xi32, #tpu.memory_space<hbm>> -> memref<50xi32, #tpu.memory_space<hbm>>
      %dma_wait3A_113 = arith.constant 0 : i32
      %dma_wait3A_114 = tpu.memref_slice %arg4[%add3A, %add3A_109, %dma_wait3A_113] : memref<32x200x50xi32, #tpu.memory_space<hbm>> -> memref<1x1x50xi32, #tpu.memory_space<hbm>>
      %dma_wait3A_115 = tpu.memref_squeeze %dma_wait3A_114 : memref<1x1x50xi32, #tpu.memory_space<hbm>> -> memref<50xi32, #tpu.memory_space<hbm>>
      tpu.wait_dma2 semaphore(%arg19 : memref<!tpu.dma_semaphore, #tpu.memory_space<semaphore_mem>>) src(%dma_wait3A_115 : memref<50xi32, #tpu.memory_space<hbm>>) dst(%arg9 : memref<50xi32, #tpu.memory_space<vmem>>)
      %dma_wait3A_116 = arith.constant 0 : i32
      %dma_wait3A_117 = tpu.memref_slice %arg7[%add3A_109, %dma_wait3A_116] : memref<200x50xi32, #tpu.memory_space<vmem>> -> memref<1x50xi32, #tpu.memory_space<vmem>>
      %dma_wait3A_118 = tpu.memref_squeeze %dma_wait3A_117 : memref<1x50xi32, #tpu.memory_space<vmem>> -> memref<50xi32, #tpu.memory_space<vmem>>
      %dma_wait3A_119 = arith.constant 0 : i32
      %dma_wait3A_120 = arith.constant 0 : i32
      %dma_wait3A_121 = tpu.memref_slice %arg2[%dma_wait3A_119, %dma_wait3A_120] : memref<10000x128xf32, #tpu.memory_space<hbm>> -> memref<10000x128xf32, #tpu.memory_space<hbm>>
      tpu.wait_indirect_dma semaphore(%arg16 : memref<!tpu.dma_semaphore, #tpu.memory_space<semaphore_mem>>) src(%dma_wait3A_121 : memref<10000x128xf32, #tpu.memory_space<hbm>>) dst(%arg12 : memref<50x128xf32, #tpu.memory_space<vmem>>)
      "tpu.region"() ({
        %run_scoped3A = tpu.sem_alloc : memref<!tpu.dma_semaphore, #tpu.memory_space<semaphore_mem>>
        %dma_start3A_150 = arith.constant 0 : i32
        %dma_start3A_151 = arith.constant 0 : i32
        %dma_start3A_152 = tpu.memref_slice %arg14[%dma_start3A_150, %dma_start3A_151] : memref<10240x128xf32, #tpu.memory_space<vmem_shared>> -> memref<10240x128xf32, #tpu.memory_space<vmem_shared>>
        tpu.enqueue_indirect_dma source(%arg12 : memref<50x128xf32, #tpu.memory_space<vmem>>) target(%dma_start3A_152 : memref<10240x128xf32, #tpu.memory_space<vmem_shared>>) offsets(%arg9 : memref<50xi32, #tpu.memory_space<vmem>>) semaphore(%run_scoped3A : memref<!tpu.dma_semaphore, #tpu.memory_space<semaphore_mem>>) {add = true}
        %dma_wait3A_153 = arith.constant 0 : i32
        %dma_wait3A_154 = arith.constant 0 : i32
        %dma_wait3A_155 = tpu.memref_slice %arg14[%dma_wait3A_153, %dma_wait3A_154] : memref<10240x128xf32, #tpu.memory_space<vmem_shared>> -> memref<10240x128xf32, #tpu.memory_space<vmem_shared>>
        tpu.wait_indirect_dma semaphore(%run_scoped3A : memref<!tpu.dma_semaphore, #tpu.memory_space<semaphore_mem>>) src(%arg12 : memref<50x128xf32, #tpu.memory_space<vmem>>) dst(%dma_wait3A_155 : memref<10240x128xf32, #tpu.memory_space<vmem_shared>>)
        tpu.yield
      }) : () -> ()
      %add3A_122 = arith.constant 3 : i32
      %add3A_123 = arith.addi %add3A_109, %add3A_122 : i32
      %lt3A_124 = arith.constant 200 : i32
      %lt3A_125 = arith.cmpi slt, %add3A_123, %lt3A_124 : i32
      %convert_element_type3A_126 = arith.extui %lt3A_125 : i1 to i32
      %cond3A_127 = arith.constant 0 : i32
      %cond3A_128 = arith.cmpi ne, %convert_element_type3A_126, %cond3A_127 : i32
      scf.if %cond3A_128 {
        %add3A_150 = arith.constant 3 : i32
        %add3A_151 = arith.addi %add3A_109, %add3A_150 : i32
        %dma_start3A_152 = arith.constant 0 : i32
        %dma_start3A_153 = tpu.memref_slice %arg7[%add3A_151, %dma_start3A_152] : memref<200x50xi32, #tpu.memory_space<vmem>> -> memref<1x50xi32, #tpu.memory_space<vmem>>
        %dma_start3A_154 = tpu.memref_squeeze %dma_start3A_153 : memref<1x50xi32, #tpu.memory_space<vmem>> -> memref<50xi32, #tpu.memory_space<vmem>>
        %dma_start3A_155 = arith.constant 0 : i32
        %dma_start3A_156 = arith.constant 0 : i32
        %dma_start3A_157 = tpu.memref_slice %arg2[%dma_start3A_155, %dma_start3A_156] : memref<10000x128xf32, #tpu.memory_space<hbm>> -> memref<10000x128xf32, #tpu.memory_space<hbm>>
        tpu.enqueue_indirect_dma source(%dma_start3A_157 : memref<10000x128xf32, #tpu.memory_space<hbm>>) target(%arg12 : memref<50x128xf32, #tpu.memory_space<vmem>>) offsets(%dma_start3A_154 : memref<50xi32, #tpu.memory_space<vmem>>) semaphore(%arg16 : memref<!tpu.dma_semaphore, #tpu.memory_space<semaphore_mem>>)
        %add3A_158 = arith.constant 3 : i32
        %add3A_159 = arith.addi %add3A_109, %add3A_158 : i32
        %dma_start3A_160 = arith.constant 0 : i32
        %dma_start3A_161 = tpu.memref_slice %arg4[%add3A, %add3A_159, %dma_start3A_160] : memref<32x200x50xi32, #tpu.memory_space<hbm>> -> memref<1x1x50xi32, #tpu.memory_space<hbm>>
        %dma_start3A_162 = tpu.memref_squeeze %dma_start3A_161 : memref<1x1x50xi32, #tpu.memory_space<hbm>> -> memref<50xi32, #tpu.memory_space<hbm>>
        %dma_start3A_163 = arith.constant 0 : i32
        %dma_start3A_164 = tpu.memref_slice %arg4[%add3A, %add3A_159, %dma_start3A_163] : memref<32x200x50xi32, #tpu.memory_space<hbm>> -> memref<1x1x50xi32, #tpu.memory_space<hbm>>
        %dma_start3A_165 = tpu.memref_squeeze %dma_start3A_164 : memref<1x1x50xi32, #tpu.memory_space<hbm>> -> memref<50xi32, #tpu.memory_space<hbm>>
        tpu.enqueue_dma source(%dma_start3A_165 : memref<50xi32, #tpu.memory_space<hbm>>) target(%arg9 : memref<50xi32, #tpu.memory_space<vmem>>) target_semaphore(%arg19 : memref<!tpu.dma_semaphore, #tpu.memory_space<semaphore_mem>>)
      } else {
      }
      %add3A_129 = arith.constant 2 : i32
      %add3A_130 = arith.addi %mul3A_89, %add3A_129 : i32
      %dma_wait3A_131 = arith.constant 0 : i32
      %dma_wait3A_132 = tpu.memref_slice %arg4[%add3A, %add3A_130, %dma_wait3A_131] : memref<32x200x50xi32, #tpu.memory_space<hbm>> -> memref<1x1x50xi32, #tpu.memory_space<hbm>>
      %dma_wait3A_133 = tpu.memref_squeeze %dma_wait3A_132 : memref<1x1x50xi32, #tpu.memory_space<hbm>> -> memref<50xi32, #tpu.memory_space<hbm>>
      %dma_wait3A_134 = arith.constant 0 : i32
      %dma_wait3A_135 = tpu.memref_slice %arg4[%add3A, %add3A_130, %dma_wait3A_134] : memref<32x200x50xi32, #tpu.memory_space<hbm>> -> memref<1x1x50xi32, #tpu.memory_space<hbm>>
      %dma_wait3A_136 = tpu.memref_squeeze %dma_wait3A_135 : memref<1x1x50xi32, #tpu.memory_space<hbm>> -> memref<50xi32, #tpu.memory_space<hbm>>
      tpu.wait_dma2 semaphore(%arg20 : memref<!tpu.dma_semaphore, #tpu.memory_space<semaphore_mem>>) src(%dma_wait3A_136 : memref<50xi32, #tpu.memory_space<hbm>>) dst(%arg10 : memref<50xi32, #tpu.memory_space<vmem>>)
      %dma_wait3A_137 = arith.constant 0 : i32
      %dma_wait3A_138 = tpu.memref_slice %arg7[%add3A_130, %dma_wait3A_137] : memref<200x50xi32, #tpu.memory_space<vmem>> -> memref<1x50xi32, #tpu.memory_space<vmem>>
      %dma_wait3A_139 = tpu.memref_squeeze %dma_wait3A_138 : memref<1x50xi32, #tpu.memory_space<vmem>> -> memref<50xi32, #tpu.memory_space<vmem>>
      %dma_wait3A_140 = arith.constant 0 : i32
      %dma_wait3A_141 = arith.constant 0 : i32
      %dma_wait3A_142 = tpu.memref_slice %arg2[%dma_wait3A_140, %dma_wait3A_141] : memref<10000x128xf32, #tpu.memory_space<hbm>> -> memref<10000x128xf32, #tpu.memory_space<hbm>>
      tpu.wait_indirect_dma semaphore(%arg17 : memref<!tpu.dma_semaphore, #tpu.memory_space<semaphore_mem>>) src(%dma_wait3A_142 : memref<10000x128xf32, #tpu.memory_space<hbm>>) dst(%arg13 : memref<50x128xf32, #tpu.memory_space<vmem>>)
      "tpu.region"() ({
        %run_scoped3A = tpu.sem_alloc : memref<!tpu.dma_semaphore, #tpu.memory_space<semaphore_mem>>
        %dma_start3A_150 = arith.constant 0 : i32
        %dma_start3A_151 = arith.constant 0 : i32
        %dma_start3A_152 = tpu.memref_slice %arg14[%dma_start3A_150, %dma_start3A_151] : memref<10240x128xf32, #tpu.memory_space<vmem_shared>> -> memref<10240x128xf32, #tpu.memory_space<vmem_shared>>
        tpu.enqueue_indirect_dma source(%arg13 : memref<50x128xf32, #tpu.memory_space<vmem>>) target(%dma_start3A_152 : memref<10240x128xf32, #tpu.memory_space<vmem_shared>>) offsets(%arg10 : memref<50xi32, #tpu.memory_space<vmem>>) semaphore(%run_scoped3A : memref<!tpu.dma_semaphore, #tpu.memory_space<semaphore_mem>>) {add = true}
        %dma_wait3A_153 = arith.constant 0 : i32
        %dma_wait3A_154 = arith.constant 0 : i32
        %dma_wait3A_155 = tpu.memref_slice %arg14[%dma_wait3A_153, %dma_wait3A_154] : memref<10240x128xf32, #tpu.memory_space<vmem_shared>> -> memref<10240x128xf32, #tpu.memory_space<vmem_shared>>
        tpu.wait_indirect_dma semaphore(%run_scoped3A : memref<!tpu.dma_semaphore, #tpu.memory_space<semaphore_mem>>) src(%arg13 : memref<50x128xf32, #tpu.memory_space<vmem>>) dst(%dma_wait3A_155 : memref<10240x128xf32, #tpu.memory_space<vmem_shared>>)
        tpu.yield
      }) : () -> ()
      %add3A_143 = arith.constant 3 : i32
      %add3A_144 = arith.addi %add3A_130, %add3A_143 : i32
      %lt3A_145 = arith.constant 200 : i32
      %lt3A_146 = arith.cmpi slt, %add3A_144, %lt3A_145 : i32
      %convert_element_type3A_147 = arith.extui %lt3A_146 : i1 to i32
      %cond3A_148 = arith.constant 0 : i32
      %cond3A_149 = arith.cmpi ne, %convert_element_type3A_147, %cond3A_148 : i32
      scf.if %cond3A_149 {
        %add3A_150 = arith.constant 3 : i32
        %add3A_151 = arith.addi %add3A_130, %add3A_150 : i32
        %dma_start3A_152 = arith.constant 0 : i32
        %dma_start3A_153 = tpu.memref_slice %arg7[%add3A_151, %dma_start3A_152] : memref<200x50xi32, #tpu.memory_space<vmem>> -> memref<1x50xi32, #tpu.memory_space<vmem>>
        %dma_start3A_154 = tpu.memref_squeeze %dma_start3A_153 : memref<1x50xi32, #tpu.memory_space<vmem>> -> memref<50xi32, #tpu.memory_space<vmem>>
        %dma_start3A_155 = arith.constant 0 : i32
        %dma_start3A_156 = arith.constant 0 : i32
        %dma_start3A_157 = tpu.memref_slice %arg2[%dma_start3A_155, %dma_start3A_156] : memref<10000x128xf32, #tpu.memory_space<hbm>> -> memref<10000x128xf32, #tpu.memory_space<hbm>>
        tpu.enqueue_indirect_dma source(%dma_start3A_157 : memref<10000x128xf32, #tpu.memory_space<hbm>>) target(%arg13 : memref<50x128xf32, #tpu.memory_space<vmem>>) offsets(%dma_start3A_154 : memref<50xi32, #tpu.memory_space<vmem>>) semaphore(%arg17 : memref<!tpu.dma_semaphore, #tpu.memory_space<semaphore_mem>>)
        %add3A_158 = arith.constant 3 : i32
        %add3A_159 = arith.addi %add3A_130, %add3A_158 : i32
        %dma_start3A_160 = arith.constant 0 : i32
        %dma_start3A_161 = tpu.memref_slice %arg4[%add3A, %add3A_159, %dma_start3A_160] : memref<32x200x50xi32, #tpu.memory_space<hbm>> -> memref<1x1x50xi32, #tpu.memory_space<hbm>>
        %dma_start3A_162 = tpu.memref_squeeze %dma_start3A_161 : memref<1x1x50xi32, #tpu.memory_space<hbm>> -> memref<50xi32, #tpu.memory_space<hbm>>
        %dma_start3A_163 = arith.constant 0 : i32
        %dma_start3A_164 = tpu.memref_slice %arg4[%add3A, %add3A_159, %dma_start3A_163] : memref<32x200x50xi32, #tpu.memory_space<hbm>> -> memref<1x1x50xi32, #tpu.memory_space<hbm>>
        %dma_start3A_165 = tpu.memref_squeeze %dma_start3A_164 : memref<1x1x50xi32, #tpu.memory_space<hbm>> -> memref<50xi32, #tpu.memory_space<hbm>>
        tpu.enqueue_dma source(%dma_start3A_165 : memref<50xi32, #tpu.memory_space<hbm>>) target(%arg10 : memref<50xi32, #tpu.memory_space<vmem>>) target_semaphore(%arg20 : memref<!tpu.dma_semaphore, #tpu.memory_space<semaphore_mem>>)
      } else {
      }
    }
    %scan3A_52 = arith.constant 66 : i32
    %dma_wait3A = arith.constant 198 : i32
    %dma_wait3A_53 = arith.constant 0 : i32
    %dma_wait3A_54 = tpu.memref_slice %arg4[%add3A, %dma_wait3A, %dma_wait3A_53] : memref<32x200x50xi32, #tpu.memory_space<hbm>> -> memref<1x1x50xi32, #tpu.memory_space<hbm>>
    %dma_wait3A_55 = tpu.memref_squeeze %dma_wait3A_54 : memref<1x1x50xi32, #tpu.memory_space<hbm>> -> memref<50xi32, #tpu.memory_space<hbm>>
    %dma_wait3A_56 = arith.constant 0 : i32
    %dma_wait3A_57 = tpu.memref_slice %arg4[%add3A, %dma_wait3A, %dma_wait3A_56] : memref<32x200x50xi32, #tpu.memory_space<hbm>> -> memref<1x1x50xi32, #tpu.memory_space<hbm>>
    %dma_wait3A_58 = tpu.memref_squeeze %dma_wait3A_57 : memref<1x1x50xi32, #tpu.memory_space<hbm>> -> memref<50xi32, #tpu.memory_space<hbm>>
    tpu.wait_dma2 semaphore(%arg18 : memref<!tpu.dma_semaphore, #tpu.memory_space<semaphore_mem>>) src(%dma_wait3A_58 : memref<50xi32, #tpu.memory_space<hbm>>) dst(%arg8 : memref<50xi32, #tpu.memory_space<vmem>>)
    %dma_wait3A_59 = arith.constant 198 : i32
    %dma_wait3A_60 = arith.constant 0 : i32
    %dma_wait3A_61 = tpu.memref_slice %arg7[%dma_wait3A_59, %dma_wait3A_60] : memref<200x50xi32, #tpu.memory_space<vmem>> -> memref<1x50xi32, #tpu.memory_space<vmem>>
    %dma_wait3A_62 = tpu.memref_squeeze %dma_wait3A_61 : memref<1x50xi32, #tpu.memory_space<vmem>> -> memref<50xi32, #tpu.memory_space<vmem>>
    %dma_wait3A_63 = arith.constant 0 : i32
    %dma_wait3A_64 = arith.constant 0 : i32
    %dma_wait3A_65 = tpu.memref_slice %arg2[%dma_wait3A_63, %dma_wait3A_64] : memref<10000x128xf32, #tpu.memory_space<hbm>> -> memref<10000x128xf32, #tpu.memory_space<hbm>>
    tpu.wait_indirect_dma semaphore(%arg15 : memref<!tpu.dma_semaphore, #tpu.memory_space<semaphore_mem>>) src(%dma_wait3A_65 : memref<10000x128xf32, #tpu.memory_space<hbm>>) dst(%arg11 : memref<50x128xf32, #tpu.memory_space<vmem>>)
    "tpu.region"() ({
      %run_scoped3A = tpu.sem_alloc : memref<!tpu.dma_semaphore, #tpu.memory_space<semaphore_mem>>
      %dma_start3A_87 = arith.constant 0 : i32
      %dma_start3A_88 = arith.constant 0 : i32
      %dma_start3A_89 = tpu.memref_slice %arg14[%dma_start3A_87, %dma_start3A_88] : memref<10240x128xf32, #tpu.memory_space<vmem_shared>> -> memref<10240x128xf32, #tpu.memory_space<vmem_shared>>
      tpu.enqueue_indirect_dma source(%arg11 : memref<50x128xf32, #tpu.memory_space<vmem>>) target(%dma_start3A_89 : memref<10240x128xf32, #tpu.memory_space<vmem_shared>>) offsets(%arg8 : memref<50xi32, #tpu.memory_space<vmem>>) semaphore(%run_scoped3A : memref<!tpu.dma_semaphore, #tpu.memory_space<semaphore_mem>>) {add = true}
      %dma_wait3A_90 = arith.constant 0 : i32
      %dma_wait3A_91 = arith.constant 0 : i32
      %dma_wait3A_92 = tpu.memref_slice %arg14[%dma_wait3A_90, %dma_wait3A_91] : memref<10240x128xf32, #tpu.memory_space<vmem_shared>> -> memref<10240x128xf32, #tpu.memory_space<vmem_shared>>
      tpu.wait_indirect_dma semaphore(%run_scoped3A : memref<!tpu.dma_semaphore, #tpu.memory_space<semaphore_mem>>) src(%arg11 : memref<50x128xf32, #tpu.memory_space<vmem>>) dst(%dma_wait3A_92 : memref<10240x128xf32, #tpu.memory_space<vmem_shared>>)
      tpu.yield
    }) : () -> ()
    %dma_wait3A_66 = arith.constant 199 : i32
    %dma_wait3A_67 = arith.constant 0 : i32
    %dma_wait3A_68 = tpu.memref_slice %arg4[%add3A, %dma_wait3A_66, %dma_wait3A_67] : memref<32x200x50xi32, #tpu.memory_space<hbm>> -> memref<1x1x50xi32, #tpu.memory_space<hbm>>
    %dma_wait3A_69 = tpu.memref_squeeze %dma_wait3A_68 : memref<1x1x50xi32, #tpu.memory_space<hbm>> -> memref<50xi32, #tpu.memory_space<hbm>>
    %dma_wait3A_70 = arith.constant 0 : i32
    %dma_wait3A_71 = tpu.memref_slice %arg4[%add3A, %dma_wait3A_66, %dma_wait3A_70] : memref<32x200x50xi32, #tpu.memory_space<hbm>> -> memref<1x1x50xi32, #tpu.memory_space<hbm>>
    %dma_wait3A_72 = tpu.memref_squeeze %dma_wait3A_71 : memref<1x1x50xi32, #tpu.memory_space<hbm>> -> memref<50xi32, #tpu.memory_space<hbm>>
    tpu.wait_dma2 semaphore(%arg19 : memref<!tpu.dma_semaphore, #tpu.memory_space<semaphore_mem>>) src(%dma_wait3A_72 : memref<50xi32, #tpu.memory_space<hbm>>) dst(%arg9 : memref<50xi32, #tpu.memory_space<vmem>>)
    %dma_wait3A_73 = arith.constant 199 : i32
    %dma_wait3A_74 = arith.constant 0 : i32
    %dma_wait3A_75 = tpu.memref_slice %arg7[%dma_wait3A_73, %dma_wait3A_74] : memref<200x50xi32, #tpu.memory_space<vmem>> -> memref<1x50xi32, #tpu.memory_space<vmem>>
    %dma_wait3A_76 = tpu.memref_squeeze %dma_wait3A_75 : memref<1x50xi32, #tpu.memory_space<vmem>> -> memref<50xi32, #tpu.memory_space<vmem>>
    %dma_wait3A_77 = arith.constant 0 : i32
    %dma_wait3A_78 = arith.constant 0 : i32
    %dma_wait3A_79 = tpu.memref_slice %arg2[%dma_wait3A_77, %dma_wait3A_78] : memref<10000x128xf32, #tpu.memory_space<hbm>> -> memref<10000x128xf32, #tpu.memory_space<hbm>>
    tpu.wait_indirect_dma semaphore(%arg16 : memref<!tpu.dma_semaphore, #tpu.memory_space<semaphore_mem>>) src(%dma_wait3A_79 : memref<10000x128xf32, #tpu.memory_space<hbm>>) dst(%arg12 : memref<50x128xf32, #tpu.memory_space<vmem>>)
    "tpu.region"() ({
      %run_scoped3A = tpu.sem_alloc : memref<!tpu.dma_semaphore, #tpu.memory_space<semaphore_mem>>
      %dma_start3A_87 = arith.constant 0 : i32
      %dma_start3A_88 = arith.constant 0 : i32
      %dma_start3A_89 = tpu.memref_slice %arg14[%dma_start3A_87, %dma_start3A_88] : memref<10240x128xf32, #tpu.memory_space<vmem_shared>> -> memref<10240x128xf32, #tpu.memory_space<vmem_shared>>
      tpu.enqueue_indirect_dma source(%arg12 : memref<50x128xf32, #tpu.memory_space<vmem>>) target(%dma_start3A_89 : memref<10240x128xf32, #tpu.memory_space<vmem_shared>>) offsets(%arg9 : memref<50xi32, #tpu.memory_space<vmem>>) semaphore(%run_scoped3A : memref<!tpu.dma_semaphore, #tpu.memory_space<semaphore_mem>>) {add = true}
      %dma_wait3A_90 = arith.constant 0 : i32
      %dma_wait3A_91 = arith.constant 0 : i32
      %dma_wait3A_92 = tpu.memref_slice %arg14[%dma_wait3A_90, %dma_wait3A_91] : memref<10240x128xf32, #tpu.memory_space<vmem_shared>> -> memref<10240x128xf32, #tpu.memory_space<vmem_shared>>
      tpu.wait_indirect_dma semaphore(%run_scoped3A : memref<!tpu.dma_semaphore, #tpu.memory_space<semaphore_mem>>) src(%arg12 : memref<50x128xf32, #tpu.memory_space<vmem>>) dst(%dma_wait3A_92 : memref<10240x128xf32, #tpu.memory_space<vmem_shared>>)
      tpu.yield
    }) : () -> ()
    %barrier3A_80 = arith.constant 0 : index
    tpu.barrier barrier_id(%barrier3A_80)
    %scan3A_81 = arith.constant 0 : i32
    %scan3A_82 = arith.constant 0 : i32
    %scan3A_83 = arith.constant 10 : i32
    %scan3A_84 = arith.addi %scan3A_82, %scan3A_83 : i32
    %scan3A_85 = arith.constant 1 : i32
    scf.for %scan3A_87 = %scan3A_82 to %scan3A_84 step %scan3A_85  : i32 {
      %mul3A_88 = arith.constant 640 : i32
      %mul3A_89 = arith.muli %arg1, %mul3A_88 : i32
      %mul3A_90 = arith.constant 64 : i32
      %mul3A_91 = arith.muli %scan3A_87, %mul3A_90 : i32
      %add3A_92 = arith.addi %mul3A_89, %mul3A_91 : i32
      "tpu.region"() ({
        %run_scoped3A = tpu.sem_alloc : memref<!tpu.dma_semaphore, #tpu.memory_space<semaphore_mem>>
        %dma_start3A_93 = arith.constant 0 : i32
        %dma_start3A_94 = arith.constant 0 : i32
        %dma_start3A_95 = tpu.memref_slice %arg11[%dma_start3A_93, %dma_start3A_94] : memref<50x128xf32, #tpu.memory_space<vmem>> -> memref<64x128xf32, #tpu.memory_space<vmem>>
        %dma_start3A_96 = arith.constant 0 : i32
        %dma_start3A_97 = tpu.memref_slice %arg14[%add3A_92, %dma_start3A_96] : memref<10240x128xf32, #tpu.memory_space<vmem_shared>> -> memref<64x128xf32, #tpu.memory_space<vmem_shared>>
        %dma_start3A_98 = arith.constant 0 : i32
        %dma_start3A_99 = arith.constant 0 : i32
        %dma_start3A_100 = tpu.memref_slice %arg11[%dma_start3A_98, %dma_start3A_99] : memref<50x128xf32, #tpu.memory_space<vmem>> -> memref<64x128xf32, #tpu.memory_space<vmem>>
        %dma_start3A_101 = arith.constant 0 : i32
        %dma_start3A_102 = tpu.memref_slice %arg14[%add3A_92, %dma_start3A_101] : memref<10240x128xf32, #tpu.memory_space<vmem_shared>> -> memref<64x128xf32, #tpu.memory_space<vmem_shared>>
        tpu.enqueue_dma source(%dma_start3A_102 : memref<64x128xf32, #tpu.memory_space<vmem_shared>>) target(%dma_start3A_100 : memref<64x128xf32, #tpu.memory_space<vmem>>) target_semaphore(%run_scoped3A : memref<!tpu.dma_semaphore, #tpu.memory_space<semaphore_mem>>)
        %dma_wait3A_103 = arith.constant 0 : i32
        %dma_wait3A_104 = arith.constant 0 : i32
        %dma_wait3A_105 = tpu.memref_slice %arg11[%dma_wait3A_103, %dma_wait3A_104] : memref<50x128xf32, #tpu.memory_space<vmem>> -> memref<64x128xf32, #tpu.memory_space<vmem>>
        %dma_wait3A_106 = arith.constant 0 : i32
        %dma_wait3A_107 = tpu.memref_slice %arg14[%add3A_92, %dma_wait3A_106] : memref<10240x128xf32, #tpu.memory_space<vmem_shared>> -> memref<64x128xf32, #tpu.memory_space<vmem_shared>>
        %dma_wait3A_108 = arith.constant 0 : i32
        %dma_wait3A_109 = arith.constant 0 : i32
        %dma_wait3A_110 = tpu.memref_slice %arg11[%dma_wait3A_108, %dma_wait3A_109] : memref<50x128xf32, #tpu.memory_space<vmem>> -> memref<64x128xf32, #tpu.memory_space<vmem>>
        %dma_wait3A_111 = arith.constant 0 : i32
        %dma_wait3A_112 = tpu.memref_slice %arg14[%add3A_92, %dma_wait3A_111] : memref<10240x128xf32, #tpu.memory_space<vmem_shared>> -> memref<64x128xf32, #tpu.memory_space<vmem_shared>>
        tpu.wait_dma2 semaphore(%run_scoped3A : memref<!tpu.dma_semaphore, #tpu.memory_space<semaphore_mem>>) src(%dma_wait3A_112 : memref<64x128xf32, #tpu.memory_space<vmem_shared>>) dst(%dma_wait3A_110 : memref<64x128xf32, #tpu.memory_space<vmem>>)
        tpu.yield
      }) : () -> ()
      "tpu.region"() ({
        %run_scoped3A = tpu.sem_alloc : memref<!tpu.dma_semaphore, #tpu.memory_space<semaphore_mem>>
        %dma_start3A_93 = arith.constant 0 : i32
        %dma_start3A_94 = arith.constant 0 : i32
        %dma_start3A_95 = tpu.memref_slice %arg11[%dma_start3A_93, %dma_start3A_94] : memref<50x128xf32, #tpu.memory_space<vmem>> -> memref<64x128xf32, #tpu.memory_space<vmem>>
        %dma_start3A_96 = arith.constant 0 : i32
        %dma_start3A_97 = tpu.memref_slice %arg6[%arg0, %add3A_92, %dma_start3A_96] : memref<2x10240x128xf32, #tpu.memory_space<hbm>> -> memref<1x64x128xf32, #tpu.memory_space<hbm>>
        %dma_start3A_98 = tpu.memref_squeeze %dma_start3A_97 : memref<1x64x128xf32, #tpu.memory_space<hbm>> -> memref<64x128xf32, #tpu.memory_space<hbm>>
        %dma_start3A_99 = arith.constant 0 : i32
        %dma_start3A_100 = tpu.memref_slice %arg6[%arg0, %add3A_92, %dma_start3A_99] : memref<2x10240x128xf32, #tpu.memory_space<hbm>> -> memref<1x64x128xf32, #tpu.memory_space<hbm>>
        %dma_start3A_101 = tpu.memref_squeeze %dma_start3A_100 : memref<1x64x128xf32, #tpu.memory_space<hbm>> -> memref<64x128xf32, #tpu.memory_space<hbm>>
        %dma_start3A_102 = arith.constant 0 : i32
        %dma_start3A_103 = arith.constant 0 : i32
        %dma_start3A_104 = tpu.memref_slice %arg11[%dma_start3A_102, %dma_start3A_103] : memref<50x128xf32, #tpu.memory_space<vmem>> -> memref<64x128xf32, #tpu.memory_space<vmem>>
        tpu.enqueue_dma source(%dma_start3A_104 : memref<64x128xf32, #tpu.memory_space<vmem>>) target(%dma_start3A_101 : memref<64x128xf32, #tpu.memory_space<hbm>>) target_semaphore(%run_scoped3A : memref<!tpu.dma_semaphore, #tpu.memory_space<semaphore_mem>>)
        %dma_wait3A_105 = arith.constant 0 : i32
        %dma_wait3A_106 = arith.constant 0 : i32
        %dma_wait3A_107 = tpu.memref_slice %arg11[%dma_wait3A_105, %dma_wait3A_106] : memref<50x128xf32, #tpu.memory_space<vmem>> -> memref<64x128xf32, #tpu.memory_space<vmem>>
        %dma_wait3A_108 = arith.constant 0 : i32
        %dma_wait3A_109 = tpu.memref_slice %arg6[%arg0, %add3A_92, %dma_wait3A_108] : memref<2x10240x128xf32, #tpu.memory_space<hbm>> -> memref<1x64x128xf32, #tpu.memory_space<hbm>>
        %dma_wait3A_110 = tpu.memref_squeeze %dma_wait3A_109 : memref<1x64x128xf32, #tpu.memory_space<hbm>> -> memref<64x128xf32, #tpu.memory_space<hbm>>
        %dma_wait3A_111 = arith.constant 0 : i32
        %dma_wait3A_112 = tpu.memref_slice %arg6[%arg0, %add3A_92, %dma_wait3A_111] : memref<2x10240x128xf32, #tpu.memory_space<hbm>> -> memref<1x64x128xf32, #tpu.memory_space<hbm>>
        %dma_wait3A_113 = tpu.memref_squeeze %dma_wait3A_112 : memref<1x64x128xf32, #tpu.memory_space<hbm>> -> memref<64x128xf32, #tpu.memory_space<hbm>>
        %dma_wait3A_114 = arith.constant 0 : i32
        %dma_wait3A_115 = arith.constant 0 : i32
        %dma_wait3A_116 = tpu.memref_slice %arg11[%dma_wait3A_114, %dma_wait3A_115] : memref<50x128xf32, #tpu.memory_space<vmem>> -> memref<64x128xf32, #tpu.memory_space<vmem>>
        tpu.wait_dma2 semaphore(%run_scoped3A : memref<!tpu.dma_semaphore, #tpu.memory_space<semaphore_mem>>) src(%dma_wait3A_116 : memref<64x128xf32, #tpu.memory_space<vmem>>) dst(%dma_wait3A_113 : memref<64x128xf32, #tpu.memory_space<hbm>>)
        tpu.yield
      }) : () -> ()
    }
    %scan3A_86 = arith.constant 10 : i32
    return
  }
}

module attributes {stable_mosaic.version = 14 : i64} {
  func.func @_proj_body(%arg0: i32, %arg1: memref<1000x128xf32, #tpu.memory_space<vmem>>, %arg2: memref<128x128xf32, #tpu.memory_space<vmem>>, %arg3: memref<1x128xf32, #tpu.memory_space<vmem>>, %arg4: memref<1000x128xf32, #tpu.memory_space<vmem>>) attributes {dimension_semantics = [#tpu.dimension_semantics<arbitrary>], iteration_bounds = array<i64: 10>, scalar_prefetch = 0 : i64, scratch_operands = 0 : i64, tpu.core_type = #tpu.core_type<tc>, window_params = [{transform_indices = @transform_0, window_bounds = array<i64: 1000, 128>}, {pipeline_mode = #tpu.pipeline_mode<synchronous>, transform_indices = @transform_1, window_bounds = array<i64: 128, 128>}, {pipeline_mode = #tpu.pipeline_mode<synchronous>, transform_indices = @transform_2, window_bounds = array<i64: 1, 128>}, {transform_indices = @transform_3, window_bounds = array<i64: 1000, 128>}]} {
    %get3A = arith.constant 0 : index
    %get3A_0 = arith.constant 0 : index
    %get3A_1 = vector.load %arg1[%get3A, %get3A_0] : memref<1000x128xf32, #tpu.memory_space<vmem>>, vector<1000x128xf32>
    %get3A_2 = arith.constant 0 : index
    %get3A_3 = arith.constant 0 : index
    %get3A_4 = vector.load %arg2[%get3A_2, %get3A_3] : memref<128x128xf32, #tpu.memory_space<vmem>>, vector<128x128xf32>
    %dot_general3A = arith.constant dense<0.000000e+00> : vector<1000x128xf32>
    %dot_general3A_5 = tpu.matmul %get3A_1, %get3A_4, %dot_general3A {dimension_numbers = #tpu.dot_dimension_numbers<[1], [0], [0], [1], [0, 0, 1, 1], [], []>, transpose_lhs_hint = false} : vector<1000x128xf32>, vector<128x128xf32>, vector<1000x128xf32> -> vector<1000x128xf32>
    %get3A_6 = arith.constant 0 : index
    %get3A_7 = arith.constant 0 : index
    %get3A_8 = vector.load %arg3[%get3A_6, %get3A_7] : memref<1x128xf32, #tpu.memory_space<vmem>>, vector<1x128xf32>
    %add3A = vector.broadcast %get3A_8 : vector<1x128xf32> to vector<1000x128xf32>
    %add3A_9 = arith.addf %dot_general3A_5, %add3A : vector<1000x128xf32>
    %swap3A = arith.constant 0 : index
    %swap3A_10 = arith.constant 0 : index
    %swap3A_11 = vector.load %arg4[%swap3A, %swap3A_10] : memref<1000x128xf32, #tpu.memory_space<vmem>>, vector<1000x128xf32>
    tpu.vector_store %arg4[%swap3A, %swap3A_10], %add3A_9 {strides = array<i32>} : memref<1000x128xf32, #tpu.memory_space<vmem>>, vector<1000x128xf32>,
    return
  }
  func.func @transform_0(%arg0: i32) -> (i32, i32) {
    %c0_i32 = arith.constant 0 : i32
    %c0_i32_0 = arith.constant 0 : i32
    return %arg0, %c0_i32 : i32, i32
  }
  func.func @transform_1(%arg0: i32) -> (i32, i32) {
    %c0_i32 = arith.constant 0 : i32
    %c0_i32_0 = arith.constant 0 : i32
    %c0_i32_1 = arith.constant 0 : i32
    return %c0_i32, %c0_i32_0 : i32, i32
  }
  func.func @transform_2(%arg0: i32) -> (i32, i32) {
    %c0_i32 = arith.constant 0 : i32
    %c0_i32_0 = arith.constant 0 : i32
    %c0_i32_1 = arith.constant 0 : i32
    return %c0_i32, %c0_i32_0 : i32, i32
  }
  func.func @transform_3(%arg0: i32) -> (i32, i32) {
    %c0_i32 = arith.constant 0 : i32
    %c0_i32_0 = arith.constant 0 : i32
    return %arg0, %c0_i32 : i32, i32
  }
}

module attributes {stable_mosaic.version = 14 : i64} {
  func.func @_block_body(%arg0: i32, %arg1: memref<1000x128xf32, #tpu.memory_space<vmem>>, %arg2: memref<2x1000x128xf32, #tpu.memory_space<vmem>>, %arg3: memref<1x32x1000xf32, #tpu.memory_space<vmem>>, %arg4: memref<1000x1xi32, #tpu.memory_space<vmem>>, %arg5: memref<128x128xf32, #tpu.memory_space<vmem>>, %arg6: memref<128x128xf32, #tpu.memory_space<vmem>>, %arg7: memref<1x128xf32, #tpu.memory_space<vmem>>, %arg8: memref<1x128xf32, #tpu.memory_space<vmem>>, %arg9: memref<1x128xf32, #tpu.memory_space<vmem>>, %arg10: memref<64x128xf32, #tpu.memory_space<vmem>>, %arg11: memref<1000x128xf32, #tpu.memory_space<vmem>>, %arg12: memref<64x128xf32, #tpu.memory_space<vmem>>, %arg13: memref<64x128xf32, #tpu.memory_space<vmem>>) attributes {dimension_semantics = [#tpu.dimension_semantics<arbitrary>], iteration_bounds = array<i64: 10>, scalar_prefetch = 0 : i64, scratch_operands = 1 : i64, tpu.core_type = #tpu.core_type<tc>, window_params = [{transform_indices = @transform_0, window_bounds = array<i64: 1000, 128>}, {transform_indices = @transform_1, window_bounds = array<i64: 2, 1000, 128>}, {transform_indices = @transform_2, window_bounds = array<i64: 1, 32, 1000>}, {transform_indices = @transform_3, window_bounds = array<i64: 1000, 1>}, {pipeline_mode = #tpu.pipeline_mode<synchronous>, transform_indices = @transform_4, window_bounds = array<i64: 128, 128>}, {pipeline_mode = #tpu.pipeline_mode<synchronous>, transform_indices = @transform_5, window_bounds = array<i64: 128, 128>}, {pipeline_mode = #tpu.pipeline_mode<synchronous>, transform_indices = @transform_6, window_bounds = array<i64: 1, 128>}, {pipeline_mode = #tpu.pipeline_mode<synchronous>, transform_indices = @transform_7, window_bounds = array<i64: 1, 128>}, {pipeline_mode = #tpu.pipeline_mode<synchronous>, transform_indices = @transform_8, window_bounds = array<i64: 1, 128>}, {pipeline_mode = #tpu.pipeline_mode<synchronous>, transform_indices = @transform_9, window_bounds = array<i64: 64, 128>}, {transform_indices = @transform_10, window_bounds = array<i64: 1000, 128>}, {pipeline_mode = #tpu.pipeline_mode<synchronous>, transform_indices = @transform_11, window_bounds = array<i64: 64, 128>}]} {
    %get3A = arith.constant 0 : index
    %get3A_0 = arith.constant 0 : index
    %get3A_1 = vector.load %arg1[%get3A, %get3A_0] : memref<1000x128xf32, #tpu.memory_space<vmem>>, vector<1000x128xf32>
    %get3A_2 = arith.constant 0 : index
    %get3A_3 = arith.constant 0 : index
    %get3A_4 = arith.constant 0 : index
    %get3A_5 = vector.load %arg2[%get3A_2, %get3A_3, %get3A_4] : memref<2x1000x128xf32, #tpu.memory_space<vmem>>, vector<1x1000x128xf32>
    %get3A_6 = vector.shape_cast %get3A_5 : vector<1x1000x128xf32> to vector<1000x128xf32>
    %get3A_7 = arith.constant 1 : index
    %get3A_8 = arith.constant 0 : index
    %get3A_9 = arith.constant 0 : index
    %get3A_10 = vector.load %arg2[%get3A_7, %get3A_8, %get3A_9] : memref<2x1000x128xf32, #tpu.memory_space<vmem>>, vector<1x1000x128xf32>
    %get3A_11 = vector.shape_cast %get3A_10 : vector<1x1000x128xf32> to vector<1000x128xf32>
    %add3A = arith.addf %get3A_6, %get3A_11 : vector<1000x128xf32>
    %broadcast_in_dim3A = arith.constant 1.000000e+00 : f32
    %broadcast_in_dim3A_12 = vector.broadcast %broadcast_in_dim3A : f32 to vector<32x1xf32>
    %get3A_13 = arith.constant 0 : index
    %get3A_14 = arith.constant 0 : index
    %get3A_15 = arith.constant 0 : index
    %get3A_16 = vector.load %arg3[%get3A_13, %get3A_14, %get3A_15] : memref<1x32x1000xf32, #tpu.memory_space<vmem>>, vector<1x32x1000xf32>
    %get3A_17 = vector.shape_cast %get3A_16 : vector<1x32x1000xf32> to vector<32x1000xf32>
    %dot_general3A = arith.constant dense<0.000000e+00> : vector<1000x1xf32>
    %dot_general3A_18 = tpu.matmul %get3A_17, %broadcast_in_dim3A_12, %dot_general3A {dimension_numbers = #tpu.dot_dimension_numbers<[0], [0], [1], [1], [0, 1, 1, 1], [], []>, transpose_lhs_hint = false} : vector<32x1000xf32>, vector<32x1xf32>, vector<1000x1xf32> -> vector<1000x1xf32>
    %max3A = arith.constant 1.000000e+00 : f32
    %max3A_19 = vector.broadcast %max3A : f32 to vector<1000x1xf32>
    %max3A_20 = arith.maximumf %dot_general3A_18, %max3A_19 : vector<1000x1xf32>
    %div3A = vector.broadcast %max3A_20 : vector<1000x1xf32> to vector<1000x128xf32>
    %div3A_21 = arith.divf %add3A, %div3A : vector<1000x128xf32>
    %get3A_22 = arith.constant 0 : index
    %get3A_23 = arith.constant 0 : index
    %get3A_24 = vector.load %arg5[%get3A_22, %get3A_23] : memref<128x128xf32, #tpu.memory_space<vmem>>, vector<128x128xf32>
    %dot_general3A_25 = arith.constant dense<0.000000e+00> : vector<1000x128xf32>
    %dot_general3A_26 = tpu.matmul %get3A_1, %get3A_24, %dot_general3A_25 {dimension_numbers = #tpu.dot_dimension_numbers<[1], [0], [0], [1], [0, 0, 1, 1], [], []>, transpose_lhs_hint = false} : vector<1000x128xf32>, vector<128x128xf32>, vector<1000x128xf32> -> vector<1000x128xf32>
    %get3A_27 = arith.constant 0 : index
    %get3A_28 = arith.constant 0 : index
    %get3A_29 = vector.load %arg6[%get3A_27, %get3A_28] : memref<128x128xf32, #tpu.memory_space<vmem>>, vector<128x128xf32>
    %dot_general3A_30 = arith.constant dense<0.000000e+00> : vector<1000x128xf32>
    %dot_general3A_31 = tpu.matmul %div3A_21, %get3A_29, %dot_general3A_30 {dimension_numbers = #tpu.dot_dimension_numbers<[1], [0], [0], [1], [0, 0, 1, 1], [], []>, transpose_lhs_hint = false} : vector<1000x128xf32>, vector<128x128xf32>, vector<1000x128xf32> -> vector<1000x128xf32>
    %add3A_32 = arith.addf %dot_general3A_26, %dot_general3A_31 : vector<1000x128xf32>
    %get3A_33 = arith.constant 0 : index
    %get3A_34 = arith.constant 0 : index
    %get3A_35 = vector.load %arg7[%get3A_33, %get3A_34] : memref<1x128xf32, #tpu.memory_space<vmem>>, vector<1x128xf32>
    %add3A_36 = vector.broadcast %get3A_35 : vector<1x128xf32> to vector<1000x128xf32>
    %add3A_37 = arith.addf %add3A_32, %add3A_36 : vector<1000x128xf32>
    %get3A_38 = arith.constant 0 : index
    %get3A_39 = arith.constant 0 : index
    %get3A_40 = vector.load %arg4[%get3A_38, %get3A_39] : memref<1000x1xi32, #tpu.memory_space<vmem>>, vector<1000x1xi32>
    %iota3A = tpu.iota {dimensions = array<i32: 1>} : vector<1000x64xi32>
    %eq3A = vector.broadcast %get3A_40 : vector<1000x1xi32> to vector<1000x64xi32>
    %eq3A_41 = arith.cmpi eq, %eq3A, %iota3A : vector<1000x64xi32>
    %convert_element_type3A = arith.extui %eq3A_41 : vector<1000x64xi1> to vector<1000x64xi32>
    %convert_element_type3A_42 = arith.sitofp %convert_element_type3A : vector<1000x64xi32> to vector<1000x64xf32>
    %dot_general3A_43 = arith.constant dense<0.000000e+00> : vector<64x128xf32>
    %dot_general3A_44 = tpu.matmul %convert_element_type3A_42, %add3A_37, %dot_general3A_43 {dimension_numbers = #tpu.dot_dimension_numbers<[0], [0], [1], [1], [0, 1, 1, 1], [], []>, transpose_lhs_hint = false} : vector<1000x64xf32>, vector<1000x128xf32>, vector<64x128xf32> -> vector<64x128xf32>
    %eq3A_45 = arith.constant 0 : i32
    %eq3A_46 = arith.cmpi eq, %arg0, %eq3A_45 : i32
    %convert_element_type3A_47 = arith.extui %eq3A_46 : i1 to i32
    %cond3A = arith.constant 0 : i32
    %cond3A_48 = arith.cmpi ne, %convert_element_type3A_47, %cond3A : i32
    scf.if %cond3A_48 {
      %swap3A_92 = arith.constant 0 : index
      %swap3A_93 = arith.constant 0 : index
      %swap3A_94 = vector.load %arg13[%swap3A_92, %swap3A_93] : memref<64x128xf32, #tpu.memory_space<vmem>>, vector<64x128xf32>
      tpu.vector_store %arg13[%swap3A_92, %swap3A_93], %dot_general3A_44 {strides = array<i32>} : memref<64x128xf32, #tpu.memory_space<vmem>>, vector<64x128xf32>,
    } else {
    }
    %gt3A = arith.constant 0 : i32
    %gt3A_49 = arith.cmpi sgt, %arg0, %gt3A : i32
    %convert_element_type3A_50 = arith.extui %gt3A_49 : i1 to i32
    %cond3A_51 = arith.constant 0 : i32
    %cond3A_52 = arith.cmpi ne, %convert_element_type3A_50, %cond3A_51 : i32
    scf.if %cond3A_52 {
      %get3A_92 = arith.constant 0 : index
      %get3A_93 = arith.constant 0 : index
      %get3A_94 = vector.load %arg13[%get3A_92, %get3A_93] : memref<64x128xf32, #tpu.memory_space<vmem>>, vector<64x128xf32>
      %add3A_95 = arith.addf %get3A_94, %dot_general3A_44 : vector<64x128xf32>
      %swap3A_96 = arith.constant 0 : index
      %swap3A_97 = arith.constant 0 : index
      %swap3A_98 = vector.load %arg13[%swap3A_96, %swap3A_97] : memref<64x128xf32, #tpu.memory_space<vmem>>, vector<64x128xf32>
      tpu.vector_store %arg13[%swap3A_96, %swap3A_97], %add3A_95 {strides = array<i32>} : memref<64x128xf32, #tpu.memory_space<vmem>>, vector<64x128xf32>,
    } else {
    }
    %get3A_53 = arith.constant 0 : index
    %get3A_54 = arith.constant 0 : index
    %get3A_55 = vector.load %arg8[%get3A_53, %get3A_54] : memref<1x128xf32, #tpu.memory_space<vmem>>, vector<1x128xf32>
    %get3A_56 = arith.constant 0 : index
    %get3A_57 = arith.constant 0 : index
    %get3A_58 = vector.load %arg9[%get3A_56, %get3A_57] : memref<1x128xf32, #tpu.memory_space<vmem>>, vector<1x128xf32>
    %add3A_59 = arith.addf %add3A_37, %get3A_1 : vector<1000x128xf32>
    %reduce_sum3A = arith.constant dense<0.000000e+00> : vector<1000xf32>
    %reduce_sum3A_60 = vector.multi_reduction <add>, %add3A_59, %reduce_sum3A [1] : vector<1000x128xf32> to vector<1000xf32>
    %broadcast_in_dim3A_61 = vector.shape_cast %reduce_sum3A_60 : vector<1000xf32> to vector<1000x1xf32>
    %div3A_62 = arith.constant 1.280000e+02 : f32
    %div3A_63 = vector.broadcast %div3A_62 : f32 to vector<1000x1xf32>
    %div3A_64 = arith.divf %broadcast_in_dim3A_61, %div3A_63 : vector<1000x1xf32>
    %sub3A = vector.broadcast %div3A_64 : vector<1000x1xf32> to vector<1000x128xf32>
    %sub3A_65 = arith.subf %add3A_59, %sub3A : vector<1000x128xf32>
    %integer_pow3A = arith.mulf %sub3A_65, %sub3A_65 : vector<1000x128xf32>
    %reduce_sum3A_66 = arith.constant dense<0.000000e+00> : vector<1000xf32>
    %reduce_sum3A_67 = vector.multi_reduction <add>, %integer_pow3A, %reduce_sum3A_66 [1] : vector<1000x128xf32> to vector<1000xf32>
    %broadcast_in_dim3A_68 = vector.shape_cast %reduce_sum3A_67 : vector<1000xf32> to vector<1000x1xf32>
    %div3A_69 = arith.constant 1.280000e+02 : f32
    %div3A_70 = vector.broadcast %div3A_69 : f32 to vector<1000x1xf32>
    %div3A_71 = arith.divf %broadcast_in_dim3A_68, %div3A_70 : vector<1000x1xf32>
    %sub3A_72 = vector.broadcast %div3A_64 : vector<1000x1xf32> to vector<1000x128xf32>
    %sub3A_73 = arith.subf %add3A_59, %sub3A_72 : vector<1000x128xf32>
    %add3A_74 = arith.constant 9.99999974E-6 : f32
    %add3A_75 = vector.broadcast %add3A_74 : f32 to vector<1000x1xf32>
    %add3A_76 = arith.addf %div3A_71, %add3A_75 : vector<1000x1xf32>
    %rsqrt3A = math.rsqrt %add3A_76 : vector<1000x1xf32>
    %mul3A = vector.broadcast %rsqrt3A : vector<1000x1xf32> to vector<1000x128xf32>
    %mul3A_77 = arith.mulf %sub3A_73, %mul3A : vector<1000x128xf32>
    %mul3A_78 = vector.broadcast %get3A_55 : vector<1x128xf32> to vector<1000x128xf32>
    %mul3A_79 = arith.mulf %mul3A_77, %mul3A_78 : vector<1000x128xf32>
    %add3A_80 = vector.broadcast %get3A_58 : vector<1x128xf32> to vector<1000x128xf32>
    %add3A_81 = arith.addf %mul3A_79, %add3A_80 : vector<1000x128xf32>
    %max3A_82 = arith.constant 0.000000e+00 : f32
    %max3A_83 = vector.broadcast %max3A_82 : f32 to vector<1000x128xf32>
    %max3A_84 = arith.maximumf %add3A_81, %max3A_83 : vector<1000x128xf32>
    %swap3A = arith.constant 0 : index
    %swap3A_85 = arith.constant 0 : index
    %swap3A_86 = vector.load %arg11[%swap3A, %swap3A_85] : memref<1000x128xf32, #tpu.memory_space<vmem>>, vector<1000x128xf32>
    tpu.vector_store %arg11[%swap3A, %swap3A_85], %max3A_84 {strides = array<i32>} : memref<1000x128xf32, #tpu.memory_space<vmem>>, vector<1000x128xf32>,
    %eq3A_87 = arith.constant 9 : i32
    %eq3A_88 = arith.cmpi eq, %arg0, %eq3A_87 : i32
    %convert_element_type3A_89 = arith.extui %eq3A_88 : i1 to i32
    %cond3A_90 = arith.constant 0 : i32
    %cond3A_91 = arith.cmpi ne, %convert_element_type3A_89, %cond3A_90 : i32
    scf.if %cond3A_91 {
      %get3A_92 = arith.constant 0 : index
      %get3A_93 = arith.constant 0 : index
      %get3A_94 = vector.load %arg13[%get3A_92, %get3A_93] : memref<64x128xf32, #tpu.memory_space<vmem>>, vector<64x128xf32>
      %get3A_95 = arith.constant 0 : index
      %get3A_96 = arith.constant 0 : index
      %get3A_97 = vector.load %arg10[%get3A_95, %get3A_96] : memref<64x128xf32, #tpu.memory_space<vmem>>, vector<64x128xf32>
      %add3A_98 = arith.addf %get3A_94, %get3A_97 : vector<64x128xf32>
      %reduce_sum3A_99 = arith.constant dense<0.000000e+00> : vector<64xf32>
      %reduce_sum3A_100 = vector.multi_reduction <add>, %add3A_98, %reduce_sum3A_99 [1] : vector<64x128xf32> to vector<64xf32>
      %broadcast_in_dim3A_101 = vector.shape_cast %reduce_sum3A_100 : vector<64xf32> to vector<64x1xf32>
      %div3A_102 = arith.constant 1.280000e+02 : f32
      %div3A_103 = vector.broadcast %div3A_102 : f32 to vector<64x1xf32>
      %div3A_104 = arith.divf %broadcast_in_dim3A_101, %div3A_103 : vector<64x1xf32>
      %sub3A_105 = vector.broadcast %div3A_104 : vector<64x1xf32> to vector<64x128xf32>
      %sub3A_106 = arith.subf %add3A_98, %sub3A_105 : vector<64x128xf32>
      %integer_pow3A_107 = arith.mulf %sub3A_106, %sub3A_106 : vector<64x128xf32>
      %reduce_sum3A_108 = arith.constant dense<0.000000e+00> : vector<64xf32>
      %reduce_sum3A_109 = vector.multi_reduction <add>, %integer_pow3A_107, %reduce_sum3A_108 [1] : vector<64x128xf32> to vector<64xf32>
      %broadcast_in_dim3A_110 = vector.shape_cast %reduce_sum3A_109 : vector<64xf32> to vector<64x1xf32>
      %div3A_111 = arith.constant 1.280000e+02 : f32
      %div3A_112 = vector.broadcast %div3A_111 : f32 to vector<64x1xf32>
      %div3A_113 = arith.divf %broadcast_in_dim3A_110, %div3A_112 : vector<64x1xf32>
      %sub3A_114 = vector.broadcast %div3A_104 : vector<64x1xf32> to vector<64x128xf32>
      %sub3A_115 = arith.subf %add3A_98, %sub3A_114 : vector<64x128xf32>
      %add3A_116 = arith.constant 9.99999974E-6 : f32
      %add3A_117 = vector.broadcast %add3A_116 : f32 to vector<64x1xf32>
      %add3A_118 = arith.addf %div3A_113, %add3A_117 : vector<64x1xf32>
      %rsqrt3A_119 = math.rsqrt %add3A_118 : vector<64x1xf32>
      %mul3A_120 = vector.broadcast %rsqrt3A_119 : vector<64x1xf32> to vector<64x128xf32>
      %mul3A_121 = arith.mulf %sub3A_115, %mul3A_120 : vector<64x128xf32>
      %mul3A_122 = vector.broadcast %get3A_55 : vector<1x128xf32> to vector<64x128xf32>
      %mul3A_123 = arith.mulf %mul3A_121, %mul3A_122 : vector<64x128xf32>
      %add3A_124 = vector.broadcast %get3A_58 : vector<1x128xf32> to vector<64x128xf32>
      %add3A_125 = arith.addf %mul3A_123, %add3A_124 : vector<64x128xf32>
      %max3A_126 = arith.constant 0.000000e+00 : f32
      %max3A_127 = vector.broadcast %max3A_126 : f32 to vector<64x128xf32>
      %max3A_128 = arith.maximumf %add3A_125, %max3A_127 : vector<64x128xf32>
      %swap3A_129 = arith.constant 0 : index
      %swap3A_130 = arith.constant 0 : index
      %swap3A_131 = vector.load %arg12[%swap3A_129, %swap3A_130] : memref<64x128xf32, #tpu.memory_space<vmem>>, vector<64x128xf32>
      tpu.vector_store %arg12[%swap3A_129, %swap3A_130], %max3A_128 {strides = array<i32>} : memref<64x128xf32, #tpu.memory_space<vmem>>, vector<64x128xf32>,
    } else {
    }
    return
  }
  func.func @transform_0(%arg0: i32) -> (i32, i32) {
    %c0_i32 = arith.constant 0 : i32
    %c0_i32_0 = arith.constant 0 : i32
    return %arg0, %c0_i32 : i32, i32
  }
  func.func @transform_1(%arg0: i32) -> (i32, i32, i32) {
    %c0_i32 = arith.constant 0 : i32
    %c0_i32_0 = arith.constant 0 : i32
    %c0_i32_1 = arith.constant 0 : i32
    return %c0_i32, %arg0, %c0_i32_0 : i32, i32, i32
  }
  func.func @transform_2(%arg0: i32) -> (i32, i32, i32) {
    %c0_i32 = arith.constant 0 : i32
    %c0_i32_0 = arith.constant 0 : i32
    %c0_i32_1 = arith.constant 0 : i32
    return %arg0, %c0_i32, %c0_i32_0 : i32, i32, i32
  }
  func.func @transform_3(%arg0: i32) -> (i32, i32) {
    %c0_i32 = arith.constant 0 : i32
    %c0_i32_0 = arith.constant 0 : i32
    return %arg0, %c0_i32 : i32, i32
  }
  func.func @transform_4(%arg0: i32) -> (i32, i32) {
    %c0_i32 = arith.constant 0 : i32
    %c0_i32_0 = arith.constant 0 : i32
    %c0_i32_1 = arith.constant 0 : i32
    return %c0_i32, %c0_i32_0 : i32, i32
  }
  func.func @transform_5(%arg0: i32) -> (i32, i32) {
    %c0_i32 = arith.constant 0 : i32
    %c0_i32_0 = arith.constant 0 : i32
    %c0_i32_1 = arith.constant 0 : i32
    return %c0_i32, %c0_i32_0 : i32, i32
  }
  func.func @transform_6(%arg0: i32) -> (i32, i32) {
    %c0_i32 = arith.constant 0 : i32
    %c0_i32_0 = arith.constant 0 : i32
    %c0_i32_1 = arith.constant 0 : i32
    return %c0_i32, %c0_i32_0 : i32, i32
  }
  func.func @transform_7(%arg0: i32) -> (i32, i32) {
    %c0_i32 = arith.constant 0 : i32
    %c0_i32_0 = arith.constant 0 : i32
    %c0_i32_1 = arith.constant 0 : i32
    return %c0_i32, %c0_i32_0 : i32, i32
  }
  func.func @transform_8(%arg0: i32) -> (i32, i32) {
    %c0_i32 = arith.constant 0 : i32
    %c0_i32_0 = arith.constant 0 : i32
    %c0_i32_1 = arith.constant 0 : i32
    return %c0_i32, %c0_i32_0 : i32, i32
  }
  func.func @transform_9(%arg0: i32) -> (i32, i32) {
    %c0_i32 = arith.constant 0 : i32
    %c0_i32_0 = arith.constant 0 : i32
    %c0_i32_1 = arith.constant 0 : i32
    return %c0_i32, %c0_i32_0 : i32, i32
  }
  func.func @transform_10(%arg0: i32) -> (i32, i32) {
    %c0_i32 = arith.constant 0 : i32
    %c0_i32_0 = arith.constant 0 : i32
    return %arg0, %c0_i32 : i32, i32
  }
  func.func @transform_11(%arg0: i32) -> (i32, i32) {
    %c0_i32 = arith.constant 0 : i32
    %c0_i32_0 = arith.constant 0 : i32
    %c0_i32_1 = arith.constant 0 : i32
    return %c0_i32, %c0_i32_0 : i32, i32
  }
}

module attributes {stable_mosaic.version = 14 : i64} {
  func.func @_block_body(%arg0: i32, %arg1: memref<1000x128xf32, #tpu.memory_space<vmem>>, %arg2: memref<2x1000x128xf32, #tpu.memory_space<vmem>>, %arg3: memref<1x32x1000xf32, #tpu.memory_space<vmem>>, %arg4: memref<1000x1xi32, #tpu.memory_space<vmem>>, %arg5: memref<128x128xf32, #tpu.memory_space<vmem>>, %arg6: memref<128x128xf32, #tpu.memory_space<vmem>>, %arg7: memref<1x128xf32, #tpu.memory_space<vmem>>, %arg8: memref<1x128xf32, #tpu.memory_space<vmem>>, %arg9: memref<1x128xf32, #tpu.memory_space<vmem>>, %arg10: memref<64x128xf32, #tpu.memory_space<vmem>>, %arg11: memref<1000x128xf32, #tpu.memory_space<vmem>>, %arg12: memref<64x128xf32, #tpu.memory_space<vmem>>, %arg13: memref<64x128xf32, #tpu.memory_space<vmem>>) attributes {dimension_semantics = [#tpu.dimension_semantics<arbitrary>], iteration_bounds = array<i64: 10>, scalar_prefetch = 0 : i64, scratch_operands = 1 : i64, tpu.core_type = #tpu.core_type<tc>, window_params = [{transform_indices = @transform_0, window_bounds = array<i64: 1000, 128>}, {transform_indices = @transform_1, window_bounds = array<i64: 2, 1000, 128>}, {transform_indices = @transform_2, window_bounds = array<i64: 1, 32, 1000>}, {transform_indices = @transform_3, window_bounds = array<i64: 1000, 1>}, {pipeline_mode = #tpu.pipeline_mode<synchronous>, transform_indices = @transform_4, window_bounds = array<i64: 128, 128>}, {pipeline_mode = #tpu.pipeline_mode<synchronous>, transform_indices = @transform_5, window_bounds = array<i64: 128, 128>}, {pipeline_mode = #tpu.pipeline_mode<synchronous>, transform_indices = @transform_6, window_bounds = array<i64: 1, 128>}, {pipeline_mode = #tpu.pipeline_mode<synchronous>, transform_indices = @transform_7, window_bounds = array<i64: 1, 128>}, {pipeline_mode = #tpu.pipeline_mode<synchronous>, transform_indices = @transform_8, window_bounds = array<i64: 1, 128>}, {pipeline_mode = #tpu.pipeline_mode<synchronous>, transform_indices = @transform_9, window_bounds = array<i64: 64, 128>}, {transform_indices = @transform_10, window_bounds = array<i64: 1000, 128>}, {pipeline_mode = #tpu.pipeline_mode<synchronous>, transform_indices = @transform_11, window_bounds = array<i64: 64, 128>}]} {
    %get3A = arith.constant 0 : index
    %get3A_0 = arith.constant 0 : index
    %get3A_1 = vector.load %arg1[%get3A, %get3A_0] : memref<1000x128xf32, #tpu.memory_space<vmem>>, vector<1000x128xf32>
    %get3A_2 = arith.constant 0 : index
    %get3A_3 = arith.constant 0 : index
    %get3A_4 = arith.constant 0 : index
    %get3A_5 = vector.load %arg2[%get3A_2, %get3A_3, %get3A_4] : memref<2x1000x128xf32, #tpu.memory_space<vmem>>, vector<1x1000x128xf32>
    %get3A_6 = vector.shape_cast %get3A_5 : vector<1x1000x128xf32> to vector<1000x128xf32>
    %get3A_7 = arith.constant 1 : index
    %get3A_8 = arith.constant 0 : index
    %get3A_9 = arith.constant 0 : index
    %get3A_10 = vector.load %arg2[%get3A_7, %get3A_8, %get3A_9] : memref<2x1000x128xf32, #tpu.memory_space<vmem>>, vector<1x1000x128xf32>
    %get3A_11 = vector.shape_cast %get3A_10 : vector<1x1000x128xf32> to vector<1000x128xf32>
    %add3A = arith.addf %get3A_6, %get3A_11 : vector<1000x128xf32>
    %broadcast_in_dim3A = arith.constant 1.000000e+00 : f32
    %broadcast_in_dim3A_12 = vector.broadcast %broadcast_in_dim3A : f32 to vector<32x1xf32>
    %get3A_13 = arith.constant 0 : index
    %get3A_14 = arith.constant 0 : index
    %get3A_15 = arith.constant 0 : index
    %get3A_16 = vector.load %arg3[%get3A_13, %get3A_14, %get3A_15] : memref<1x32x1000xf32, #tpu.memory_space<vmem>>, vector<1x32x1000xf32>
    %get3A_17 = vector.shape_cast %get3A_16 : vector<1x32x1000xf32> to vector<32x1000xf32>
    %dot_general3A = arith.constant dense<0.000000e+00> : vector<1000x1xf32>
    %dot_general3A_18 = tpu.matmul %get3A_17, %broadcast_in_dim3A_12, %dot_general3A {dimension_numbers = #tpu.dot_dimension_numbers<[0], [0], [1], [1], [0, 1, 1, 1], [], []>, transpose_lhs_hint = false} : vector<32x1000xf32>, vector<32x1xf32>, vector<1000x1xf32> -> vector<1000x1xf32>
    %max3A = arith.constant 1.000000e+00 : f32
    %max3A_19 = vector.broadcast %max3A : f32 to vector<1000x1xf32>
    %max3A_20 = arith.maximumf %dot_general3A_18, %max3A_19 : vector<1000x1xf32>
    %div3A = vector.broadcast %max3A_20 : vector<1000x1xf32> to vector<1000x128xf32>
    %div3A_21 = arith.divf %add3A, %div3A : vector<1000x128xf32>
    %get3A_22 = arith.constant 0 : index
    %get3A_23 = arith.constant 0 : index
    %get3A_24 = vector.load %arg5[%get3A_22, %get3A_23] : memref<128x128xf32, #tpu.memory_space<vmem>>, vector<128x128xf32>
    %dot_general3A_25 = arith.constant dense<0.000000e+00> : vector<1000x128xf32>
    %dot_general3A_26 = tpu.matmul %get3A_1, %get3A_24, %dot_general3A_25 {dimension_numbers = #tpu.dot_dimension_numbers<[1], [0], [0], [1], [0, 0, 1, 1], [], []>, transpose_lhs_hint = false} : vector<1000x128xf32>, vector<128x128xf32>, vector<1000x128xf32> -> vector<1000x128xf32>
    %get3A_27 = arith.constant 0 : index
    %get3A_28 = arith.constant 0 : index
    %get3A_29 = vector.load %arg6[%get3A_27, %get3A_28] : memref<128x128xf32, #tpu.memory_space<vmem>>, vector<128x128xf32>
    %dot_general3A_30 = arith.constant dense<0.000000e+00> : vector<1000x128xf32>
    %dot_general3A_31 = tpu.matmul %div3A_21, %get3A_29, %dot_general3A_30 {dimension_numbers = #tpu.dot_dimension_numbers<[1], [0], [0], [1], [0, 0, 1, 1], [], []>, transpose_lhs_hint = false} : vector<1000x128xf32>, vector<128x128xf32>, vector<1000x128xf32> -> vector<1000x128xf32>
    %add3A_32 = arith.addf %dot_general3A_26, %dot_general3A_31 : vector<1000x128xf32>
    %get3A_33 = arith.constant 0 : index
    %get3A_34 = arith.constant 0 : index
    %get3A_35 = vector.load %arg7[%get3A_33, %get3A_34] : memref<1x128xf32, #tpu.memory_space<vmem>>, vector<1x128xf32>
    %add3A_36 = vector.broadcast %get3A_35 : vector<1x128xf32> to vector<1000x128xf32>
    %add3A_37 = arith.addf %add3A_32, %add3A_36 : vector<1000x128xf32>
    %get3A_38 = arith.constant 0 : index
    %get3A_39 = arith.constant 0 : index
    %get3A_40 = vector.load %arg4[%get3A_38, %get3A_39] : memref<1000x1xi32, #tpu.memory_space<vmem>>, vector<1000x1xi32>
    %iota3A = tpu.iota {dimensions = array<i32: 1>} : vector<1000x64xi32>
    %eq3A = vector.broadcast %get3A_40 : vector<1000x1xi32> to vector<1000x64xi32>
    %eq3A_41 = arith.cmpi eq, %eq3A, %iota3A : vector<1000x64xi32>
    %convert_element_type3A = arith.extui %eq3A_41 : vector<1000x64xi1> to vector<1000x64xi32>
    %convert_element_type3A_42 = arith.sitofp %convert_element_type3A : vector<1000x64xi32> to vector<1000x64xf32>
    %dot_general3A_43 = arith.constant dense<0.000000e+00> : vector<64x128xf32>
    %dot_general3A_44 = tpu.matmul %convert_element_type3A_42, %add3A_37, %dot_general3A_43 {dimension_numbers = #tpu.dot_dimension_numbers<[0], [0], [1], [1], [0, 1, 1, 1], [], []>, transpose_lhs_hint = false} : vector<1000x64xf32>, vector<1000x128xf32>, vector<64x128xf32> -> vector<64x128xf32>
    %eq3A_45 = arith.constant 0 : i32
    %eq3A_46 = arith.cmpi eq, %arg0, %eq3A_45 : i32
    %convert_element_type3A_47 = arith.extui %eq3A_46 : i1 to i32
    %cond3A = arith.constant 0 : i32
    %cond3A_48 = arith.cmpi ne, %convert_element_type3A_47, %cond3A : i32
    scf.if %cond3A_48 {
      %swap3A_92 = arith.constant 0 : index
      %swap3A_93 = arith.constant 0 : index
      %swap3A_94 = vector.load %arg13[%swap3A_92, %swap3A_93] : memref<64x128xf32, #tpu.memory_space<vmem>>, vector<64x128xf32>
      tpu.vector_store %arg13[%swap3A_92, %swap3A_93], %dot_general3A_44 {strides = array<i32>} : memref<64x128xf32, #tpu.memory_space<vmem>>, vector<64x128xf32>,
    } else {
    }
    %gt3A = arith.constant 0 : i32
    %gt3A_49 = arith.cmpi sgt, %arg0, %gt3A : i32
    %convert_element_type3A_50 = arith.extui %gt3A_49 : i1 to i32
    %cond3A_51 = arith.constant 0 : i32
    %cond3A_52 = arith.cmpi ne, %convert_element_type3A_50, %cond3A_51 : i32
    scf.if %cond3A_52 {
      %get3A_92 = arith.constant 0 : index
      %get3A_93 = arith.constant 0 : index
      %get3A_94 = vector.load %arg13[%get3A_92, %get3A_93] : memref<64x128xf32, #tpu.memory_space<vmem>>, vector<64x128xf32>
      %add3A_95 = arith.addf %get3A_94, %dot_general3A_44 : vector<64x128xf32>
      %swap3A_96 = arith.constant 0 : index
      %swap3A_97 = arith.constant 0 : index
      %swap3A_98 = vector.load %arg13[%swap3A_96, %swap3A_97] : memref<64x128xf32, #tpu.memory_space<vmem>>, vector<64x128xf32>
      tpu.vector_store %arg13[%swap3A_96, %swap3A_97], %add3A_95 {strides = array<i32>} : memref<64x128xf32, #tpu.memory_space<vmem>>, vector<64x128xf32>,
    } else {
    }
    %get3A_53 = arith.constant 0 : index
    %get3A_54 = arith.constant 0 : index
    %get3A_55 = vector.load %arg8[%get3A_53, %get3A_54] : memref<1x128xf32, #tpu.memory_space<vmem>>, vector<1x128xf32>
    %get3A_56 = arith.constant 0 : index
    %get3A_57 = arith.constant 0 : index
    %get3A_58 = vector.load %arg9[%get3A_56, %get3A_57] : memref<1x128xf32, #tpu.memory_space<vmem>>, vector<1x128xf32>
    %add3A_59 = arith.addf %add3A_37, %get3A_1 : vector<1000x128xf32>
    %reduce_sum3A = arith.constant dense<0.000000e+00> : vector<1000xf32>
    %reduce_sum3A_60 = vector.multi_reduction <add>, %add3A_59, %reduce_sum3A [1] : vector<1000x128xf32> to vector<1000xf32>
    %broadcast_in_dim3A_61 = vector.shape_cast %reduce_sum3A_60 : vector<1000xf32> to vector<1000x1xf32>
    %div3A_62 = arith.constant 1.280000e+02 : f32
    %div3A_63 = vector.broadcast %div3A_62 : f32 to vector<1000x1xf32>
    %div3A_64 = arith.divf %broadcast_in_dim3A_61, %div3A_63 : vector<1000x1xf32>
    %sub3A = vector.broadcast %div3A_64 : vector<1000x1xf32> to vector<1000x128xf32>
    %sub3A_65 = arith.subf %add3A_59, %sub3A : vector<1000x128xf32>
    %integer_pow3A = arith.mulf %sub3A_65, %sub3A_65 : vector<1000x128xf32>
    %reduce_sum3A_66 = arith.constant dense<0.000000e+00> : vector<1000xf32>
    %reduce_sum3A_67 = vector.multi_reduction <add>, %integer_pow3A, %reduce_sum3A_66 [1] : vector<1000x128xf32> to vector<1000xf32>
    %broadcast_in_dim3A_68 = vector.shape_cast %reduce_sum3A_67 : vector<1000xf32> to vector<1000x1xf32>
    %div3A_69 = arith.constant 1.280000e+02 : f32
    %div3A_70 = vector.broadcast %div3A_69 : f32 to vector<1000x1xf32>
    %div3A_71 = arith.divf %broadcast_in_dim3A_68, %div3A_70 : vector<1000x1xf32>
    %sub3A_72 = vector.broadcast %div3A_64 : vector<1000x1xf32> to vector<1000x128xf32>
    %sub3A_73 = arith.subf %add3A_59, %sub3A_72 : vector<1000x128xf32>
    %add3A_74 = arith.constant 9.99999974E-6 : f32
    %add3A_75 = vector.broadcast %add3A_74 : f32 to vector<1000x1xf32>
    %add3A_76 = arith.addf %div3A_71, %add3A_75 : vector<1000x1xf32>
    %rsqrt3A = math.rsqrt %add3A_76 : vector<1000x1xf32>
    %mul3A = vector.broadcast %rsqrt3A : vector<1000x1xf32> to vector<1000x128xf32>
    %mul3A_77 = arith.mulf %sub3A_73, %mul3A : vector<1000x128xf32>
    %mul3A_78 = vector.broadcast %get3A_55 : vector<1x128xf32> to vector<1000x128xf32>
    %mul3A_79 = arith.mulf %mul3A_77, %mul3A_78 : vector<1000x128xf32>
    %add3A_80 = vector.broadcast %get3A_58 : vector<1x128xf32> to vector<1000x128xf32>
    %add3A_81 = arith.addf %mul3A_79, %add3A_80 : vector<1000x128xf32>
    %max3A_82 = arith.constant 0.000000e+00 : f32
    %max3A_83 = vector.broadcast %max3A_82 : f32 to vector<1000x128xf32>
    %max3A_84 = arith.maximumf %add3A_81, %max3A_83 : vector<1000x128xf32>
    %swap3A = arith.constant 0 : index
    %swap3A_85 = arith.constant 0 : index
    %swap3A_86 = vector.load %arg11[%swap3A, %swap3A_85] : memref<1000x128xf32, #tpu.memory_space<vmem>>, vector<1000x128xf32>
    tpu.vector_store %arg11[%swap3A, %swap3A_85], %max3A_84 {strides = array<i32>} : memref<1000x128xf32, #tpu.memory_space<vmem>>, vector<1000x128xf32>,
    %eq3A_87 = arith.constant 9 : i32
    %eq3A_88 = arith.cmpi eq, %arg0, %eq3A_87 : i32
    %convert_element_type3A_89 = arith.extui %eq3A_88 : i1 to i32
    %cond3A_90 = arith.constant 0 : i32
    %cond3A_91 = arith.cmpi ne, %convert_element_type3A_89, %cond3A_90 : i32
    scf.if %cond3A_91 {
      %get3A_92 = arith.constant 0 : index
      %get3A_93 = arith.constant 0 : index
      %get3A_94 = vector.load %arg13[%get3A_92, %get3A_93] : memref<64x128xf32, #tpu.memory_space<vmem>>, vector<64x128xf32>
      %get3A_95 = arith.constant 0 : index
      %get3A_96 = arith.constant 0 : index
      %get3A_97 = vector.load %arg10[%get3A_95, %get3A_96] : memref<64x128xf32, #tpu.memory_space<vmem>>, vector<64x128xf32>
      %add3A_98 = arith.addf %get3A_94, %get3A_97 : vector<64x128xf32>
      %reduce_sum3A_99 = arith.constant dense<0.000000e+00> : vector<64xf32>
      %reduce_sum3A_100 = vector.multi_reduction <add>, %add3A_98, %reduce_sum3A_99 [1] : vector<64x128xf32> to vector<64xf32>
      %broadcast_in_dim3A_101 = vector.shape_cast %reduce_sum3A_100 : vector<64xf32> to vector<64x1xf32>
      %div3A_102 = arith.constant 1.280000e+02 : f32
      %div3A_103 = vector.broadcast %div3A_102 : f32 to vector<64x1xf32>
      %div3A_104 = arith.divf %broadcast_in_dim3A_101, %div3A_103 : vector<64x1xf32>
      %sub3A_105 = vector.broadcast %div3A_104 : vector<64x1xf32> to vector<64x128xf32>
      %sub3A_106 = arith.subf %add3A_98, %sub3A_105 : vector<64x128xf32>
      %integer_pow3A_107 = arith.mulf %sub3A_106, %sub3A_106 : vector<64x128xf32>
      %reduce_sum3A_108 = arith.constant dense<0.000000e+00> : vector<64xf32>
      %reduce_sum3A_109 = vector.multi_reduction <add>, %integer_pow3A_107, %reduce_sum3A_108 [1] : vector<64x128xf32> to vector<64xf32>
      %broadcast_in_dim3A_110 = vector.shape_cast %reduce_sum3A_109 : vector<64xf32> to vector<64x1xf32>
      %div3A_111 = arith.constant 1.280000e+02 : f32
      %div3A_112 = vector.broadcast %div3A_111 : f32 to vector<64x1xf32>
      %div3A_113 = arith.divf %broadcast_in_dim3A_110, %div3A_112 : vector<64x1xf32>
      %sub3A_114 = vector.broadcast %div3A_104 : vector<64x1xf32> to vector<64x128xf32>
      %sub3A_115 = arith.subf %add3A_98, %sub3A_114 : vector<64x128xf32>
      %add3A_116 = arith.constant 9.99999974E-6 : f32
      %add3A_117 = vector.broadcast %add3A_116 : f32 to vector<64x1xf32>
      %add3A_118 = arith.addf %div3A_113, %add3A_117 : vector<64x1xf32>
      %rsqrt3A_119 = math.rsqrt %add3A_118 : vector<64x1xf32>
      %mul3A_120 = vector.broadcast %rsqrt3A_119 : vector<64x1xf32> to vector<64x128xf32>
      %mul3A_121 = arith.mulf %sub3A_115, %mul3A_120 : vector<64x128xf32>
      %mul3A_122 = vector.broadcast %get3A_55 : vector<1x128xf32> to vector<64x128xf32>
      %mul3A_123 = arith.mulf %mul3A_121, %mul3A_122 : vector<64x128xf32>
      %add3A_124 = vector.broadcast %get3A_58 : vector<1x128xf32> to vector<64x128xf32>
      %add3A_125 = arith.addf %mul3A_123, %add3A_124 : vector<64x128xf32>
      %max3A_126 = arith.constant 0.000000e+00 : f32
      %max3A_127 = vector.broadcast %max3A_126 : f32 to vector<64x128xf32>
      %max3A_128 = arith.maximumf %add3A_125, %max3A_127 : vector<64x128xf32>
      %swap3A_129 = arith.constant 0 : index
      %swap3A_130 = arith.constant 0 : index
      %swap3A_131 = vector.load %arg12[%swap3A_129, %swap3A_130] : memref<64x128xf32, #tpu.memory_space<vmem>>, vector<64x128xf32>
      tpu.vector_store %arg12[%swap3A_129, %swap3A_130], %max3A_128 {strides = array<i32>} : memref<64x128xf32, #tpu.memory_space<vmem>>, vector<64x128xf32>,
    } else {
    }
    return
  }
  func.func @transform_0(%arg0: i32) -> (i32, i32) {
    %c0_i32 = arith.constant 0 : i32
    %c0_i32_0 = arith.constant 0 : i32
    return %arg0, %c0_i32 : i32, i32
  }
  func.func @transform_1(%arg0: i32) -> (i32, i32, i32) {
    %c0_i32 = arith.constant 0 : i32
    %c0_i32_0 = arith.constant 0 : i32
    %c0_i32_1 = arith.constant 0 : i32
    return %c0_i32, %arg0, %c0_i32_0 : i32, i32, i32
  }
  func.func @transform_2(%arg0: i32) -> (i32, i32, i32) {
    %c0_i32 = arith.constant 0 : i32
    %c0_i32_0 = arith.constant 0 : i32
    %c0_i32_1 = arith.constant 0 : i32
    return %arg0, %c0_i32, %c0_i32_0 : i32, i32, i32
  }
  func.func @transform_3(%arg0: i32) -> (i32, i32) {
    %c0_i32 = arith.constant 0 : i32
    %c0_i32_0 = arith.constant 0 : i32
    return %arg0, %c0_i32 : i32, i32
  }
  func.func @transform_4(%arg0: i32) -> (i32, i32) {
    %c0_i32 = arith.constant 0 : i32
    %c0_i32_0 = arith.constant 0 : i32
    %c0_i32_1 = arith.constant 0 : i32
    return %c0_i32, %c0_i32_0 : i32, i32
  }
  func.func @transform_5(%arg0: i32) -> (i32, i32) {
    %c0_i32 = arith.constant 0 : i32
    %c0_i32_0 = arith.constant 0 : i32
    %c0_i32_1 = arith.constant 0 : i32
    return %c0_i32, %c0_i32_0 : i32, i32
  }
  func.func @transform_6(%arg0: i32) -> (i32, i32) {
    %c0_i32 = arith.constant 0 : i32
    %c0_i32_0 = arith.constant 0 : i32
    %c0_i32_1 = arith.constant 0 : i32
    return %c0_i32, %c0_i32_0 : i32, i32
  }
  func.func @transform_7(%arg0: i32) -> (i32, i32) {
    %c0_i32 = arith.constant 0 : i32
    %c0_i32_0 = arith.constant 0 : i32
    %c0_i32_1 = arith.constant 0 : i32
    return %c0_i32, %c0_i32_0 : i32, i32
  }
  func.func @transform_8(%arg0: i32) -> (i32, i32) {
    %c0_i32 = arith.constant 0 : i32
    %c0_i32_0 = arith.constant 0 : i32
    %c0_i32_1 = arith.constant 0 : i32
    return %c0_i32, %c0_i32_0 : i32, i32
  }
  func.func @transform_9(%arg0: i32) -> (i32, i32) {
    %c0_i32 = arith.constant 0 : i32
    %c0_i32_0 = arith.constant 0 : i32
    %c0_i32_1 = arith.constant 0 : i32
    return %c0_i32, %c0_i32_0 : i32, i32
  }
  func.func @transform_10(%arg0: i32) -> (i32, i32) {
    %c0_i32 = arith.constant 0 : i32
    %c0_i32_0 = arith.constant 0 : i32
    return %arg0, %c0_i32 : i32, i32
  }
  func.func @transform_11(%arg0: i32) -> (i32, i32) {
    %c0_i32 = arith.constant 0 : i32
    %c0_i32_0 = arith.constant 0 : i32
    %c0_i32_1 = arith.constant 0 : i32
    return %c0_i32, %c0_i32_0 : i32, i32
  }
}

</mosaic_0001>

<sc_bundles>
// kernel: kernel.10.cloned.1.call-start
scs
__scs_entry_jumppad:
0x0: {  	(pc) =	sbr.rel $0x88, $3  }
0x1: {  	(tag) =	ssettag $0x0;
	lr =	simm.s32 $0x1  }
0x2: {  	[smem:$0x3F97] =	sst lr;
	_ =	strace $0xD0000000  }
0x3: {  	_ = 	snop  }
0x4: {  	_ = 	snop  }
0x5: {  	_ = 	snop  }
0x6: {  	_ = 	snop  }
0x7: {  	_ = 	snop  }
__scs_overlays_trampoline_lowered:
0x8: {  	[smem:$0x3FA6] =	sst s0  }
0x9: {  	[smem:$0x3FA7] =	sst s1  }
0xa: {  	[smem:$0x3FA8] =	sst s2  }
0xb: {  	[smem:$0x3FA9] =	sst s3  }
0xc: {  	[smem:$0x3FAA] =	sst s4  }
0xd: {  	[smem:$0x3FAB] =	sst s5  }
0xe: {  	[smem:$0x3FAC] =	sst s6  }
0xf: {  	[smem:$0x3FAD] =	sst s7  }
0x10: {  	[smem:$0x3FAE] =	sst s8  }
0x11: {  	[smem:$0x3FAF] =	sst s9;
	s0 =	simm.s32 @!p0 $0x0  }
0x12: {  	s1 =	sld [smem:$0x3F95];
	s0 =	simm.s32 @p0 $0x1  }
0x13: {  	[smem:$0x3FB0] =	sst s0;
	s0 =	simm.s32 @!p1 $0x0  }
0x14: {  	s2 =	sld [smem:$0x3F94];
	s0 =	simm.s32 @p1 $0x1  }
0x15: {  	[smem:$0x3FB1] =	sst s0;
	s0 =	simm.s32 @!p2 $0x0  }
0x16: {  	s3 =	sld [smem:$0x3FDB];
	s0 =	simm.s32 @p2 $0x1  }
0x17: {  	s4 =	simm.s32 $0x1BF5;
	[smem:$0x3FB3] =	sst s0  }
0x18: {  	s0 =	sld [smem:$0x3F96];
	_ =	swait.ge [sflag:s4], $0x0  }
0x19: {  	s7 =	sld [smem:$0x3F97]  }
0x1a: {  	s8 =	sadd.s32 $0xFFFFE003, lr  }
0x1b: {  	s9 =	sadd.s32 $0xFFFFFEF7, lr;
	s5 =	simm.s32 $0xFFFFFFFF;
	p2 =	slt.u32 s8, $0xFFFFF086  }
0x1c: {  	p1 =	slt.u32 s9, $0xF7A;
	s5 =	simm.s32 @!p2 $0x0  }
0x1d: {  	s5 =	simm.s32 @p1 $0x1;
	p0 =	seq.s32 s7, s2  }
0x1e: {  	s7 =	smul.u32 @!p0 $0xF7A, s2;
	p2 =	seq.s32 @!p0 s5, $0x0  }
0x1f: {  	s9 =	smul.u32 $0xF7A, s1;
	s8 =	simm.s32 @!p0 $0x1BF5;
	p2 =	por !p2, p0  }
0x20: {  	[sflag:s8] =	ssyncset.s32 @!p0 $0xFFFFF086;
	s6 =	sadd.s32 @!p0 s3, s7;
	s7 =	simm.s32 @!p0 $0x108  }
0x21: {  	s3 =	sadd.s32 s3, s9;
	s6 =	sadd.s32 @!p0 $0x88, s6;
	s7 =	simm.s32 @p2 $0x1082  }
0x22: {  	[simem:s7], [sflag:s8] =	dma.local @!p0 [hbm:s6], $0xF7A  }
0x23: {  	s9 =	sor.u32 $0xD0000000, s2;
	s6 =	simm.s32 $0x108;
	_ =	swait.ge @!p0 [sflag:s8], $0x0  }
0x24: {  	s3 =	sadd.s32 $0x88, s3;
	s6 =	simm.s32 @!p1 $0x1082;
	[sflag:s4] =	ssyncset.s32 $0xFFFFF086  }
0x25: {  	[simem:s6], [sflag:s4] =	dma.local [hbm:s3], $0xF7A  }
0x26: {  	[smem:$0x3F97] =	sst s1;
	(tag) =	ssettag s2;
	_ =	strace s9  }
0x27: {  	s1 =	sld [smem:$0x3FA7]  }
0x28: {  	s2 =	sld [smem:$0x3FA8]  }
0x29: {  	s4 =	sld [smem:$0x3FAA]  }
0x2a: {  	p0 =	seq.s32 s5, $0x0;
	s5 =	sld [smem:$0x3FAB]  }
0x2b: {  	s6 =	sld [smem:$0x3FAC]  }
0x2c: {  	s7 =	sld [smem:$0x3FAD]  }
0x2d: {  	s3 =	simm.s32 $0x108;
	s8 =	sld [smem:$0x3FAE]  }
0x2e: {  	s3 =	simm.s32 @!p0 $0x1082;
	s9 =	sld [smem:$0x3FAF]  }
0x2f: {  	lr =	sadd.s32 s0, s3;
	s0 =	sld [smem:$0x3FA6]  }
0x30: {  	s3 =	sld [smem:$0x3FA9]  }
0x31: {  	[smem:$0x3FB2] =	sst s10  }
0x32: {  	s10 =	sld [smem:$0x3FB0];
	_ =	sdelay $0x3  }
0x33: {  	p0 =	seq.s32 s10, $0x1;
	s10 =	sld [smem:$0x3FB2];
	_ =	sdelay $0x3  }
0x34: {  	[smem:$0x3FB2] =	sst s10  }
0x35: {  	s10 =	sld [smem:$0x3FB1];
	_ =	sdelay $0x3  }
0x36: {  	p1 =	seq.s32 s10, $0x1;
	s10 =	sld [smem:$0x3FB2];
	_ =	sdelay $0x3  }
0x37: {  	[smem:$0x3FB2] =	sst s10  }
0x38: {  	s10 =	sld [smem:$0x3FB3]  }
0x39: {  	_ = 	snop;
	(pc) =	sbr.ind lr, $3  }
0x3a: {  	_ = 	snop  }
0x3b: {  	_ = 	snop  }
0x3c: {  	p2 =	seq.s32 s10, $0x1;
	s10 =	sld [smem:$0x3FB2]  }
0x3d: {  	_ =	shalt  }
0x3e: {  	_ =	shalt  }
0x3f: {  	_ =	shalt  }
0x40: {  	_ =	shalt  }
0x41: {  	_ =	shalt  }
0x42: {  	_ =	shalt  }
0x43: {  	_ =	shalt  }
0x44: {  	_ =	shalt  }
0x45: {  	_ =	shalt  }
0x46: {  	_ =	shalt  }
0x47: {  	_ =	shalt  }
0x48: {  	_ =	shalt  }
0x49: {  	_ =	shalt  }
0x4a: {  	_ =	shalt  }
0x4b: {  	_ =	shalt  }
0x4c: {  	_ =	shalt  }
0x4d: {  	_ =	shalt  }
0x4e: {  	_ =	shalt  }
0x4f: {  	_ =	shalt  }
0x50: {  	_ =	shalt  }
0x51: {  	_ =	shalt  }
0x52: {  	_ =	shalt  }
0x53: {  	_ =	shalt  }
0x54: {  	_ =	shalt  }
0x55: {  	_ =	shalt  }
0x56: {  	_ =	shalt  }
0x57: {  	_ =	shalt  }
0x58: {  	_ =	shalt  }
0x59: {  	_ =	shalt  }
0x5a: {  	_ =	shalt  }
0x5b: {  	_ =	shalt  }
0x5c: {  	_ =	shalt  }
0x5d: {  	_ =	shalt  }
0x5e: {  	_ =	shalt  }
0x5f: {  	_ =	shalt  }
0x60: {  	_ =	shalt  }
0x61: {  	_ =	shalt  }
0x62: {  	_ =	shalt  }
0x63: {  	_ =	shalt  }
0x64: {  	_ =	shalt  }
0x65: {  	_ =	shalt  }
0x66: {  	_ =	shalt  }
0x67: {  	_ =	shalt  }
0x68: {  	_ =	shalt  }
0x69: {  	_ =	shalt  }
0x6a: {  	_ =	shalt  }
0x6b: {  	_ =	shalt  }
0x6c: {  	_ =	shalt  }
0x6d: {  	_ =	shalt  }
0x6e: {  	_ =	shalt  }
0x6f: {  	_ =	shalt  }
0x70: {  	_ =	shalt  }
0x71: {  	_ =	shalt  }
0x72: {  	_ =	shalt  }
0x73: {  	_ =	shalt  }
0x74: {  	_ =	shalt  }
0x75: {  	_ =	shalt  }
0x76: {  	_ =	shalt  }
0x77: {  	_ =	shalt  }
0x78: {  	_ =	shalt  }
0x79: {  	_ =	shalt  }
0x7a: {  	_ =	shalt  }
0x7b: {  	_ =	shalt  }
0x7c: {  	_ =	shalt  }
0x7d: {  	_ =	shalt  }
0x7e: {  	_ =	shalt  }
0x7f: {  	_ =	shalt  }
0x80: {  	_ =	shalt  }
0x81: {  	_ =	shalt  }
0x82: {  	_ =	shalt  }
0x83: {  	_ =	shalt  }
0x84: {  	_ =	shalt  }
0x85: {  	_ =	shalt  }
0x86: {  	_ =	shalt  }
0x87: {  	_ =	shalt  }
.Lfunc_end0:
.L_simem_size_0:
called_computation_lowered:
.L_overlay_start_0:
0x88: {  	s2 =	sld [smem:$0x3FD9]  }
0x89: {  	s3 =	sld [smem:$0x3FFE];
	_ =	sdelay $0x1  }
0x8a: {  	s1 =	srdreg.scid  }
0x8b: {  	s0 =	sand.u32 $0x1, s1  }
0x8c: {  	s16 =	sshll.u32 s0, $0xA;
	s2 =	sadd.s32 s3, s2  }
0x8d: {  	s2 =	sadd.s32 s2, s16  }
0x8e: {  	[smem:$0x3FBE] =	sst s2  }
0x8f: {  	_ = 	snop  }
0x90: {  	(tm) =	ssettm $0x1  }
0x91: {  	s17 =	sld [smem:$0x3FFB];
	_ =	sdelay $0x3  }
0x92: {  	_ =	strace s17  }
0x93: {  	s2 =	sld [smem:$0x3FFC];
	_ =	sdelay $0x3  }
0x94: {  	_ =	strace s2  }
0x95: {  	s2 =	sld [smem:$0x3FFD];
	_ =	sdelay $0x3  }
0x96: {  	_ =	strace s2  }
0x97: {  	_ =	strace $0x8FFFFFFF  }
0x98: {  	s18 =	sld [smem:$0x3FDB];
	_ =	sdelay $0x1  }
0x99: {  	s19 =	simm.s32 $_scs_section_size  }
0x9a: {  	s4 =	simm.s32 $_size__tile_overlayer_lowered;
	s5 =	simm.s32 $_tile_overlayer_lowered  }
0x9b: {  	s22 =	simm.s32 $0x1BFF;
	s21 =	sshll.u32 s5, $0x1;
	s2 =	sadd.s32 s19, s18  }
0x9c: {  	s6 =	simm.s32 $0x0;
	s20 =	sshll.u32 s4, $0x1;
	s4 =	sadd.s32 s21, s2  }
0x9d: {  	[timem:s6], [sflag:s22] =	dma.local [hbm:s4], s20  }
0x9e: {  	_ =	swait.ge [sflag:s22], s20  }
0x9f: {  	s3 =	ssub.s32 $0x0, s20;
	[sflag:s22] =	ssyncset.done $0x0  }
0xa0: {  	[sflag:s22] =	ssyncadd.s32 s3;
	_ =	sdelay $0x1  }
0xa1: {  	s23 =	simm.s32 $0x1B8B  }
0xa2: {  	_ =	swait.ge [sflag:s23], $0x1  }
0xa3: {  	[sflag:s23] =	ssyncset.done $0x0  }
0xa4: {  	s25 =	simm.s32 $0x1B8E;
	s24 =	sld [smem:$0x3FFE];
	[sflag:s23] =	ssyncadd.s32 $0xFFFFFFFF  }
0xa5: {  	s26 =	simm.s32 $execute0_lowered;
	[smem:$0x3FD2] =	sst s25  }
0xa6: {  	s4 =	sshll.u32 s26, $0x1;
	_ =	strace $0x80000046;
	[dreg:$0x1] =	wrdreg $0xFFFFFFFF  }
0xa7: {  	s28 =	simm.s32 $_size_execute0_lowered;
	s2 =	sadd.s32 s2, s4;
	[dreg:$0x0] =	wrdreg $0x0  }
0xa8: {  	s4 =	sshll.u32 s28, $0x1;
	[dreg:$0x2] =	wrdreg s2  }
0xa9: {  	[dreg:$0x3] =	wrdreg s4  }
0xaa: {  	[dreg:$0x4] =	wrdreg $0xC0  }
0xab: {  	_ =	task [dreg:s6], $0x5FFFF  }
0xac: {  	[dreg:$0x1] =	wrdreg $0xFFFFFFFF  }
0xad: {  	[dreg:$0x0] =	wrdreg $0x60  }
0xae: {  	[dreg:$0x2] =	wrdreg s24  }
0xaf: {  	[dreg:$0x3] =	wrdreg $0x9  }
0xb0: {  	_ =	task.clear_ibuf [dreg:s6], $0x4FFFF;
	_ =	strace $0x90000046  }
0xb1: {  	s29 =	simm.s32 $0x9;
	_ =	strace $0x80000048  }
0xb2: {  	_ =	swait.ge [sflag:s29], $0x1  }
0xb3: {  	[sflag:s29] =	ssyncadd.s32 $0xFFFFFFFF  }
0xb4: {  	_ =	strace $0x90000048  }
0xb5: {  	_ =	sfence  }
0xb6: {  	s30 =	sld [smem:$0x0];
	_ =	sdelay $0x2  }
0xb7: {  	s31 =	sshll.u32 s1, $0xD;
	s1 =	sshrl.u32 s1, $0x2  }
0xb8: {  	s3 =	sand.u32 $0x4000, s31;
	s1 =	sadd.s32 s1, s30  }
0xb9: {  	s0 =	sor.u32 s3, s0;
	s1 =	sshll.u32 s1, $0x11  }
0xba: {  	s0 =	sor.u32 s1, s0  }
0xbb: {  	s0 =	sadd.s32 $0x8F2B, s0  }
0xbc: {  	[sflag:s0] =	ssyncadd.remote.s32 $0x1  }
0xbd: {  	_ =	sfence.sel $0xFFFF  }
0xbe: {  	[dreg:$0x0] =	wrdreg $0xFFFFFFFF;
	(pc) =	sbr.abs _section_cstart, $3  }
0xbf: {  	[dreg:$0x1] =	wrdreg $0xFFFFFFFF  }
0xc0: {  	_ =	task.clear_ibuf [dreg:s6], $0x2FFFF;
	_ =	strace $0x9FFFFFFF  }
0xc1: {  	(tm) =	ssettm $0x7FFFFFFF  }
tec
execute0_lowered:
.L_overlay_start_1:
0x0: {  	(tag) =	ssettag $0x1  }
0x1: {  	s0 =	srdreg.scid  }
0x2: {  	s4 =	rddreg [dreg:$0x0];
	s1 =	stileid.u32;
	s3 =	sand.u32 $0x1, s0  }
0x3: {  	s2 =	simm.s32 $0x0;
	s8 =	simm.s32 $0x1;
	s5 =	sshll.u32 s3, $0x4  }
0x4: {  	s9 =	simm.s32 $0x0;
	s0 =	rddreg [dreg:$0x1];
	s5 =	sor.u32 s1, s5  }
0x5: {  	[smem:$0x7FF] =	sst s2;
	s6 =	ssub.s32 $0x2, s3;
	s5 =	smul.u32 $0x4E2, s5  }
0x6: {  	_ =	strace $0x80000047;
	s3 =	sadd.s32 $0xEC00, s4;
	s7 =	sshrl.u32 s6, $0x1  }
0x7: {  	s6 =	ssub.s32 s6, s7;
	s7 =	simm.s32 $0x2780;
	s5 =	sadd.s32 s5, s4  }
0x8: {  	v0 =	vimm.f32 $1.000000000e+00;
	s6 =	smax.u32 s6, $0x1;
	s4 =	sadd.s32 $0x4E00, s5;
	s5 =	sadd.s32 $0xF200, s5  }
.LBB2_1:
0x9: {  	[tilespmem:s7], [sflag:$0x1] =	stream.linear.gather [hbm4b:s3+s2], $0x2780, $0x38;
	[tilespmem:$0x4F00] =	vst v63  }
0xa: {  	_ =	swait.ge [sflag:s8], $0x2780  }
0xb: {  	[sflag:s8] =	ssyncset.done $0x0  }
0xc: {  	[sflag:s8] =	ssyncadd.s32 $0xFFFFD880  }
0xd: {  	[tilespmem:s2], [sflag:$0x1] =	stream.linear.gather [hbm4b:s4+s2], $0x2710, $0x38;
	[tilespmem:$0x4F00] =	vst v63  }
0xe: {  	_ =	swait.ge [sflag:s8], $0x2710  }
0xf: {  	[sflag:s8] =	ssyncset.done $0x0  }
0x10: {  	s11 =	simm.s32 $0x0;
	s10 =	simm.s32 $0x40;
	[sflag:s8] =	ssyncadd.s32 $0xFFFFD8F0  }
.LBB2_2:
0x11: {  	p0 =	sne.s32 s10, $0x9C00;
	v1 =	vld [tilespmem:s11+$0x0];
	_ =	sdelay $0x3  }
.Ltmp0:
0x12: {  	(pc) =	sbr.rel @p0 .LBB2_2-.Ltmp0, $2  }
0x13: {  	_ =	sdelay $0x2  }
0x14: {  	s11 =	sshra.s32 s10, $0x2;
	s10 =	sadd.s32 $0x40, s10;
	[tilespmem:v1+s7+$0x0] =	vst.idx.add.f32.msk $0xffff, v0  }
0x15: {  	v1 =	vld [tilespmem:s11+$0x0];
	_ =	sdelay $0x5  }
0x16: {  	s9 =	sadd.s32 $0x1, s9  }
0x17: {  	p0 =	sne.s32 s9, s6  }
.Ltmp1:
0x18: {  	[tilespmem:v1+s7+$0x0] =	vst.idx.add.f32.msk $0xffff, v0;
	(pc) =	sbr.rel @p0 .LBB2_1-.Ltmp1, $4  }
0x19: {  	[hbm4b:s5+s2] =	stream.linear.scatter [tilespmem:s7], [sflag:$0x1], $0x2710, $0x38;
	[tilespmem:$0x4F00] =	vst v63  }
0x1a: {  	_ =	swait.ge [sflag:s8], $0x2710  }
0x1b: {  	[sflag:s8] =	ssyncset.done $0x0  }
0x1c: {  	[sflag:s8] =	ssyncadd.s32 $0xFFFFD8F0  }
0x1d: {  	_ =	sfence.sel $0x180000  }
0x1e: {  	[bflag:$0x0] =	sbarrier.arrive $0xFFFF  }
0x1f: {  	p0 =	sne.s32 s1, $0x0;
	_ =	strace $0x90000047  }
0x20: {  	s0 =	sadd.s32 @!p0 $0x100000, s0;
	[bflag:$0x2] =	sbarrier.arrive $0xFFFF  }
0x21: {  	[sflag:s0] =	ssyncadd.tile.s32 @!p0 $0x1;
	_ =	shalt  }
.Lfunc_end2:
_tile_overlayer_lowered:
.L_overlay_start_2:
0x22: {  	(tag) =	ssettag $0x2  }
0x23: {  	s0 =	rddreg [dreg:$0x0];
	s2 =	stileid.u32  }
0x24: {  	s1 =	rddreg [dreg:$0x1];
	p0 =	sne.s32 s2, $0x0  }
0x25: {  	s3 =	rddreg [dreg:$0x2];
	[bflag:$0x3] =	sbarrier.arrive $0xFFFF;
	s2 =	simm.s32 @!p0 $0x1C01  }
0x26: {  	[timem:s3], [sflag:s2] =	dma.local @!p0 [hbm:s0], s1  }
0x27: {  	s0 =	simm.s32 @!p0 $0x1  }
0x28: {  	_ =	swait.ge @!p0 [sflag:s0], s1  }
0x29: {  	s1 =	ssub.s32 @!p0 $0x0, s1;
	[sflag:s0] =	ssyncset.done @!p0 $0x0  }
0x2a: {  	[sflag:s0] =	ssyncadd.s32 @!p0 s1  }
0x2b: {  	[bflag:$0x3] =	sbarrier.arrive $0xFFFF  }
0x2c: {  	_ =	shalt  }

// kernel: kernel.13.cloned.1.call-start
scs
__scs_entry_jumppad:
0x0: {  	(pc) =	sbr.rel $0x88, $3  }
0x1: {  	(tag) =	ssettag $0x0;
	lr =	simm.s32 $0x1  }
0x2: {  	[smem:$0x3F97] =	sst lr;
	_ =	strace $0xD0000000  }
0x3: {  	_ = 	snop  }
0x4: {  	_ = 	snop  }
0x5: {  	_ = 	snop  }
0x6: {  	_ = 	snop  }
0x7: {  	_ = 	snop  }
__scs_overlays_trampoline_lowered:
0x8: {  	[smem:$0x3FA6] =	sst s0  }
0x9: {  	[smem:$0x3FA7] =	sst s1  }
0xa: {  	[smem:$0x3FA8] =	sst s2  }
0xb: {  	[smem:$0x3FA9] =	sst s3  }
0xc: {  	[smem:$0x3FAA] =	sst s4  }
0xd: {  	[smem:$0x3FAB] =	sst s5  }
0xe: {  	[smem:$0x3FAC] =	sst s6  }
0xf: {  	[smem:$0x3FAD] =	sst s7  }
0x10: {  	[smem:$0x3FAE] =	sst s8  }
0x11: {  	[smem:$0x3FAF] =	sst s9;
	s0 =	simm.s32 @!p0 $0x0  }
0x12: {  	s1 =	sld [smem:$0x3F95];
	s0 =	simm.s32 @p0 $0x1  }
0x13: {  	[smem:$0x3FB0] =	sst s0;
	s0 =	simm.s32 @!p1 $0x0  }
0x14: {  	s2 =	sld [smem:$0x3F94];
	s0 =	simm.s32 @p1 $0x1  }
0x15: {  	[smem:$0x3FB1] =	sst s0;
	s0 =	simm.s32 @!p2 $0x0  }
0x16: {  	s3 =	sld [smem:$0x3FDB];
	s0 =	simm.s32 @p2 $0x1  }
0x17: {  	s4 =	simm.s32 $0x1BF5;
	[smem:$0x3FB3] =	sst s0  }
0x18: {  	s0 =	sld [smem:$0x3F96];
	_ =	swait.ge [sflag:s4], $0x0  }
0x19: {  	s7 =	sld [smem:$0x3F97]  }
0x1a: {  	s8 =	sadd.s32 $0xFFFFE003, lr  }
0x1b: {  	s9 =	sadd.s32 $0xFFFFFEF7, lr;
	s5 =	simm.s32 $0xFFFFFFFF;
	p2 =	slt.u32 s8, $0xFFFFF086  }
0x1c: {  	p1 =	slt.u32 s9, $0xF7A;
	s5 =	simm.s32 @!p2 $0x0  }
0x1d: {  	s5 =	simm.s32 @p1 $0x1;
	p0 =	seq.s32 s7, s2  }
0x1e: {  	s7 =	smul.u32 @!p0 $0xF7A, s2;
	p2 =	seq.s32 @!p0 s5, $0x0  }
0x1f: {  	s9 =	smul.u32 $0xF7A, s1;
	s8 =	simm.s32 @!p0 $0x1BF5;
	p2 =	por !p2, p0  }
0x20: {  	[sflag:s8] =	ssyncset.s32 @!p0 $0xFFFFF086;
	s6 =	sadd.s32 @!p0 s3, s7;
	s7 =	simm.s32 @!p0 $0x108  }
0x21: {  	s3 =	sadd.s32 s3, s9;
	s6 =	sadd.s32 @!p0 $0x88, s6;
	s7 =	simm.s32 @p2 $0x1082  }
0x22: {  	[simem:s7], [sflag:s8] =	dma.local @!p0 [hbm:s6], $0xF7A  }
0x23: {  	s9 =	sor.u32 $0xD0000000, s2;
	s6 =	simm.s32 $0x108;
	_ =	swait.ge @!p0 [sflag:s8], $0x0  }
0x24: {  	s3 =	sadd.s32 $0x88, s3;
	s6 =	simm.s32 @!p1 $0x1082;
	[sflag:s4] =	ssyncset.s32 $0xFFFFF086  }
0x25: {  	[simem:s6], [sflag:s4] =	dma.local [hbm:s3], $0xF7A  }
0x26: {  	[smem:$0x3F97] =	sst s1;
	(tag) =	ssettag s2;
	_ =	strace s9  }
0x27: {  	s1 =	sld [smem:$0x3FA7]  }
0x28: {  	s2 =	sld [smem:$0x3FA8]  }
0x29: {  	s4 =	sld [smem:$0x3FAA]  }
0x2a: {  	p0 =	seq.s32 s5, $0x0;
	s5 =	sld [smem:$0x3FAB]  }
0x2b: {  	s6 =	sld [smem:$0x3FAC]  }
0x2c: {  	s7 =	sld [smem:$0x3FAD]  }
0x2d: {  	s3 =	simm.s32 $0x108;
	s8 =	sld [smem:$0x3FAE]  }
0x2e: {  	s3 =	simm.s32 @!p0 $0x1082;
	s9 =	sld [smem:$0x3FAF]  }
0x2f: {  	lr =	sadd.s32 s0, s3;
	s0 =	sld [smem:$0x3FA6]  }
0x30: {  	s3 =	sld [smem:$0x3FA9]  }
0x31: {  	[smem:$0x3FB2] =	sst s10  }
0x32: {  	s10 =	sld [smem:$0x3FB0];
	_ =	sdelay $0x3  }
0x33: {  	p0 =	seq.s32 s10, $0x1;
	s10 =	sld [smem:$0x3FB2];
	_ =	sdelay $0x3  }
0x34: {  	[smem:$0x3FB2] =	sst s10  }
0x35: {  	s10 =	sld [smem:$0x3FB1];
	_ =	sdelay $0x3  }
0x36: {  	p1 =	seq.s32 s10, $0x1;
	s10 =	sld [smem:$0x3FB2];
	_ =	sdelay $0x3  }
0x37: {  	[smem:$0x3FB2] =	sst s10  }
0x38: {  	s10 =	sld [smem:$0x3FB3]  }
0x39: {  	_ = 	snop;
	(pc) =	sbr.ind lr, $3  }
0x3a: {  	_ = 	snop  }
0x3b: {  	_ = 	snop  }
0x3c: {  	p2 =	seq.s32 s10, $0x1;
	s10 =	sld [smem:$0x3FB2]  }
0x3d: {  	_ =	shalt  }
0x3e: {  	_ =	shalt  }
0x3f: {  	_ =	shalt  }
0x40: {  	_ =	shalt  }
0x41: {  	_ =	shalt  }
0x42: {  	_ =	shalt  }
0x43: {  	_ =	shalt  }
0x44: {  	_ =	shalt  }
0x45: {  	_ =	shalt  }
0x46: {  	_ =	shalt  }
0x47: {  	_ =	shalt  }
0x48: {  	_ =	shalt  }
0x49: {  	_ =	shalt  }
0x4a: {  	_ =	shalt  }
0x4b: {  	_ =	shalt  }
0x4c: {  	_ =	shalt  }
0x4d: {  	_ =	shalt  }
0x4e: {  	_ =	shalt  }
0x4f: {  	_ =	shalt  }
0x50: {  	_ =	shalt  }
0x51: {  	_ =	shalt  }
0x52: {  	_ =	shalt  }
0x53: {  	_ =	shalt  }
0x54: {  	_ =	shalt  }
0x55: {  	_ =	shalt  }
0x56: {  	_ =	shalt  }
0x57: {  	_ =	shalt  }
0x58: {  	_ =	shalt  }
0x59: {  	_ =	shalt  }
0x5a: {  	_ =	shalt  }
0x5b: {  	_ =	shalt  }
0x5c: {  	_ =	shalt  }
0x5d: {  	_ =	shalt  }
0x5e: {  	_ =	shalt  }
0x5f: {  	_ =	shalt  }
0x60: {  	_ =	shalt  }
0x61: {  	_ =	shalt  }
0x62: {  	_ =	shalt  }
0x63: {  	_ =	shalt  }
0x64: {  	_ =	shalt  }
0x65: {  	_ =	shalt  }
0x66: {  	_ =	shalt  }
0x67: {  	_ =	shalt  }
0x68: {  	_ =	shalt  }
0x69: {  	_ =	shalt  }
0x6a: {  	_ =	shalt  }
0x6b: {  	_ =	shalt  }
0x6c: {  	_ =	shalt  }
0x6d: {  	_ =	shalt  }
0x6e: {  	_ =	shalt  }
0x6f: {  	_ =	shalt  }
0x70: {  	_ =	shalt  }
0x71: {  	_ =	shalt  }
0x72: {  	_ =	shalt  }
0x73: {  	_ =	shalt  }
0x74: {  	_ =	shalt  }
0x75: {  	_ =	shalt  }
0x76: {  	_ =	shalt  }
0x77: {  	_ =	shalt  }
0x78: {  	_ =	shalt  }
0x79: {  	_ =	shalt  }
0x7a: {  	_ =	shalt  }
0x7b: {  	_ =	shalt  }
0x7c: {  	_ =	shalt  }
0x7d: {  	_ =	shalt  }
0x7e: {  	_ =	shalt  }
0x7f: {  	_ =	shalt  }
0x80: {  	_ =	shalt  }
0x81: {  	_ =	shalt  }
0x82: {  	_ =	shalt  }
0x83: {  	_ =	shalt  }
0x84: {  	_ =	shalt  }
0x85: {  	_ =	shalt  }
0x86: {  	_ =	shalt  }
0x87: {  	_ =	shalt  }
.Lfunc_end0:
.L_simem_size_0:
called_computation.1_lowered:
.L_overlay_start_0:
0x88: {  	s2 =	sld [smem:$0x3FD9]  }
0x89: {  	s3 =	sld [smem:$0x3FFE];
	_ =	sdelay $0x1  }
0x8a: {  	s1 =	srdreg.scid  }
0x8b: {  	s0 =	sand.u32 $0x1, s1  }
0x8c: {  	s15 =	sshll.u32 s0, $0xA;
	s2 =	sadd.s32 s3, s2  }
0x8d: {  	s2 =	sadd.s32 s2, s15  }
0x8e: {  	[smem:$0x3FBE] =	sst s2  }
0x8f: {  	_ = 	snop  }
0x90: {  	s2 =	sld [smem:$0x3FD0];
	_ =	sdelay $0x2  }
0x91: {  	s4 =	simm.s32 $0xB;
	s16 =	simm.s32 $0x10  }
0x92: {  	[smem:s16], [sflag:s4] =	dma.local [hbm:s2], $0x1  }
0x93: {  	_ =	swait.eq [sflag:s4], $0x1  }
0x94: {  	[sflag:s4] =	ssyncset.done $0x0  }
0x95: {  	s17 =	sld [smem:$0x10];
	[sflag:s4] =	ssyncadd.s32 $0xFFFFFFFF  }
0x96: {  	s18 =	sld [smem:$0x11];
	(tm) =	ssettm $0x1  }
0x97: {  	s19 =	sld [smem:$0x3FFB];
	_ =	sdelay $0x3  }
0x98: {  	_ =	strace s19  }
0x99: {  	s2 =	sld [smem:$0x3FFC];
	_ =	sdelay $0x3  }
0x9a: {  	_ =	strace s2  }
0x9b: {  	s2 =	sld [smem:$0x3FFD];
	_ =	sdelay $0x3  }
0x9c: {  	_ =	strace s2  }
0x9d: {  	_ =	strace $0x8FFFFFFF  }
0x9e: {  	s20 =	sld [smem:$0x3FDB];
	_ =	sdelay $0x1  }
0x9f: {  	s5 =	simm.s32 $_scs_section_size  }
0xa0: {  	s6 =	simm.s32 $_size__tile_overlayer_lowered;
	s7 =	simm.s32 $_tile_overlayer_lowered  }
0xa1: {  	s8 =	simm.s32 $0x1BFF;
	s21 =	sshll.u32 s7, $0x1;
	s5 =	sadd.s32 s5, s20  }
0xa2: {  	s22 =	simm.s32 $0x0;
	s6 =	sshll.u32 s6, $0x1;
	s7 =	sadd.s32 s21, s5  }
0xa3: {  	[timem:s22], [sflag:s8] =	dma.local [hbm:s7], s6  }
0xa4: {  	_ =	swait.ge [sflag:s8], s6  }
0xa5: {  	s6 =	ssub.s32 $0x0, s6;
	[sflag:s8] =	ssyncset.done $0x0  }
0xa6: {  	[sflag:s8] =	ssyncadd.s32 s6;
	_ =	sdelay $0x1  }
0xa7: {  	s23 =	simm.s32 $0x1B8B  }
0xa8: {  	_ =	swait.ge [sflag:s23], $0x1  }
0xa9: {  	[sflag:s23] =	ssyncset.done $0x0  }
0xaa: {  	[sflag:s23] =	ssyncadd.s32 $0xFFFFFFFF  }
0xab: {  	s6 =	sld [smem:$0x0]  }
0xac: {  	s7 =	sand.u32 $0xFFFFFFFE, s1  }
0xad: {  	p0 =	sne.s32 s1, s7  }
0xae: {  	s7 =	sshll.u32 @p0 s7, $0xE  }
0xaf: {  	s7 =	sadd.s32 @p0 $0x11B8D, s7;
	s8 =	sshll.u32 @p0 s6, $0x11  }
0xb0: {  	s7 =	sor.u32 @p0 s8, s7  }
0xb1: {  	[sflag:s7] =	ssyncadd.remote.s32 @p0 $0x1;
	_ =	sdelay $0x1  }
0xb2: {  	s7 =	simm.s32 @p0 $0x1B8D  }
0xb3: {  	_ =	swait.eq @p0 [sflag:s7], $0x1  }
0xb4: {  	[sflag:s7] =	ssyncadd.s32 @p0 $0xFFFFFFFF  }
0xb5: {  	s8 =	sshll.u32 @!p0 s1, $0xE  }
0xb6: {  	s8 =	sor.u32 @!p0 $0x4000, s8;
	s7 =	simm.s32 @!p0 $0x1B8D  }
0xb7: {  	s6 =	sshll.u32 @!p0 s6, $0x11;
	s8 =	sadd.s32 @!p0 $0x11B8D, s8;
	_ =	swait.eq @!p0 [sflag:s7], $0x1  }
0xb8: {  	s6 =	sor.u32 @!p0 s6, s8;
	[sflag:s7] =	ssyncadd.s32 @!p0 $0xFFFFFFFF  }
0xb9: {  	s25 =	simm.s32 $0x1B8E;
	s24 =	sld [smem:$0x3FFE];
	[sflag:s6] =	ssyncadd.remote.s32 @!p0 $0x1  }
0xba: {  	s26 =	simm.s32 $execute0_lowered;
	[smem:$0x3FD2] =	sst s25  }
0xbb: {  	s7 =	sshll.u32 s26, $0x1;
	_ =	strace $0x80000049;
	[dreg:$0x1] =	wrdreg $0xFFFFFFFF  }
0xbc: {  	s28 =	simm.s32 $_size_execute0_lowered;
	s5 =	sadd.s32 s5, s7;
	[dreg:$0x0] =	wrdreg $0x0  }
0xbd: {  	s7 =	sshll.u32 s28, $0x1;
	[dreg:$0x2] =	wrdreg s5  }
0xbe: {  	[dreg:$0x3] =	wrdreg s7  }
0xbf: {  	[dreg:$0x4] =	wrdreg $0xC0  }
0xc0: {  	_ =	task [dreg:s22], $0x5FFFF  }
0xc1: {  	[dreg:$0x1] =	wrdreg $0xFFFFFFFF  }
0xc2: {  	[dreg:$0x0] =	wrdreg $0x60  }
0xc3: {  	[dreg:$0x2] =	wrdreg s17  }
0xc4: {  	[dreg:$0x3] =	wrdreg s24  }
0xc5: {  	[dreg:$0x4] =	wrdreg s18  }
0xc6: {  	[dreg:$0x5] =	wrdreg $0xB9800  }
0xc7: {  	[dreg:$0x6] =	wrdreg $0xA  }
0xc8: {  	_ =	task.clear_ibuf [dreg:s22], $0x7FFFF;
	_ =	strace $0x90000049  }
0xc9: {  	s29 =	simm.s32 $0xA;
	_ =	strace $0x8000004B  }
0xca: {  	_ =	swait.ge [sflag:s29], $0x1  }
0xcb: {  	[sflag:s29] =	ssyncadd.s32 $0xFFFFFFFF  }
0xcc: {  	_ =	strace $0x9000004B  }
0xcd: {  	_ =	sfence  }
0xce: {  	s30 =	sld [smem:$0x0];
	_ =	sdelay $0x2  }
0xcf: {  	s31 =	sshll.u32 s1, $0xD;
	s1 =	sshrl.u32 s1, $0x2  }
0xd0: {  	s4 =	sand.u32 $0x4000, s31;
	s1 =	sadd.s32 s1, s30  }
0xd1: {  	s0 =	sor.u32 s4, s0;
	s1 =	sshll.u32 s1, $0x11  }
0xd2: {  	s0 =	sor.u32 s1, s0  }
0xd3: {  	s0 =	sadd.s32 $0x8F2B, s0  }
0xd4: {  	[sflag:s0] =	ssyncadd.remote.s32 $0x1  }
0xd5: {  	_ =	sfence.sel $0xFFFF  }
0xd6: {  	[dreg:$0x0] =	wrdreg $0xFFFFFFFF;
	(pc) =	sbr.abs _section_cstart, $3  }
0xd7: {  	[dreg:$0x1] =	wrdreg $0xFFFFFFFF  }
0xd8: {  	_ =	task.clear_ibuf [dreg:s22], $0x2FFFF;
	_ =	strace $0x9FFFFFFF  }
0xd9: {  	(tm) =	ssettm $0x7FFFFFFF  }
tec
execute0_lowered:
.L_overlay_start_1:
0x0: {  	(tag) =	ssettag $0x1  }
0x1: {  	s0 =	rddreg [dreg:$0x0]  }
0x2: {  	s1 =	rddreg [dreg:$0x1];
	s2 =	simm.s32 $0x0;
	s3 =	srdreg.scid  }
0x3: {  	s17 =	stileid.u32;
	[smem:$0x7FF] =	sst s2;
	s3 =	sand.u32 $0x1, s3  }
0x4: {  	s7 =	smul.u32 $0x14000, s17;
	s25 =	sadd.s32 $0x4B000, s1;
	s4 =	sshll.u32 s3, $0x4  }
0x5: {  	s5 =	smul.u32 $0x140000, s3;
	s6 =	ssub.s32 $0x2, s3;
	s4 =	sor.u32 s17, s4  }
0x6: {  	s8 =	sshrl.u32 s6, $0x1;
	s9 =	sor.u32 $0x2000, s7;
	s11 =	sadd.s32 $0x4000, s7  }
0x7: {  	s3 =	smul.u32 $0x6400, s4;
	s6 =	ssub.s32 s6, s8;
	s26 =	sadd.s32 s5, s7  }
0x8: {  	s10 =	sadd.s32 s5, s9;
	s12 =	sadd.s32 s5, s11;
	s8 =	sshrl.u32 s26, $0x3  }
0x9: {  	s10 =	sshrl.u32 s10, $0x3;
	s13 =	sshrl.u32 s12, $0x3;
	s8 =	sadd.s32 s25, s8  }
0xa: {  	s12 =	sadd.s32 $0x8000, s7;
	[dreg:$0x5] =	wrdreg s8;
	s8 =	sadd.s32 s25, s10  }
0xb: {  	s24 =	sshrl.u32 s3, $0x3;
	s10 =	sadd.s32 $0x6000, s7;
	[dreg:$0x6] =	wrdreg s8  }
0xc: {  	s8 =	sadd.s32 s25, s13;
	s14 =	sadd.s32 s5, s10;
	s13 =	sadd.s32 s5, s12  }
0xd: {  	[dreg:$0x7] =	wrdreg s8;
	s8 =	sshrl.u32 s14, $0x3;
	s14 =	sadd.s32 $0xA000, s7  }
0xe: {  	s15 =	sshrl.u32 s13, $0x3;
	s13 =	sadd.s32 $0xC000, s7;
	s8 =	sadd.s32 s25, s8  }
0xf: {  	s16 =	sadd.s32 s5, s14;
	s19 =	sadd.s32 s5, s13;
	[dreg:$0x8] =	wrdreg s8  }
0x10: {  	s8 =	sadd.s32 s25, s15;
	s18 =	sshrl.u32 s16, $0x3;
	s16 =	sadd.s32 $0xE000, s7  }
0x11: {  	[dreg:$0x9] =	wrdreg s8;
	s8 =	sadd.s32 s25, s18;
	s15 =	sadd.s32 s5, s16  }
0x12: {  	[dreg:$0xa] =	wrdreg s8;
	s8 =	sshrl.u32 s19, $0x3;
	s19 =	sadd.s32 $0x10000, s7  }
0x13: {  	s20 =	sshrl.u32 s15, $0x3;
	s7 =	sadd.s32 $0x12000, s7;
	s15 =	rddreg [dreg:$0x3]  }
0x14: {  	s8 =	sadd.s32 s25, s8;
	s21 =	sadd.s32 s5, s19;
	s5 =	sadd.s32 s5, s7  }
0x15: {  	[dreg:$0xb] =	wrdreg s8;
	s8 =	sadd.s32 s25, s20;
	s22 =	sshrl.u32 s21, $0x3  }
0x16: {  	s5 =	sshrl.u32 s5, $0x3;
	[dreg:$0xc] =	wrdreg s8;
	s8 =	sadd.s32 s25, s22  }
0x17: {  	s26 =	sadd.s32 s24, s1;
	s4 =	sadd.s32 s25, s5;
	[dreg:$0xd] =	wrdreg s8  }
0x18: {  	s5 =	sadd.s32 $0x32000, s26;
	[dreg:$0xe] =	wrdreg s4  }
0x19: {  	s6 =	smax.u32 s6, $0x1;
	_ =	strace $0x8000004A;
	[dreg:$0xf] =	wrdreg s5  }
0x1a: {  	s8 =	sadd.s32 s9, s15;
	[dreg:$0x10] =	wrdreg s6  }
0x1b: {  	s9 =	sadd.s32 s11, s15;
	[dreg:$0x11] =	wrdreg s8  }
0x1c: {  	s10 =	sadd.s32 s10, s15;
	[dreg:$0x12] =	wrdreg s9  }
0x1d: {  	s28 =	simm.s32 $0x1;
	s11 =	sadd.s32 s12, s15;
	[dreg:$0x13] =	wrdreg s10  }
0x1e: {  	s29 =	simm.s32 $0x5;
	s12 =	sadd.s32 s14, s15;
	[dreg:$0x14] =	wrdreg s11  }
0x1f: {  	s30 =	simm.s32 $0x2;
	s13 =	sadd.s32 s13, s15;
	[dreg:$0x15] =	wrdreg s12  }
0x20: {  	s23 =	smul.u32 $0x50000, s17;
	s14 =	sadd.s32 s16, s15;
	[dreg:$0x16] =	wrdreg s13  }
0x21: {  	s17 =	sadd.s32 $0x19000, s1;
	s16 =	sadd.s32 s19, s15;
	[dreg:$0x17] =	wrdreg s14  }
0x22: {  	s20 =	sadd.s32 s17, s24;
	s19 =	sadd.s32 s7, s15;
	[dreg:$0x18] =	wrdreg s16  }
0x23: {  	s31 =	simm.s32 $0x6;
	s21 =	sadd.s32 $0x10, s20;
	[dreg:$0x19] =	wrdreg s19  }
0x24: {  	s25 =	sshrl.u32 s23, $0x2;
	s22 =	sadd.s32 $0x20, s20;
	[dreg:$0x1a] =	wrdreg s21  }
0x25: {  	s1 =	simm.s32 $0x0;
	s18 =	sadd.s32 s25, s15;
	[dreg:$0x1b] =	wrdreg s22  }
0x26: {  	s23 =	sadd.s32 $0x2000, s18;
	s24 =	sadd.s32 $0x4000, s18;
	s25 =	sadd.s32 $0x6000, s18  }
0x27: {  	s26 =	sadd.s32 $0x8000, s18;
	s7 =	sadd.s32 $0xA000, s18;
	s8 =	sadd.s32 $0xC000, s18  }
0x28: {  	s9 =	sadd.s32 $0xE000, s18;
	s10 =	sadd.s32 $0x10000, s18;
	s11 =	sadd.s32 $0x12000, s18  }
.Ltmp0:
0x29: {  	s12 =	simm.s32 $0x6580;
	[dreg:$0x1c] =	wrdreg s23;
	(pc) =	sbr.rel .LBB2_1-.Ltmp0, $4  }
0x2a: {  	s16 =	simm.s32 $0x7;
	s19 =	simm.s32 $0x32;
	[dreg:$0x1d] =	wrdreg s24  }
0x2b: {  	s21 =	simm.s32 $0x6400;
	s22 =	simm.s32 $0x8180;
	[dreg:$0x1e] =	wrdreg s25  }
0x2c: {  	s13 =	simm.s32 $0x3;
	[dreg:$0x1f] =	wrdreg s26;
	s23 =	simm.s32 $0x6480  }
0x2d: {  	s24 =	simm.s32 $0x9D80;
	s25 =	simm.s32 $0x6500;
	s26 =	simm.s32 $0x4  }
.LBB2_4:
0x2e: {  	_ =	swait.ge [sflag:s26], $0x80  }
0x2f: {  	[sflag:s26] =	ssyncset.done $0x0  }
0x30: {  	[sflag:s26] =	ssyncadd.s32 $0xFFFFFF80  }
0x31: {  	_ =	swait.ge [sflag:s28], $0x1900  }
0x32: {  	[sflag:s28] =	ssyncset.done $0x0  }
0x33: {  	[sflag:s28] =	ssyncadd.s32 $0xFFFFE700  }
0x34: {  	[spmem:s15] =	stream.indirect.scatter.add.f32 [tilespmem:s12], [sflag:$0x7], $0x80, s21, s19, $0xb8;
	[tilespmem:$0x1F980] =	vst v63  }
0x35: {  	_ =	swait.ge [sflag:s16], $0x1900  }
0x36: {  	[sflag:s16] =	ssyncset.done $0x0  }
0x37: {  	[sflag:s16] =	ssyncadd.s32 $0xFFFFE700  }
0x38: {  	_ =	swait.ge [sflag:s29], $0x80  }
0x39: {  	[sflag:s29] =	ssyncset.done $0x0  }
0x3a: {  	[sflag:s29] =	ssyncadd.s32 $0xFFFFFF80  }
0x3b: {  	_ =	swait.ge [sflag:s30], $0x1900  }
0x3c: {  	[sflag:s30] =	ssyncset.done $0x0  }
0x3d: {  	[sflag:s30] =	ssyncadd.s32 $0xFFFFE700  }
0x3e: {  	[spmem:s15] =	stream.indirect.scatter.add.f32 [tilespmem:s22], [sflag:$0x7], $0x80, s23, s19, $0xb8;
	[tilespmem:$0x1F980] =	vst v63  }
0x3f: {  	_ =	swait.ge [sflag:s16], $0x1900  }
0x40: {  	[sflag:s16] =	ssyncset.done $0x0  }
0x41: {  	[sflag:s16] =	ssyncadd.s32 $0xFFFFE700  }
0x42: {  	[bflag:$0x0] =	sbarrier.arrive $0xFFFF  }
0x43: {  	[tilespmem:s12], [sflag:$0x7] =	stream.linear.gather [spmem:s18], $0x2000, $0x38;
	[tilespmem:$0x1F980] =	vst v63  }
0x44: {  	_ =	swait.ge [sflag:s16], $0x2000  }
0x45: {  	[sflag:s16] =	ssyncset.done $0x0  }
0x46: {  	s4 =	rddreg [dreg:$0x5];
	[sflag:s16] =	ssyncadd.s32 $0xFFFFE000  }
0x47: {  	[hbm4b:s4+s2] =	stream.linear.scatter [tilespmem:s12], [sflag:$0x7], $0x2000, $0x38;
	[tilespmem:$0x1F980] =	vst v63  }
0x48: {  	_ =	swait.ge [sflag:s16], $0x2000  }
0x49: {  	[sflag:s16] =	ssyncset.done $0x0  }
0x4a: {  	s14 =	rddreg [dreg:$0x11];
	[sflag:s16] =	ssyncadd.s32 $0xFFFFE000  }
0x4b: {  	[tilespmem:s12], [sflag:$0x7] =	stream.linear.gather [spmem:s14], $0x2000, $0x38;
	[tilespmem:$0x1F980] =	vst v63  }
0x4c: {  	_ =	swait.ge [sflag:s16], $0x2000  }
0x4d: {  	[sflag:s16] =	ssyncset.done $0x0  }
0x4e: {  	s5 =	rddreg [dreg:$0x6];
	[sflag:s16] =	ssyncadd.s32 $0xFFFFE000  }
0x4f: {  	[hbm4b:s5+s2] =	stream.linear.scatter [tilespmem:s12], [sflag:$0x7], $0x2000, $0x38;
	[tilespmem:$0x1F980] =	vst v63  }
0x50: {  	_ =	swait.ge [sflag:s16], $0x2000  }
0x51: {  	[sflag:s16] =	ssyncset.done $0x0  }
0x52: {  	s6 =	rddreg [dreg:$0x12];
	[sflag:s16] =	ssyncadd.s32 $0xFFFFE000  }
0x53: {  	[tilespmem:s12], [sflag:$0x7] =	stream.linear.gather [spmem:s6], $0x2000, $0x38;
	[tilespmem:$0x1F980] =	vst v63  }
0x54: {  	_ =	swait.ge [sflag:s16], $0x2000  }
0x55: {  	[sflag:s16] =	ssyncset.done $0x0  }
0x56: {  	s14 =	rddreg [dreg:$0x7];
	[sflag:s16] =	ssyncadd.s32 $0xFFFFE000  }
0x57: {  	[hbm4b:s14+s2] =	stream.linear.scatter [tilespmem:s12], [sflag:$0x7], $0x2000, $0x38;
	[tilespmem:$0x1F980] =	vst v63  }
0x58: {  	_ =	swait.ge [sflag:s16], $0x2000  }
0x59: {  	[sflag:s16] =	ssyncset.done $0x0  }
0x5a: {  	s5 =	rddreg [dreg:$0x13];
	[sflag:s16] =	ssyncadd.s32 $0xFFFFE000  }
0x5b: {  	[tilespmem:s12], [sflag:$0x7] =	stream.linear.gather [spmem:s5], $0x2000, $0x38;
	[tilespmem:$0x1F980] =	vst v63  }
0x5c: {  	_ =	swait.ge [sflag:s16], $0x2000  }
0x5d: {  	[sflag:s16] =	ssyncset.done $0x0  }
0x5e: {  	s6 =	rddreg [dreg:$0x8];
	[sflag:s16] =	ssyncadd.s32 $0xFFFFE000  }
0x5f: {  	[hbm4b:s6+s2] =	stream.linear.scatter [tilespmem:s12], [sflag:$0x7], $0x2000, $0x38;
	[tilespmem:$0x1F980] =	vst v63  }
0x60: {  	_ =	swait.ge [sflag:s16], $0x2000  }
0x61: {  	[sflag:s16] =	ssyncset.done $0x0  }
0x62: {  	s14 =	rddreg [dreg:$0x14];
	[sflag:s16] =	ssyncadd.s32 $0xFFFFE000  }
0x63: {  	[tilespmem:s12], [sflag:$0x7] =	stream.linear.gather [spmem:s14], $0x2000, $0x38;
	[tilespmem:$0x1F980] =	vst v63  }
0x64: {  	_ =	swait.ge [sflag:s16], $0x2000  }
0x65: {  	[sflag:s16] =	ssyncset.done $0x0  }
0x66: {  	s5 =	rddreg [dreg:$0x9];
	[sflag:s16] =	ssyncadd.s32 $0xFFFFE000  }
0x67: {  	[hbm4b:s5+s2] =	stream.linear.scatter [tilespmem:s12], [sflag:$0x7], $0x2000, $0x38;
	[tilespmem:$0x1F980] =	vst v63  }
0x68: {  	_ =	swait.ge [sflag:s16], $0x2000  }
0x69: {  	[sflag:s16] =	ssyncset.done $0x0  }
0x6a: {  	s6 =	rddreg [dreg:$0x15];
	[sflag:s16] =	ssyncadd.s32 $0xFFFFE000  }
0x6b: {  	[tilespmem:s12], [sflag:$0x7] =	stream.linear.gather [spmem:s6], $0x2000, $0x38;
	[tilespmem:$0x1F980] =	vst v63  }
0x6c: {  	_ =	swait.ge [sflag:s16], $0x2000  }
0x6d: {  	[sflag:s16] =	ssyncset.done $0x0  }
0x6e: {  	s14 =	rddreg [dreg:$0xa];
	[sflag:s16] =	ssyncadd.s32 $0xFFFFE000  }
0x6f: {  	[hbm4b:s14+s2] =	stream.linear.scatter [tilespmem:s12], [sflag:$0x7], $0x2000, $0x38;
	[tilespmem:$0x1F980] =	vst v63  }
0x70: {  	_ =	swait.ge [sflag:s16], $0x2000  }
0x71: {  	[sflag:s16] =	ssyncset.done $0x0  }
0x72: {  	s5 =	rddreg [dreg:$0x16];
	[sflag:s16] =	ssyncadd.s32 $0xFFFFE000  }
0x73: {  	[tilespmem:s12], [sflag:$0x7] =	stream.linear.gather [spmem:s5], $0x2000, $0x38;
	[tilespmem:$0x1F980] =	vst v63  }
0x74: {  	_ =	swait.ge [sflag:s16], $0x2000  }
0x75: {  	[sflag:s16] =	ssyncset.done $0x0  }
0x76: {  	s6 =	rddreg [dreg:$0xb];
	[sflag:s16] =	ssyncadd.s32 $0xFFFFE000  }
0x77: {  	[hbm4b:s6+s2] =	stream.linear.scatter [tilespmem:s12], [sflag:$0x7], $0x2000, $0x38;
	[tilespmem:$0x1F980] =	vst v63  }
0x78: {  	_ =	swait.ge [sflag:s16], $0x2000  }
0x79: {  	[sflag:s16] =	ssyncset.done $0x0  }
0x7a: {  	s14 =	rddreg [dreg:$0x17];
	[sflag:s16] =	ssyncadd.s32 $0xFFFFE000  }
0x7b: {  	[tilespmem:s12], [sflag:$0x7] =	stream.linear.gather [spmem:s14], $0x2000, $0x38;
	[tilespmem:$0x1F980] =	vst v63  }
0x7c: {  	_ =	swait.ge [sflag:s16], $0x2000  }
0x7d: {  	[sflag:s16] =	ssyncset.done $0x0  }
0x7e: {  	s5 =	rddreg [dreg:$0xc];
	[sflag:s16] =	ssyncadd.s32 $0xFFFFE000  }
0x7f: {  	[hbm4b:s5+s2] =	stream.linear.scatter [tilespmem:s12], [sflag:$0x7], $0x2000, $0x38;
	[tilespmem:$0x1F980] =	vst v63  }
0x80: {  	_ =	swait.ge [sflag:s16], $0x2000  }
0x81: {  	[sflag:s16] =	ssyncset.done $0x0  }
0x82: {  	s6 =	rddreg [dreg:$0x18];
	[sflag:s16] =	ssyncadd.s32 $0xFFFFE000  }
0x83: {  	[tilespmem:s12], [sflag:$0x7] =	stream.linear.gather [spmem:s6], $0x2000, $0x38;
	[tilespmem:$0x1F980] =	vst v63  }
0x84: {  	_ =	swait.ge [sflag:s16], $0x2000  }
0x85: {  	[sflag:s16] =	ssyncset.done $0x0  }
0x86: {  	s14 =	rddreg [dreg:$0xd];
	[sflag:s16] =	ssyncadd.s32 $0xFFFFE000  }
0x87: {  	[hbm4b:s14+s2] =	stream.linear.scatter [tilespmem:s12], [sflag:$0x7], $0x2000, $0x38;
	[tilespmem:$0x1F980] =	vst v63  }
0x88: {  	_ =	swait.ge [sflag:s16], $0x2000  }
0x89: {  	[sflag:s16] =	ssyncset.done $0x0  }
0x8a: {  	s5 =	rddreg [dreg:$0x19];
	[sflag:s16] =	ssyncadd.s32 $0xFFFFE000  }
0x8b: {  	[tilespmem:s12], [sflag:$0x7] =	stream.linear.gather [spmem:s5], $0x2000, $0x38;
	[tilespmem:$0x1F980] =	vst v63  }
0x8c: {  	_ =	swait.ge [sflag:s16], $0x2000  }
0x8d: {  	[sflag:s16] =	ssyncset.done $0x0  }
0x8e: {  	s6 =	rddreg [dreg:$0xe];
	[sflag:s16] =	ssyncadd.s32 $0xFFFFE000  }
0x8f: {  	[hbm4b:s6+s2] =	stream.linear.scatter [tilespmem:s12], [sflag:$0x7], $0x2000, $0x38;
	[tilespmem:$0x1F980] =	vst v63  }
0x90: {  	_ =	swait.ge [sflag:s16], $0x2000  }
0x91: {  	s1 =	sadd.s32 $0x1, s1;
	s14 =	rddreg [dreg:$0x10]  }
0x92: {  	p0 =	sne.s32 s1, s14  }
.Ltmp1:
0x93: {  	_ = 	snop;
	(pc) =	sbr.rel @!p0 .LBB2_5-.Ltmp1, $3  }
0x94: {  	_ =	sdelay $0x1  }
0x95: {  	[sflag:s16] =	ssyncset.done $0x0  }
0x96: {  	[sflag:s16] =	ssyncadd.s32 $0xFFFFE000  }
.LBB2_1:
0x97: {  	s4 =	rddreg [dreg:$0x2]  }
0x98: {  	[tilespmem:s12], [sflag:$0x7] =	stream.linear.gather [hbm4b:s4+s2], $0x2000, $0x38;
	[tilespmem:$0x1F980] =	vst v63  }
0x99: {  	_ =	swait.ge [sflag:s16], $0x2000  }
0x9a: {  	[sflag:s16] =	ssyncset.done $0x0  }
0x9b: {  	[sflag:s16] =	ssyncadd.s32 $0xFFFFE000  }
0x9c: {  	[spmem:s18] =	stream.linear.scatter [tilespmem:s12], [sflag:$0x7], $0x2000, $0x38;
	[tilespmem:$0x1F980] =	vst v63  }
0x9d: {  	_ =	swait.ge [sflag:s16], $0x2000  }
0x9e: {  	[sflag:s16] =	ssyncset.done $0x0  }
0x9f: {  	s5 =	rddreg [dreg:$0x1c];
	[sflag:s16] =	ssyncadd.s32 $0xFFFFE000  }
0xa0: {  	[spmem:s5] =	stream.linear.scatter [tilespmem:s12], [sflag:$0x7], $0x2000, $0x38;
	[tilespmem:$0x1F980] =	vst v63  }
0xa1: {  	_ =	swait.ge [sflag:s16], $0x2000  }
0xa2: {  	[sflag:s16] =	ssyncset.done $0x0  }
0xa3: {  	s6 =	rddreg [dreg:$0x1d];
	[sflag:s16] =	ssyncadd.s32 $0xFFFFE000  }
0xa4: {  	[spmem:s6] =	stream.linear.scatter [tilespmem:s12], [sflag:$0x7], $0x2000, $0x38;
	[tilespmem:$0x1F980] =	vst v63  }
0xa5: {  	_ =	swait.ge [sflag:s16], $0x2000  }
0xa6: {  	[sflag:s16] =	ssyncset.done $0x0  }
0xa7: {  	s14 =	rddreg [dreg:$0x1e];
	[sflag:s16] =	ssyncadd.s32 $0xFFFFE000  }
0xa8: {  	[spmem:s14] =	stream.linear.scatter [tilespmem:s12], [sflag:$0x7], $0x2000, $0x38;
	[tilespmem:$0x1F980] =	vst v63  }
0xa9: {  	_ =	swait.ge [sflag:s16], $0x2000  }
0xaa: {  	[sflag:s16] =	ssyncset.done $0x0  }
0xab: {  	s5 =	rddreg [dreg:$0x1f];
	[sflag:s16] =	ssyncadd.s32 $0xFFFFE000  }
0xac: {  	[spmem:s5] =	stream.linear.scatter [tilespmem:s12], [sflag:$0x7], $0x2000, $0x38;
	[tilespmem:$0x1F980] =	vst v63  }
0xad: {  	_ =	swait.ge [sflag:s16], $0x2000  }
0xae: {  	[sflag:s16] =	ssyncset.done $0x0  }
0xaf: {  	[sflag:s16] =	ssyncadd.s32 $0xFFFFE000  }
0xb0: {  	[spmem:s7] =	stream.linear.scatter [tilespmem:s12], [sflag:$0x7], $0x2000, $0x38;
	[tilespmem:$0x1F980] =	vst v63  }
0xb1: {  	_ =	swait.ge [sflag:s16], $0x2000  }
0xb2: {  	[sflag:s16] =	ssyncset.done $0x0  }
0xb3: {  	[sflag:s16] =	ssyncadd.s32 $0xFFFFE000  }
0xb4: {  	[spmem:s8] =	stream.linear.scatter [tilespmem:s12], [sflag:$0x7], $0x2000, $0x38;
	[tilespmem:$0x1F980] =	vst v63  }
0xb5: {  	_ =	swait.ge [sflag:s16], $0x2000  }
0xb6: {  	[sflag:s16] =	ssyncset.done $0x0  }
0xb7: {  	[sflag:s16] =	ssyncadd.s32 $0xFFFFE000  }
0xb8: {  	[spmem:s9] =	stream.linear.scatter [tilespmem:s12], [sflag:$0x7], $0x2000, $0x38;
	[tilespmem:$0x1F980] =	vst v63  }
0xb9: {  	_ =	swait.ge [sflag:s16], $0x2000  }
0xba: {  	[sflag:s16] =	ssyncset.done $0x0  }
0xbb: {  	[sflag:s16] =	ssyncadd.s32 $0xFFFFE000  }
0xbc: {  	[spmem:s10] =	stream.linear.scatter [tilespmem:s12], [sflag:$0x7], $0x2000, $0x38;
	[tilespmem:$0x1F980] =	vst v63  }
0xbd: {  	_ =	swait.ge [sflag:s16], $0x2000  }
0xbe: {  	[sflag:s16] =	ssyncset.done $0x0  }
0xbf: {  	[sflag:s16] =	ssyncadd.s32 $0xFFFFE000  }
0xc0: {  	[spmem:s11] =	stream.linear.scatter [tilespmem:s12], [sflag:$0x7], $0x2000, $0x38;
	[tilespmem:$0x1F980] =	vst v63  }
0xc1: {  	_ =	swait.ge [sflag:s16], $0x2000  }
0xc2: {  	[sflag:s16] =	ssyncset.done $0x0  }
0xc3: {  	s6 =	rddreg [dreg:$0xf];
	[sflag:s16] =	ssyncadd.s32 $0xFFFFE000  }
0xc4: {  	[tilespmem:s2], [sflag:$0x7] =	stream.linear.gather [hbm4b:s6+s2], $0x6400, $0x38;
	[tilespmem:$0x1F980] =	vst v63  }
0xc5: {  	_ =	swait.ge [sflag:s16], $0x6400  }
0xc6: {  	[sflag:s16] =	ssyncset.done $0x0  }
0xc7: {  	[sflag:s16] =	ssyncadd.s32 $0xFFFF9C00  }
0xc8: {  	[bflag:$0x0] =	sbarrier.arrive $0xFFFF  }
0xc9: {  	[tilespmem:s12], [sflag:$0x1] =	stream.indirect.gather [hbm4b:s0+s19], $0x80, s2, s19, $0xb8;
	[tilespmem:$0x1F980] =	vst v63  }
0xca: {  	_ = 	snop  }
0xcb: {  	[tilespmem:s21], [sflag:$0x4] =	stream.linear.gather [hbm4b:s20+s2], $0x80, $0x38;
	[tilespmem:$0x1F980] =	vst v63  }
0xcc: {  	s14 =	simm.s32 $0x80  }
0xcd: {  	[tilespmem:s22], [sflag:$0x2] =	stream.indirect.gather [hbm4b:s0+s19], $0x80, s14, s19, $0xb8;
	[tilespmem:$0x1F980] =	vst v63  }
0xce: {  	s5 =	rddreg [dreg:$0x1a]  }
0xcf: {  	[tilespmem:s23], [sflag:$0x5] =	stream.linear.gather [hbm4b:s5+s2], $0x80, $0x38;
	[tilespmem:$0x1F980] =	vst v63  }
0xd0: {  	s6 =	simm.s32 $0x100  }
0xd1: {  	[tilespmem:s24], [sflag:$0x3] =	stream.indirect.gather [hbm4b:s0+s19], $0x80, s6, s19, $0xb8;
	[tilespmem:$0x1F980] =	vst v63  }
0xd2: {  	s14 =	rddreg [dreg:$0x1b]  }
0xd3: {  	[tilespmem:s25], [sflag:$0x6] =	stream.linear.gather [hbm4b:s14+s2], $0x80, $0x38;
	[tilespmem:$0x1F980] =	vst v63  }
0xd4: {  	s4 =	simm.s32 $0x280;
	s14 =	simm.s32 $0x280  }
.LBB2_2:
0xd5: {  	_ =	swait.ge [sflag:s26], $0x80  }
0xd6: {  	[sflag:s26] =	ssyncset.done $0x0  }
0xd7: {  	[sflag:s26] =	ssyncadd.s32 $0xFFFFFF80  }
0xd8: {  	_ =	swait.ge [sflag:s28], $0x1900  }
0xd9: {  	[sflag:s28] =	ssyncset.done $0x0  }
0xda: {  	[sflag:s28] =	ssyncadd.s32 $0xFFFFE700  }
0xdb: {  	[spmem:s15] =	stream.indirect.scatter.add.f32 [tilespmem:s12], [sflag:$0x7], $0x80, s21, s19, $0xb8;
	[tilespmem:$0x1F980] =	vst v63  }
0xdc: {  	_ =	swait.ge [sflag:s16], $0x1900  }
0xdd: {  	[sflag:s16] =	ssyncset.done $0x0  }
0xde: {  	s5 =	sadd.s32 $0xFFFFFF00, s4;
	[sflag:s16] =	ssyncadd.s32 $0xFFFFE700  }
0xdf: {  	[tilespmem:s12], [sflag:$0x1] =	stream.indirect.gather [hbm4b:s0+s19], $0x80, s5, s19, $0xb8;
	[tilespmem:$0x1F980] =	vst v63  }
0xe0: {  	s5 =	sadd.s32 $0xFFFFFF00, s14  }
0xe1: {  	s6 =	sand.u32 $0x1FC00, s5  }
0xe2: {  	s5 =	sand.u32 $0x380, s5;
	s6 =	sadd.s32 s3, s6  }
0xe3: {  	s5 =	sor.u32 s5, s6  }
0xe4: {  	s5 =	sshrl.u32 s5, $0x3  }
0xe5: {  	s5 =	sadd.s32 s17, s5  }
0xe6: {  	[tilespmem:s21], [sflag:$0x4] =	stream.linear.gather [hbm4b:s5+s2], $0x80, $0x38;
	[tilespmem:$0x1F980] =	vst v63  }
0xe7: {  	_ =	swait.ge [sflag:s29], $0x80  }
0xe8: {  	[sflag:s29] =	ssyncset.done $0x0  }
0xe9: {  	[sflag:s29] =	ssyncadd.s32 $0xFFFFFF80  }
0xea: {  	_ =	swait.ge [sflag:s30], $0x1900  }
0xeb: {  	[sflag:s30] =	ssyncset.done $0x0  }
0xec: {  	[sflag:s30] =	ssyncadd.s32 $0xFFFFE700  }
0xed: {  	[spmem:s15] =	stream.indirect.scatter.add.f32 [tilespmem:s22], [sflag:$0x7], $0x80, s23, s19, $0xb8;
	[tilespmem:$0x1F980] =	vst v63  }
0xee: {  	_ =	swait.ge [sflag:s16], $0x1900  }
0xef: {  	[sflag:s16] =	ssyncset.done $0x0  }
0xf0: {  	s6 =	sadd.s32 $0xFFFFFF80, s4;
	s5 =	sadd.s32 $0xFFFFFF80, s14;
	[sflag:s16] =	ssyncadd.s32 $0xFFFFE700  }
0xf1: {  	[tilespmem:s22], [sflag:$0x2] =	stream.indirect.gather [hbm4b:s0+s19], $0x80, s6, s19, $0xb8;
	[tilespmem:$0x1F980] =	vst v63  }
0xf2: {  	s6 =	sand.u32 $0x1FC00, s5  }
0xf3: {  	s5 =	sand.u32 $0x380, s5;
	s6 =	sadd.s32 s3, s6  }
0xf4: {  	s5 =	sor.u32 s5, s6  }
0xf5: {  	s5 =	sshrl.u32 s5, $0x3  }
0xf6: {  	s5 =	sadd.s32 s17, s5  }
0xf7: {  	[tilespmem:s23], [sflag:$0x5] =	stream.linear.gather [hbm4b:s5+s2], $0x80, $0x38;
	[tilespmem:$0x1F980] =	vst v63  }
0xf8: {  	_ =	swait.ge [sflag:s31], $0x80  }
0xf9: {  	[sflag:s31] =	ssyncset.done $0x0  }
0xfa: {  	[sflag:s31] =	ssyncadd.s32 $0xFFFFFF80  }
0xfb: {  	_ =	swait.ge [sflag:s13], $0x1900  }
0xfc: {  	p0 =	seq.s32 s14, $0x6400;
	[sflag:s13] =	ssyncset.done $0x0  }
.Ltmp2:
0xfd: {  	[sflag:s13] =	ssyncadd.s32 $0xFFFFE700;
	(pc) =	sbr.rel @p0 .LBB2_4-.Ltmp2, $4  }
0xfe: {  	[spmem:s15] =	stream.indirect.scatter.add.f32 [tilespmem:s24], [sflag:$0x7], $0x80, s25, s19, $0xb8;
	[tilespmem:$0x1F980] =	vst v63  }
0xff: {  	_ =	swait.ge [sflag:s16], $0x1900  }
0x100: {  	[sflag:s16] =	ssyncset.done $0x0  }
0x101: {  	[sflag:s16] =	ssyncadd.s32 $0xFFFFE700  }
0x102: {  	[tilespmem:s24], [sflag:$0x3] =	stream.indirect.gather [hbm4b:s0+s19], $0x80, s4, s19, $0xb8;
	[tilespmem:$0x1F980] =	vst v63  }
0x103: {  	s5 =	sand.u32 $0x1FC00, s14  }
.Ltmp3:
0x104: {  	s6 =	sand.u32 $0x380, s14;
	s5 =	sadd.s32 s3, s5;
	(pc) =	sbr.rel .LBB2_2-.Ltmp3, $4  }
0x105: {  	s5 =	sor.u32 s6, s5  }
0x106: {  	s5 =	sshrl.u32 s5, $0x3  }
0x107: {  	s4 =	sadd.s32 $0x180, s4;
	s14 =	sadd.s32 $0x180, s14;
	s5 =	sadd.s32 s17, s5  }
0x108: {  	[tilespmem:s25], [sflag:$0x6] =	stream.linear.gather [hbm4b:s5+s2], $0x80, $0x38;
	[tilespmem:$0x1F980] =	vst v63  }
.LBB2_5:
0x109: {  	_ =	sfence.sel $0x180000  }
0x10a: {  	[bflag:$0x0] =	sbarrier.arrive $0xFFFF  }
0x10b: {  	_ =	strace $0x9000004A  }
0x10c: {  	s0 =	stileid.u32;
	[bflag:$0x2] =	sbarrier.arrive $0xFFFF  }
0x10d: {  	p0 =	sne.s32 s0, $0x0;
	s0 =	rddreg [dreg:$0x4]  }
0x10e: {  	s0 =	sadd.s32 @!p0 $0x100000, s0  }
0x10f: {  	[sflag:s0] =	ssyncadd.tile.s32 @!p0 $0x1;
	_ =	shalt  }
.Lfunc_end2:
_tile_overlayer_lowered:
.L_overlay_start_2:
0x110: {  	(tag) =	ssettag $0x2  }
0x111: {  	s0 =	rddreg [dreg:$0x0];
	s2 =	stileid.u32  }
0x112: {  	s1 =	rddreg [dreg:$0x1];
	p0 =	sne.s32 s2, $0x0  }
0x113: {  	s3 =	rddreg [dreg:$0x2];
	[bflag:$0x3] =	sbarrier.arrive $0xFFFF;
	s2 =	simm.s32 @!p0 $0x1C07  }
0x114: {  	[timem:s3], [sflag:s2] =	dma.local @!p0 [hbm:s0], s1  }
0x115: {  	s0 =	simm.s32 @!p0 $0x7  }
0x116: {  	_ =	swait.ge @!p0 [sflag:s0], s1  }
0x117: {  	s1 =	ssub.s32 @!p0 $0x0, s1;
	[sflag:s0] =	ssyncset.done @!p0 $0x0  }
0x118: {  	[sflag:s0] =	ssyncadd.s32 @!p0 s1  }
0x119: {  	[bflag:$0x3] =	sbarrier.arrive $0xFFFF  }
0x11a: {  	_ =	shalt  }

// kernel: kernel.16.cloned.1.call-start
scs
__scs_entry_jumppad:
0x0: {  	(pc) =	sbr.rel $0x88, $3  }
0x1: {  	(tag) =	ssettag $0x0;
	lr =	simm.s32 $0x1  }
0x2: {  	[smem:$0x3F97] =	sst lr;
	_ =	strace $0xD0000000  }
0x3: {  	_ = 	snop  }
0x4: {  	_ = 	snop  }
0x5: {  	_ = 	snop  }
0x6: {  	_ = 	snop  }
0x7: {  	_ = 	snop  }
__scs_overlays_trampoline_lowered:
0x8: {  	[smem:$0x3FA6] =	sst s0  }
0x9: {  	[smem:$0x3FA7] =	sst s1  }
0xa: {  	[smem:$0x3FA8] =	sst s2  }
0xb: {  	[smem:$0x3FA9] =	sst s3  }
0xc: {  	[smem:$0x3FAA] =	sst s4  }
0xd: {  	[smem:$0x3FAB] =	sst s5  }
0xe: {  	[smem:$0x3FAC] =	sst s6  }
0xf: {  	[smem:$0x3FAD] =	sst s7  }
0x10: {  	[smem:$0x3FAE] =	sst s8  }
0x11: {  	[smem:$0x3FAF] =	sst s9;
	s0 =	simm.s32 @!p0 $0x0  }
0x12: {  	s1 =	sld [smem:$0x3F95];
	s0 =	simm.s32 @p0 $0x1  }
0x13: {  	[smem:$0x3FB0] =	sst s0;
	s0 =	simm.s32 @!p1 $0x0  }
0x14: {  	s2 =	sld [smem:$0x3F94];
	s0 =	simm.s32 @p1 $0x1  }
0x15: {  	[smem:$0x3FB1] =	sst s0;
	s0 =	simm.s32 @!p2 $0x0  }
0x16: {  	s3 =	sld [smem:$0x3FDB];
	s0 =	simm.s32 @p2 $0x1  }
0x17: {  	s4 =	simm.s32 $0x1BF5;
	[smem:$0x3FB3] =	sst s0  }
0x18: {  	s0 =	sld [smem:$0x3F96];
	_ =	swait.ge [sflag:s4], $0x0  }
0x19: {  	s7 =	sld [smem:$0x3F97]  }
0x1a: {  	s8 =	sadd.s32 $0xFFFFE003, lr  }
0x1b: {  	s9 =	sadd.s32 $0xFFFFFEF7, lr;
	s5 =	simm.s32 $0xFFFFFFFF;
	p2 =	slt.u32 s8, $0xFFFFF086  }
0x1c: {  	p1 =	slt.u32 s9, $0xF7A;
	s5 =	simm.s32 @!p2 $0x0  }
0x1d: {  	s5 =	simm.s32 @p1 $0x1;
	p0 =	seq.s32 s7, s2  }
0x1e: {  	s7 =	smul.u32 @!p0 $0xF7A, s2;
	p2 =	seq.s32 @!p0 s5, $0x0  }
0x1f: {  	s9 =	smul.u32 $0xF7A, s1;
	s8 =	simm.s32 @!p0 $0x1BF5;
	p2 =	por !p2, p0  }
0x20: {  	[sflag:s8] =	ssyncset.s32 @!p0 $0xFFFFF086;
	s6 =	sadd.s32 @!p0 s3, s7;
	s7 =	simm.s32 @!p0 $0x108  }
0x21: {  	s3 =	sadd.s32 s3, s9;
	s6 =	sadd.s32 @!p0 $0x88, s6;
	s7 =	simm.s32 @p2 $0x1082  }
0x22: {  	[simem:s7], [sflag:s8] =	dma.local @!p0 [hbm:s6], $0xF7A  }
0x23: {  	s9 =	sor.u32 $0xD0000000, s2;
	s6 =	simm.s32 $0x108;
	_ =	swait.ge @!p0 [sflag:s8], $0x0  }
0x24: {  	s3 =	sadd.s32 $0x88, s3;
	s6 =	simm.s32 @!p1 $0x1082;
	[sflag:s4] =	ssyncset.s32 $0xFFFFF086  }
0x25: {  	[simem:s6], [sflag:s4] =	dma.local [hbm:s3], $0xF7A  }
0x26: {  	[smem:$0x3F97] =	sst s1;
	(tag) =	ssettag s2;
	_ =	strace s9  }
0x27: {  	s1 =	sld [smem:$0x3FA7]  }
0x28: {  	s2 =	sld [smem:$0x3FA8]  }
0x29: {  	s4 =	sld [smem:$0x3FAA]  }
0x2a: {  	p0 =	seq.s32 s5, $0x0;
	s5 =	sld [smem:$0x3FAB]  }
0x2b: {  	s6 =	sld [smem:$0x3FAC]  }
0x2c: {  	s7 =	sld [smem:$0x3FAD]  }
0x2d: {  	s3 =	simm.s32 $0x108;
	s8 =	sld [smem:$0x3FAE]  }
0x2e: {  	s3 =	simm.s32 @!p0 $0x1082;
	s9 =	sld [smem:$0x3FAF]  }
0x2f: {  	lr =	sadd.s32 s0, s3;
	s0 =	sld [smem:$0x3FA6]  }
0x30: {  	s3 =	sld [smem:$0x3FA9]  }
0x31: {  	[smem:$0x3FB2] =	sst s10  }
0x32: {  	s10 =	sld [smem:$0x3FB0];
	_ =	sdelay $0x3  }
0x33: {  	p0 =	seq.s32 s10, $0x1;
	s10 =	sld [smem:$0x3FB2];
	_ =	sdelay $0x3  }
0x34: {  	[smem:$0x3FB2] =	sst s10  }
0x35: {  	s10 =	sld [smem:$0x3FB1];
	_ =	sdelay $0x3  }
0x36: {  	p1 =	seq.s32 s10, $0x1;
	s10 =	sld [smem:$0x3FB2];
	_ =	sdelay $0x3  }
0x37: {  	[smem:$0x3FB2] =	sst s10  }
0x38: {  	s10 =	sld [smem:$0x3FB3]  }
0x39: {  	_ = 	snop;
	(pc) =	sbr.ind lr, $3  }
0x3a: {  	_ = 	snop  }
0x3b: {  	_ = 	snop  }
0x3c: {  	p2 =	seq.s32 s10, $0x1;
	s10 =	sld [smem:$0x3FB2]  }
0x3d: {  	_ =	shalt  }
0x3e: {  	_ =	shalt  }
0x3f: {  	_ =	shalt  }
0x40: {  	_ =	shalt  }
0x41: {  	_ =	shalt  }
0x42: {  	_ =	shalt  }
0x43: {  	_ =	shalt  }
0x44: {  	_ =	shalt  }
0x45: {  	_ =	shalt  }
0x46: {  	_ =	shalt  }
0x47: {  	_ =	shalt  }
0x48: {  	_ =	shalt  }
0x49: {  	_ =	shalt  }
0x4a: {  	_ =	shalt  }
0x4b: {  	_ =	shalt  }
0x4c: {  	_ =	shalt  }
0x4d: {  	_ =	shalt  }
0x4e: {  	_ =	shalt  }
0x4f: {  	_ =	shalt  }
0x50: {  	_ =	shalt  }
0x51: {  	_ =	shalt  }
0x52: {  	_ =	shalt  }
0x53: {  	_ =	shalt  }
0x54: {  	_ =	shalt  }
0x55: {  	_ =	shalt  }
0x56: {  	_ =	shalt  }
0x57: {  	_ =	shalt  }
0x58: {  	_ =	shalt  }
0x59: {  	_ =	shalt  }
0x5a: {  	_ =	shalt  }
0x5b: {  	_ =	shalt  }
0x5c: {  	_ =	shalt  }
0x5d: {  	_ =	shalt  }
0x5e: {  	_ =	shalt  }
0x5f: {  	_ =	shalt  }
0x60: {  	_ =	shalt  }
0x61: {  	_ =	shalt  }
0x62: {  	_ =	shalt  }
0x63: {  	_ =	shalt  }
0x64: {  	_ =	shalt  }
0x65: {  	_ =	shalt  }
0x66: {  	_ =	shalt  }
0x67: {  	_ =	shalt  }
0x68: {  	_ =	shalt  }
0x69: {  	_ =	shalt  }
0x6a: {  	_ =	shalt  }
0x6b: {  	_ =	shalt  }
0x6c: {  	_ =	shalt  }
0x6d: {  	_ =	shalt  }
0x6e: {  	_ =	shalt  }
0x6f: {  	_ =	shalt  }
0x70: {  	_ =	shalt  }
0x71: {  	_ =	shalt  }
0x72: {  	_ =	shalt  }
0x73: {  	_ =	shalt  }
0x74: {  	_ =	shalt  }
0x75: {  	_ =	shalt  }
0x76: {  	_ =	shalt  }
0x77: {  	_ =	shalt  }
0x78: {  	_ =	shalt  }
0x79: {  	_ =	shalt  }
0x7a: {  	_ =	shalt  }
0x7b: {  	_ =	shalt  }
0x7c: {  	_ =	shalt  }
0x7d: {  	_ =	shalt  }
0x7e: {  	_ =	shalt  }
0x7f: {  	_ =	shalt  }
0x80: {  	_ =	shalt  }
0x81: {  	_ =	shalt  }
0x82: {  	_ =	shalt  }
0x83: {  	_ =	shalt  }
0x84: {  	_ =	shalt  }
0x85: {  	_ =	shalt  }
0x86: {  	_ =	shalt  }
0x87: {  	_ =	shalt  }
.Lfunc_end0:
.L_simem_size_0:
called_computation.2_lowered:
.L_overlay_start_0:
0x88: {  	s2 =	sld [smem:$0x3FD9]  }
0x89: {  	s3 =	sld [smem:$0x3FFE];
	_ =	sdelay $0x1  }
0x8a: {  	s1 =	srdreg.scid  }
0x8b: {  	s0 =	sand.u32 $0x1, s1  }
0x8c: {  	s14 =	sshll.u32 s0, $0xA;
	s2 =	sadd.s32 s3, s2  }
0x8d: {  	s2 =	sadd.s32 s2, s14  }
0x8e: {  	[smem:$0x3FBE] =	sst s2  }
0x8f: {  	_ = 	snop  }
0x90: {  	s2 =	sld [smem:$0x3FD0];
	_ =	sdelay $0x2  }
0x91: {  	s15 =	simm.s32 $0xB;
	s4 =	simm.s32 $0x10  }
0x92: {  	[smem:s4], [sflag:s15] =	dma.local [hbm:s2], $0x1  }
0x93: {  	_ =	swait.eq [sflag:s15], $0x1  }
0x94: {  	[sflag:s15] =	ssyncset.done $0x0  }
0x95: {  	s16 =	sld [smem:$0x10];
	[sflag:s15] =	ssyncadd.s32 $0xFFFFFFFF  }
0x96: {  	s17 =	sld [smem:$0x11];
	(tm) =	ssettm $0x1  }
0x97: {  	s18 =	sld [smem:$0x3FFB];
	_ =	sdelay $0x3  }
0x98: {  	_ =	strace s18  }
0x99: {  	s4 =	sld [smem:$0x3FFC];
	_ =	sdelay $0x3  }
0x9a: {  	_ =	strace s4  }
0x9b: {  	s4 =	sld [smem:$0x3FFD];
	_ =	sdelay $0x3  }
0x9c: {  	_ =	strace s4  }
0x9d: {  	_ =	strace $0x8FFFFFFF  }
0x9e: {  	s19 =	sld [smem:$0x3FDB];
	_ =	sdelay $0x1  }
0x9f: {  	s5 =	simm.s32 $_scs_section_size  }
0xa0: {  	s6 =	simm.s32 $_size__tile_overlayer_lowered;
	s7 =	simm.s32 $_tile_overlayer_lowered  }
0xa1: {  	s22 =	simm.s32 $0x1BFF;
	s21 =	sshll.u32 s7, $0x1;
	s4 =	sadd.s32 s5, s19  }
0xa2: {  	s8 =	simm.s32 $0x0;
	s20 =	sshll.u32 s6, $0x1;
	s6 =	sadd.s32 s21, s4  }
0xa3: {  	[timem:s8], [sflag:s22] =	dma.local [hbm:s6], s20  }
0xa4: {  	_ =	swait.ge [sflag:s22], s20  }
0xa5: {  	s5 =	ssub.s32 $0x0, s20;
	[sflag:s22] =	ssyncset.done $0x0  }
0xa6: {  	[sflag:s22] =	ssyncadd.s32 s5;
	_ =	sdelay $0x1  }
0xa7: {  	s23 =	simm.s32 $0x1B8B  }
0xa8: {  	_ =	swait.ge [sflag:s23], $0x1  }
0xa9: {  	[sflag:s23] =	ssyncset.done $0x0  }
0xaa: {  	s25 =	simm.s32 $0x1B8E;
	s24 =	sld [smem:$0x3FFE];
	[sflag:s23] =	ssyncadd.s32 $0xFFFFFFFF  }
0xab: {  	s26 =	simm.s32 $execute0_lowered;
	[smem:$0x3FD2] =	sst s25  }
0xac: {  	s6 =	sshll.u32 s26, $0x1;
	_ =	strace $0x8000004C;
	[dreg:$0x1] =	wrdreg $0xFFFFFFFF  }
0xad: {  	s28 =	simm.s32 $_size_execute0_lowered;
	s4 =	sadd.s32 s4, s6;
	[dreg:$0x0] =	wrdreg $0x0  }
0xae: {  	s6 =	sshll.u32 s28, $0x1;
	[dreg:$0x2] =	wrdreg s4  }
0xaf: {  	[dreg:$0x3] =	wrdreg s6  }
0xb0: {  	[dreg:$0x4] =	wrdreg $0xC0  }
0xb1: {  	_ =	task [dreg:s8], $0x5FFFF  }
0xb2: {  	[dreg:$0x1] =	wrdreg $0xFFFFFFFF  }
0xb3: {  	[dreg:$0x0] =	wrdreg $0x60  }
0xb4: {  	[dreg:$0x2] =	wrdreg s16  }
0xb5: {  	[dreg:$0x3] =	wrdreg s24  }
0xb6: {  	[dreg:$0x4] =	wrdreg s17  }
0xb7: {  	[dreg:$0x5] =	wrdreg $0xB9800  }
0xb8: {  	[dreg:$0x6] =	wrdreg $0x9  }
0xb9: {  	_ =	task.clear_ibuf [dreg:s8], $0x7FFFF;
	_ =	strace $0x9000004C  }
0xba: {  	s29 =	simm.s32 $0x9;
	_ =	strace $0x8000004E  }
0xbb: {  	_ =	swait.ge [sflag:s29], $0x1  }
0xbc: {  	[sflag:s29] =	ssyncadd.s32 $0xFFFFFFFF  }
0xbd: {  	_ =	strace $0x9000004E  }
0xbe: {  	_ =	sfence  }
0xbf: {  	s30 =	sld [smem:$0x0];
	_ =	sdelay $0x2  }
0xc0: {  	s31 =	sshll.u32 s1, $0xD;
	s1 =	sshrl.u32 s1, $0x2  }
0xc1: {  	s3 =	sand.u32 $0x4000, s31;
	s1 =	sadd.s32 s1, s30  }
0xc2: {  	s0 =	sor.u32 s3, s0;
	s1 =	sshll.u32 s1, $0x11  }
0xc3: {  	s0 =	sor.u32 s1, s0  }
0xc4: {  	s0 =	sadd.s32 $0x8F2B, s0  }
0xc5: {  	[sflag:s0] =	ssyncadd.remote.s32 $0x1  }
0xc6: {  	_ =	sfence.sel $0xFFFF  }
0xc7: {  	[dreg:$0x0] =	wrdreg $0xFFFFFFFF;
	(pc) =	sbr.abs _section_cstart, $3  }
0xc8: {  	[dreg:$0x1] =	wrdreg $0xFFFFFFFF  }
0xc9: {  	_ =	task.clear_ibuf [dreg:s8], $0x2FFFF;
	_ =	strace $0x9FFFFFFF  }
0xca: {  	(tm) =	ssettm $0x7FFFFFFF  }
0xcb: {  	_ =	shalt  }
tec
execute0_lowered:
.L_overlay_start_1:
0x0: {  	(tag) =	ssettag $0x1  }
0x1: {  	s0 =	rddreg [dreg:$0x0]  }
0x2: {  	s1 =	rddreg [dreg:$0x1];
	s2 =	simm.s32 $0x0;
	s3 =	srdreg.scid  }
0x3: {  	s17 =	stileid.u32;
	[smem:$0x7FF] =	sst s2;
	s3 =	sand.u32 $0x1, s3  }
0x4: {  	s7 =	smul.u32 $0x14000, s17;
	s25 =	sadd.s32 $0x4B000, s1;
	s4 =	sshll.u32 s3, $0x4  }
0x5: {  	s5 =	smul.u32 $0x140000, s3;
	s6 =	ssub.s32 $0x2, s3;
	s4 =	sor.u32 s17, s4  }
0x6: {  	s8 =	sshrl.u32 s6, $0x1;
	s9 =	sor.u32 $0x2000, s7;
	s11 =	sadd.s32 $0x4000, s7  }
0x7: {  	s3 =	smul.u32 $0x6400, s4;
	s6 =	ssub.s32 s6, s8;
	s26 =	sadd.s32 s5, s7  }
0x8: {  	s10 =	sadd.s32 s5, s9;
	s12 =	sadd.s32 s5, s11;
	s8 =	sshrl.u32 s26, $0x3  }
0x9: {  	s10 =	sshrl.u32 s10, $0x3;
	s13 =	sshrl.u32 s12, $0x3;
	s8 =	sadd.s32 s25, s8  }
0xa: {  	s12 =	sadd.s32 $0x8000, s7;
	[dreg:$0x5] =	wrdreg s8;
	s8 =	sadd.s32 s25, s10  }
0xb: {  	s24 =	sshrl.u32 s3, $0x3;
	s10 =	sadd.s32 $0x6000, s7;
	[dreg:$0x6] =	wrdreg s8  }
0xc: {  	s8 =	sadd.s32 s25, s13;
	s14 =	sadd.s32 s5, s10;
	s13 =	sadd.s32 s5, s12  }
0xd: {  	[dreg:$0x7] =	wrdreg s8;
	s8 =	sshrl.u32 s14, $0x3;
	s14 =	sadd.s32 $0xA000, s7  }
0xe: {  	s15 =	sshrl.u32 s13, $0x3;
	s13 =	sadd.s32 $0xC000, s7;
	s8 =	sadd.s32 s25, s8  }
0xf: {  	s16 =	sadd.s32 s5, s14;
	s19 =	sadd.s32 s5, s13;
	[dreg:$0x8] =	wrdreg s8  }
0x10: {  	s8 =	sadd.s32 s25, s15;
	s18 =	sshrl.u32 s16, $0x3;
	s16 =	sadd.s32 $0xE000, s7  }
0x11: {  	[dreg:$0x9] =	wrdreg s8;
	s8 =	sadd.s32 s25, s18;
	s15 =	sadd.s32 s5, s16  }
0x12: {  	[dreg:$0xa] =	wrdreg s8;
	s8 =	sshrl.u32 s19, $0x3;
	s19 =	sadd.s32 $0x10000, s7  }
0x13: {  	s20 =	sshrl.u32 s15, $0x3;
	s7 =	sadd.s32 $0x12000, s7;
	s15 =	rddreg [dreg:$0x3]  }
0x14: {  	s8 =	sadd.s32 s25, s8;
	s21 =	sadd.s32 s5, s19;
	s5 =	sadd.s32 s5, s7  }
0x15: {  	[dreg:$0xb] =	wrdreg s8;
	s8 =	sadd.s32 s25, s20;
	s22 =	sshrl.u32 s21, $0x3  }
0x16: {  	s5 =	sshrl.u32 s5, $0x3;
	[dreg:$0xc] =	wrdreg s8;
	s8 =	sadd.s32 s25, s22  }
0x17: {  	s26 =	sadd.s32 s24, s1;
	s4 =	sadd.s32 s25, s5;
	[dreg:$0xd] =	wrdreg s8  }
0x18: {  	s5 =	sadd.s32 $0x32000, s26;
	[dreg:$0xe] =	wrdreg s4  }
0x19: {  	s6 =	smax.u32 s6, $0x1;
	_ =	strace $0x8000004D;
	[dreg:$0xf] =	wrdreg s5  }
0x1a: {  	s8 =	sadd.s32 s9, s15;
	[dreg:$0x10] =	wrdreg s6  }
0x1b: {  	s9 =	sadd.s32 s11, s15;
	[dreg:$0x11] =	wrdreg s8  }
0x1c: {  	s10 =	sadd.s32 s10, s15;
	[dreg:$0x12] =	wrdreg s9  }
0x1d: {  	s28 =	simm.s32 $0x1;
	s11 =	sadd.s32 s12, s15;
	[dreg:$0x13] =	wrdreg s10  }
0x1e: {  	s29 =	simm.s32 $0x5;
	s12 =	sadd.s32 s14, s15;
	[dreg:$0x14] =	wrdreg s11  }
0x1f: {  	s30 =	simm.s32 $0x2;
	s13 =	sadd.s32 s13, s15;
	[dreg:$0x15] =	wrdreg s12  }
0x20: {  	s23 =	smul.u32 $0x50000, s17;
	s14 =	sadd.s32 s16, s15;
	[dreg:$0x16] =	wrdreg s13  }
0x21: {  	s17 =	sadd.s32 $0x19000, s1;
	s16 =	sadd.s32 s19, s15;
	[dreg:$0x17] =	wrdreg s14  }
0x22: {  	s20 =	sadd.s32 s17, s24;
	s19 =	sadd.s32 s7, s15;
	[dreg:$0x18] =	wrdreg s16  }
0x23: {  	s31 =	simm.s32 $0x6;
	s21 =	sadd.s32 $0x10, s20;
	[dreg:$0x19] =	wrdreg s19  }
0x24: {  	s25 =	sshrl.u32 s23, $0x2;
	s22 =	sadd.s32 $0x20, s20;
	[dreg:$0x1a] =	wrdreg s21  }
0x25: {  	s1 =	simm.s32 $0x0;
	s18 =	sadd.s32 s25, s15;
	[dreg:$0x1b] =	wrdreg s22  }
0x26: {  	s23 =	sadd.s32 $0x2000, s18;
	s24 =	sadd.s32 $0x4000, s18;
	s25 =	sadd.s32 $0x6000, s18  }
0x27: {  	s26 =	sadd.s32 $0x8000, s18;
	s7 =	sadd.s32 $0xA000, s18;
	s8 =	sadd.s32 $0xC000, s18  }
0x28: {  	s9 =	sadd.s32 $0xE000, s18;
	s10 =	sadd.s32 $0x10000, s18;
	s11 =	sadd.s32 $0x12000, s18  }
.Ltmp0:
0x29: {  	s12 =	simm.s32 $0x6580;
	[dreg:$0x1c] =	wrdreg s23;
	(pc) =	sbr.rel .LBB2_1-.Ltmp0, $4  }
0x2a: {  	s16 =	simm.s32 $0x7;
	s19 =	simm.s32 $0x32;
	[dreg:$0x1d] =	wrdreg s24  }
0x2b: {  	s21 =	simm.s32 $0x6400;
	s22 =	simm.s32 $0x8180;
	[dreg:$0x1e] =	wrdreg s25  }
0x2c: {  	s13 =	simm.s32 $0x3;
	[dreg:$0x1f] =	wrdreg s26;
	s23 =	simm.s32 $0x6480  }
0x2d: {  	s24 =	simm.s32 $0x9D80;
	s25 =	simm.s32 $0x6500;
	s26 =	simm.s32 $0x4  }
.LBB2_4:
0x2e: {  	_ =	swait.ge [sflag:s26], $0x80  }
0x2f: {  	[sflag:s26] =	ssyncset.done $0x0  }
0x30: {  	[sflag:s26] =	ssyncadd.s32 $0xFFFFFF80  }
0x31: {  	_ =	swait.ge [sflag:s28], $0x1900  }
0x32: {  	[sflag:s28] =	ssyncset.done $0x0  }
0x33: {  	[sflag:s28] =	ssyncadd.s32 $0xFFFFE700  }
0x34: {  	[spmem:s15] =	stream.indirect.scatter.add.f32 [tilespmem:s12], [sflag:$0x7], $0x80, s21, s19, $0xb8;
	[tilespmem:$0x1F980] =	vst v63  }
0x35: {  	_ =	swait.ge [sflag:s16], $0x1900  }
0x36: {  	[sflag:s16] =	ssyncset.done $0x0  }
0x37: {  	[sflag:s16] =	ssyncadd.s32 $0xFFFFE700  }
0x38: {  	_ =	swait.ge [sflag:s29], $0x80  }
0x39: {  	[sflag:s29] =	ssyncset.done $0x0  }
0x3a: {  	[sflag:s29] =	ssyncadd.s32 $0xFFFFFF80  }
0x3b: {  	_ =	swait.ge [sflag:s30], $0x1900  }
0x3c: {  	[sflag:s30] =	ssyncset.done $0x0  }
0x3d: {  	[sflag:s30] =	ssyncadd.s32 $0xFFFFE700  }
0x3e: {  	[spmem:s15] =	stream.indirect.scatter.add.f32 [tilespmem:s22], [sflag:$0x7], $0x80, s23, s19, $0xb8;
	[tilespmem:$0x1F980] =	vst v63  }
0x3f: {  	_ =	swait.ge [sflag:s16], $0x1900  }
0x40: {  	[sflag:s16] =	ssyncset.done $0x0  }
0x41: {  	[sflag:s16] =	ssyncadd.s32 $0xFFFFE700  }
0x42: {  	[bflag:$0x0] =	sbarrier.arrive $0xFFFF  }
0x43: {  	[tilespmem:s12], [sflag:$0x7] =	stream.linear.gather [spmem:s18], $0x2000, $0x38;
	[tilespmem:$0x1F980] =	vst v63  }
0x44: {  	_ =	swait.ge [sflag:s16], $0x2000  }
0x45: {  	[sflag:s16] =	ssyncset.done $0x0  }
0x46: {  	s4 =	rddreg [dreg:$0x5];
	[sflag:s16] =	ssyncadd.s32 $0xFFFFE000  }
0x47: {  	[hbm4b:s4+s2] =	stream.linear.scatter [tilespmem:s12], [sflag:$0x7], $0x2000, $0x38;
	[tilespmem:$0x1F980] =	vst v63  }
0x48: {  	_ =	swait.ge [sflag:s16], $0x2000  }
0x49: {  	[sflag:s16] =	ssyncset.done $0x0  }
0x4a: {  	s14 =	rddreg [dreg:$0x11];
	[sflag:s16] =	ssyncadd.s32 $0xFFFFE000  }
0x4b: {  	[tilespmem:s12], [sflag:$0x7] =	stream.linear.gather [spmem:s14], $0x2000, $0x38;
	[tilespmem:$0x1F980] =	vst v63  }
0x4c: {  	_ =	swait.ge [sflag:s16], $0x2000  }
0x4d: {  	[sflag:s16] =	ssyncset.done $0x0  }
0x4e: {  	s5 =	rddreg [dreg:$0x6];
	[sflag:s16] =	ssyncadd.s32 $0xFFFFE000  }
0x4f: {  	[hbm4b:s5+s2] =	stream.linear.scatter [tilespmem:s12], [sflag:$0x7], $0x2000, $0x38;
	[tilespmem:$0x1F980] =	vst v63  }
0x50: {  	_ =	swait.ge [sflag:s16], $0x2000  }
0x51: {  	[sflag:s16] =	ssyncset.done $0x0  }
0x52: {  	s6 =	rddreg [dreg:$0x12];
	[sflag:s16] =	ssyncadd.s32 $0xFFFFE000  }
0x53: {  	[tilespmem:s12], [sflag:$0x7] =	stream.linear.gather [spmem:s6], $0x2000, $0x38;
	[tilespmem:$0x1F980] =	vst v63  }
0x54: {  	_ =	swait.ge [sflag:s16], $0x2000  }
0x55: {  	[sflag:s16] =	ssyncset.done $0x0  }
0x56: {  	s14 =	rddreg [dreg:$0x7];
	[sflag:s16] =	ssyncadd.s32 $0xFFFFE000  }
0x57: {  	[hbm4b:s14+s2] =	stream.linear.scatter [tilespmem:s12], [sflag:$0x7], $0x2000, $0x38;
	[tilespmem:$0x1F980] =	vst v63  }
0x58: {  	_ =	swait.ge [sflag:s16], $0x2000  }
0x59: {  	[sflag:s16] =	ssyncset.done $0x0  }
0x5a: {  	s5 =	rddreg [dreg:$0x13];
	[sflag:s16] =	ssyncadd.s32 $0xFFFFE000  }
0x5b: {  	[tilespmem:s12], [sflag:$0x7] =	stream.linear.gather [spmem:s5], $0x2000, $0x38;
	[tilespmem:$0x1F980] =	vst v63  }
0x5c: {  	_ =	swait.ge [sflag:s16], $0x2000  }
0x5d: {  	[sflag:s16] =	ssyncset.done $0x0  }
0x5e: {  	s6 =	rddreg [dreg:$0x8];
	[sflag:s16] =	ssyncadd.s32 $0xFFFFE000  }
0x5f: {  	[hbm4b:s6+s2] =	stream.linear.scatter [tilespmem:s12], [sflag:$0x7], $0x2000, $0x38;
	[tilespmem:$0x1F980] =	vst v63  }
0x60: {  	_ =	swait.ge [sflag:s16], $0x2000  }
0x61: {  	[sflag:s16] =	ssyncset.done $0x0  }
0x62: {  	s14 =	rddreg [dreg:$0x14];
	[sflag:s16] =	ssyncadd.s32 $0xFFFFE000  }
0x63: {  	[tilespmem:s12], [sflag:$0x7] =	stream.linear.gather [spmem:s14], $0x2000, $0x38;
	[tilespmem:$0x1F980] =	vst v63  }
0x64: {  	_ =	swait.ge [sflag:s16], $0x2000  }
0x65: {  	[sflag:s16] =	ssyncset.done $0x0  }
0x66: {  	s5 =	rddreg [dreg:$0x9];
	[sflag:s16] =	ssyncadd.s32 $0xFFFFE000  }
0x67: {  	[hbm4b:s5+s2] =	stream.linear.scatter [tilespmem:s12], [sflag:$0x7], $0x2000, $0x38;
	[tilespmem:$0x1F980] =	vst v63  }
0x68: {  	_ =	swait.ge [sflag:s16], $0x2000  }
0x69: {  	[sflag:s16] =	ssyncset.done $0x0  }
0x6a: {  	s6 =	rddreg [dreg:$0x15];
	[sflag:s16] =	ssyncadd.s32 $0xFFFFE000  }
0x6b: {  	[tilespmem:s12], [sflag:$0x7] =	stream.linear.gather [spmem:s6], $0x2000, $0x38;
	[tilespmem:$0x1F980] =	vst v63  }
0x6c: {  	_ =	swait.ge [sflag:s16], $0x2000  }
0x6d: {  	[sflag:s16] =	ssyncset.done $0x0  }
0x6e: {  	s14 =	rddreg [dreg:$0xa];
	[sflag:s16] =	ssyncadd.s32 $0xFFFFE000  }
0x6f: {  	[hbm4b:s14+s2] =	stream.linear.scatter [tilespmem:s12], [sflag:$0x7], $0x2000, $0x38;
	[tilespmem:$0x1F980] =	vst v63  }
0x70: {  	_ =	swait.ge [sflag:s16], $0x2000  }
0x71: {  	[sflag:s16] =	ssyncset.done $0x0  }
0x72: {  	s5 =	rddreg [dreg:$0x16];
	[sflag:s16] =	ssyncadd.s32 $0xFFFFE000  }
0x73: {  	[tilespmem:s12], [sflag:$0x7] =	stream.linear.gather [spmem:s5], $0x2000, $0x38;
	[tilespmem:$0x1F980] =	vst v63  }
0x74: {  	_ =	swait.ge [sflag:s16], $0x2000  }
0x75: {  	[sflag:s16] =	ssyncset.done $0x0  }
0x76: {  	s6 =	rddreg [dreg:$0xb];
	[sflag:s16] =	ssyncadd.s32 $0xFFFFE000  }
0x77: {  	[hbm4b:s6+s2] =	stream.linear.scatter [tilespmem:s12], [sflag:$0x7], $0x2000, $0x38;
	[tilespmem:$0x1F980] =	vst v63  }
0x78: {  	_ =	swait.ge [sflag:s16], $0x2000  }
0x79: {  	[sflag:s16] =	ssyncset.done $0x0  }
0x7a: {  	s14 =	rddreg [dreg:$0x17];
	[sflag:s16] =	ssyncadd.s32 $0xFFFFE000  }
0x7b: {  	[tilespmem:s12], [sflag:$0x7] =	stream.linear.gather [spmem:s14], $0x2000, $0x38;
	[tilespmem:$0x1F980] =	vst v63  }
0x7c: {  	_ =	swait.ge [sflag:s16], $0x2000  }
0x7d: {  	[sflag:s16] =	ssyncset.done $0x0  }
0x7e: {  	s5 =	rddreg [dreg:$0xc];
	[sflag:s16] =	ssyncadd.s32 $0xFFFFE000  }
0x7f: {  	[hbm4b:s5+s2] =	stream.linear.scatter [tilespmem:s12], [sflag:$0x7], $0x2000, $0x38;
	[tilespmem:$0x1F980] =	vst v63  }
0x80: {  	_ =	swait.ge [sflag:s16], $0x2000  }
0x81: {  	[sflag:s16] =	ssyncset.done $0x0  }
0x82: {  	s6 =	rddreg [dreg:$0x18];
	[sflag:s16] =	ssyncadd.s32 $0xFFFFE000  }
0x83: {  	[tilespmem:s12], [sflag:$0x7] =	stream.linear.gather [spmem:s6], $0x2000, $0x38;
	[tilespmem:$0x1F980] =	vst v63  }
0x84: {  	_ =	swait.ge [sflag:s16], $0x2000  }
0x85: {  	[sflag:s16] =	ssyncset.done $0x0  }
0x86: {  	s14 =	rddreg [dreg:$0xd];
	[sflag:s16] =	ssyncadd.s32 $0xFFFFE000  }
0x87: {  	[hbm4b:s14+s2] =	stream.linear.scatter [tilespmem:s12], [sflag:$0x7], $0x2000, $0x38;
	[tilespmem:$0x1F980] =	vst v63  }
0x88: {  	_ =	swait.ge [sflag:s16], $0x2000  }
0x89: {  	[sflag:s16] =	ssyncset.done $0x0  }
0x8a: {  	s5 =	rddreg [dreg:$0x19];
	[sflag:s16] =	ssyncadd.s32 $0xFFFFE000  }
0x8b: {  	[tilespmem:s12], [sflag:$0x7] =	stream.linear.gather [spmem:s5], $0x2000, $0x38;
	[tilespmem:$0x1F980] =	vst v63  }
0x8c: {  	_ =	swait.ge [sflag:s16], $0x2000  }
0x8d: {  	[sflag:s16] =	ssyncset.done $0x0  }
0x8e: {  	s6 =	rddreg [dreg:$0xe];
	[sflag:s16] =	ssyncadd.s32 $0xFFFFE000  }
0x8f: {  	[hbm4b:s6+s2] =	stream.linear.scatter [tilespmem:s12], [sflag:$0x7], $0x2000, $0x38;
	[tilespmem:$0x1F980] =	vst v63  }
0x90: {  	_ =	swait.ge [sflag:s16], $0x2000  }
0x91: {  	s1 =	sadd.s32 $0x1, s1;
	s14 =	rddreg [dreg:$0x10]  }
0x92: {  	p0 =	sne.s32 s1, s14  }
.Ltmp1:
0x93: {  	_ = 	snop;
	(pc) =	sbr.rel @!p0 .LBB2_5-.Ltmp1, $3  }
0x94: {  	_ =	sdelay $0x1  }
0x95: {  	[sflag:s16] =	ssyncset.done $0x0  }
0x96: {  	[sflag:s16] =	ssyncadd.s32 $0xFFFFE000  }
.LBB2_1:
0x97: {  	s4 =	rddreg [dreg:$0x2]  }
0x98: {  	[tilespmem:s12], [sflag:$0x7] =	stream.linear.gather [hbm4b:s4+s2], $0x2000, $0x38;
	[tilespmem:$0x1F980] =	vst v63  }
0x99: {  	_ =	swait.ge [sflag:s16], $0x2000  }
0x9a: {  	[sflag:s16] =	ssyncset.done $0x0  }
0x9b: {  	[sflag:s16] =	ssyncadd.s32 $0xFFFFE000  }
0x9c: {  	[spmem:s18] =	stream.linear.scatter [tilespmem:s12], [sflag:$0x7], $0x2000, $0x38;
	[tilespmem:$0x1F980] =	vst v63  }
0x9d: {  	_ =	swait.ge [sflag:s16], $0x2000  }
0x9e: {  	[sflag:s16] =	ssyncset.done $0x0  }
0x9f: {  	s5 =	rddreg [dreg:$0x1c];
	[sflag:s16] =	ssyncadd.s32 $0xFFFFE000  }
0xa0: {  	[spmem:s5] =	stream.linear.scatter [tilespmem:s12], [sflag:$0x7], $0x2000, $0x38;
	[tilespmem:$0x1F980] =	vst v63  }
0xa1: {  	_ =	swait.ge [sflag:s16], $0x2000  }
0xa2: {  	[sflag:s16] =	ssyncset.done $0x0  }
0xa3: {  	s6 =	rddreg [dreg:$0x1d];
	[sflag:s16] =	ssyncadd.s32 $0xFFFFE000  }
0xa4: {  	[spmem:s6] =	stream.linear.scatter [tilespmem:s12], [sflag:$0x7], $0x2000, $0x38;
	[tilespmem:$0x1F980] =	vst v63  }
0xa5: {  	_ =	swait.ge [sflag:s16], $0x2000  }
0xa6: {  	[sflag:s16] =	ssyncset.done $0x0  }
0xa7: {  	s14 =	rddreg [dreg:$0x1e];
	[sflag:s16] =	ssyncadd.s32 $0xFFFFE000  }
0xa8: {  	[spmem:s14] =	stream.linear.scatter [tilespmem:s12], [sflag:$0x7], $0x2000, $0x38;
	[tilespmem:$0x1F980] =	vst v63  }
0xa9: {  	_ =	swait.ge [sflag:s16], $0x2000  }
0xaa: {  	[sflag:s16] =	ssyncset.done $0x0  }
0xab: {  	s5 =	rddreg [dreg:$0x1f];
	[sflag:s16] =	ssyncadd.s32 $0xFFFFE000  }
0xac: {  	[spmem:s5] =	stream.linear.scatter [tilespmem:s12], [sflag:$0x7], $0x2000, $0x38;
	[tilespmem:$0x1F980] =	vst v63  }
0xad: {  	_ =	swait.ge [sflag:s16], $0x2000  }
0xae: {  	[sflag:s16] =	ssyncset.done $0x0  }
0xaf: {  	[sflag:s16] =	ssyncadd.s32 $0xFFFFE000  }
0xb0: {  	[spmem:s7] =	stream.linear.scatter [tilespmem:s12], [sflag:$0x7], $0x2000, $0x38;
	[tilespmem:$0x1F980] =	vst v63  }
0xb1: {  	_ =	swait.ge [sflag:s16], $0x2000  }
0xb2: {  	[sflag:s16] =	ssyncset.done $0x0  }
0xb3: {  	[sflag:s16] =	ssyncadd.s32 $0xFFFFE000  }
0xb4: {  	[spmem:s8] =	stream.linear.scatter [tilespmem:s12], [sflag:$0x7], $0x2000, $0x38;
	[tilespmem:$0x1F980] =	vst v63  }
0xb5: {  	_ =	swait.ge [sflag:s16], $0x2000  }
0xb6: {  	[sflag:s16] =	ssyncset.done $0x0  }
0xb7: {  	[sflag:s16] =	ssyncadd.s32 $0xFFFFE000  }
0xb8: {  	[spmem:s9] =	stream.linear.scatter [tilespmem:s12], [sflag:$0x7], $0x2000, $0x38;
	[tilespmem:$0x1F980] =	vst v63  }
0xb9: {  	_ =	swait.ge [sflag:s16], $0x2000  }
0xba: {  	[sflag:s16] =	ssyncset.done $0x0  }
0xbb: {  	[sflag:s16] =	ssyncadd.s32 $0xFFFFE000  }
0xbc: {  	[spmem:s10] =	stream.linear.scatter [tilespmem:s12], [sflag:$0x7], $0x2000, $0x38;
	[tilespmem:$0x1F980] =	vst v63  }
0xbd: {  	_ =	swait.ge [sflag:s16], $0x2000  }
0xbe: {  	[sflag:s16] =	ssyncset.done $0x0  }
0xbf: {  	[sflag:s16] =	ssyncadd.s32 $0xFFFFE000  }
0xc0: {  	[spmem:s11] =	stream.linear.scatter [tilespmem:s12], [sflag:$0x7], $0x2000, $0x38;
	[tilespmem:$0x1F980] =	vst v63  }
0xc1: {  	_ =	swait.ge [sflag:s16], $0x2000  }
0xc2: {  	[sflag:s16] =	ssyncset.done $0x0  }
0xc3: {  	s6 =	rddreg [dreg:$0xf];
	[sflag:s16] =	ssyncadd.s32 $0xFFFFE000  }
0xc4: {  	[tilespmem:s2], [sflag:$0x7] =	stream.linear.gather [hbm4b:s6+s2], $0x6400, $0x38;
	[tilespmem:$0x1F980] =	vst v63  }
0xc5: {  	_ =	swait.ge [sflag:s16], $0x6400  }
0xc6: {  	[sflag:s16] =	ssyncset.done $0x0  }
0xc7: {  	[sflag:s16] =	ssyncadd.s32 $0xFFFF9C00  }
0xc8: {  	[bflag:$0x0] =	sbarrier.arrive $0xFFFF  }
0xc9: {  	[tilespmem:s12], [sflag:$0x1] =	stream.indirect.gather [hbm4b:s0+s19], $0x80, s2, s19, $0xb8;
	[tilespmem:$0x1F980] =	vst v63  }
0xca: {  	_ = 	snop  }
0xcb: {  	[tilespmem:s21], [sflag:$0x4] =	stream.linear.gather [hbm4b:s20+s2], $0x80, $0x38;
	[tilespmem:$0x1F980] =	vst v63  }
0xcc: {  	s14 =	simm.s32 $0x80  }
0xcd: {  	[tilespmem:s22], [sflag:$0x2] =	stream.indirect.gather [hbm4b:s0+s19], $0x80, s14, s19, $0xb8;
	[tilespmem:$0x1F980] =	vst v63  }
0xce: {  	s5 =	rddreg [dreg:$0x1a]  }
0xcf: {  	[tilespmem:s23], [sflag:$0x5] =	stream.linear.gather [hbm4b:s5+s2], $0x80, $0x38;
	[tilespmem:$0x1F980] =	vst v63  }
0xd0: {  	s6 =	simm.s32 $0x100  }
0xd1: {  	[tilespmem:s24], [sflag:$0x3] =	stream.indirect.gather [hbm4b:s0+s19], $0x80, s6, s19, $0xb8;
	[tilespmem:$0x1F980] =	vst v63  }
0xd2: {  	s14 =	rddreg [dreg:$0x1b]  }
0xd3: {  	[tilespmem:s25], [sflag:$0x6] =	stream.linear.gather [hbm4b:s14+s2], $0x80, $0x38;
	[tilespmem:$0x1F980] =	vst v63  }
0xd4: {  	s4 =	simm.s32 $0x280;
	s14 =	simm.s32 $0x280  }
.LBB2_2:
0xd5: {  	_ =	swait.ge [sflag:s26], $0x80  }
0xd6: {  	[sflag:s26] =	ssyncset.done $0x0  }
0xd7: {  	[sflag:s26] =	ssyncadd.s32 $0xFFFFFF80  }
0xd8: {  	_ =	swait.ge [sflag:s28], $0x1900  }
0xd9: {  	[sflag:s28] =	ssyncset.done $0x0  }
0xda: {  	[sflag:s28] =	ssyncadd.s32 $0xFFFFE700  }
0xdb: {  	[spmem:s15] =	stream.indirect.scatter.add.f32 [tilespmem:s12], [sflag:$0x7], $0x80, s21, s19, $0xb8;
	[tilespmem:$0x1F980] =	vst v63  }
0xdc: {  	_ =	swait.ge [sflag:s16], $0x1900  }
0xdd: {  	[sflag:s16] =	ssyncset.done $0x0  }
0xde: {  	s5 =	sadd.s32 $0xFFFFFF00, s4;
	[sflag:s16] =	ssyncadd.s32 $0xFFFFE700  }
0xdf: {  	[tilespmem:s12], [sflag:$0x1] =	stream.indirect.gather [hbm4b:s0+s19], $0x80, s5, s19, $0xb8;
	[tilespmem:$0x1F980] =	vst v63  }
0xe0: {  	s5 =	sadd.s32 $0xFFFFFF00, s14  }
0xe1: {  	s6 =	sand.u32 $0x1FC00, s5  }
0xe2: {  	s5 =	sand.u32 $0x380, s5;
	s6 =	sadd.s32 s3, s6  }
0xe3: {  	s5 =	sor.u32 s5, s6  }
0xe4: {  	s5 =	sshrl.u32 s5, $0x3  }
0xe5: {  	s5 =	sadd.s32 s17, s5  }
0xe6: {  	[tilespmem:s21], [sflag:$0x4] =	stream.linear.gather [hbm4b:s5+s2], $0x80, $0x38;
	[tilespmem:$0x1F980] =	vst v63  }
0xe7: {  	_ =	swait.ge [sflag:s29], $0x80  }
0xe8: {  	[sflag:s29] =	ssyncset.done $0x0  }
0xe9: {  	[sflag:s29] =	ssyncadd.s32 $0xFFFFFF80  }
0xea: {  	_ =	swait.ge [sflag:s30], $0x1900  }
0xeb: {  	[sflag:s30] =	ssyncset.done $0x0  }
0xec: {  	[sflag:s30] =	ssyncadd.s32 $0xFFFFE700  }
0xed: {  	[spmem:s15] =	stream.indirect.scatter.add.f32 [tilespmem:s22], [sflag:$0x7], $0x80, s23, s19, $0xb8;
	[tilespmem:$0x1F980] =	vst v63  }
0xee: {  	_ =	swait.ge [sflag:s16], $0x1900  }
0xef: {  	[sflag:s16] =	ssyncset.done $0x0  }
0xf0: {  	s6 =	sadd.s32 $0xFFFFFF80, s4;
	s5 =	sadd.s32 $0xFFFFFF80, s14;
	[sflag:s16] =	ssyncadd.s32 $0xFFFFE700  }
0xf1: {  	[tilespmem:s22], [sflag:$0x2] =	stream.indirect.gather [hbm4b:s0+s19], $0x80, s6, s19, $0xb8;
	[tilespmem:$0x1F980] =	vst v63  }
0xf2: {  	s6 =	sand.u32 $0x1FC00, s5  }
0xf3: {  	s5 =	sand.u32 $0x380, s5;
	s6 =	sadd.s32 s3, s6  }
0xf4: {  	s5 =	sor.u32 s5, s6  }
0xf5: {  	s5 =	sshrl.u32 s5, $0x3  }
0xf6: {  	s5 =	sadd.s32 s17, s5  }
0xf7: {  	[tilespmem:s23], [sflag:$0x5] =	stream.linear.gather [hbm4b:s5+s2], $0x80, $0x38;
	[tilespmem:$0x1F980] =	vst v63  }
0xf8: {  	_ =	swait.ge [sflag:s31], $0x80  }
0xf9: {  	[sflag:s31] =	ssyncset.done $0x0  }
0xfa: {  	[sflag:s31] =	ssyncadd.s32 $0xFFFFFF80  }
0xfb: {  	_ =	swait.ge [sflag:s13], $0x1900  }
0xfc: {  	p0 =	seq.s32 s14, $0x6400;
	[sflag:s13] =	ssyncset.done $0x0  }
.Ltmp2:
0xfd: {  	[sflag:s13] =	ssyncadd.s32 $0xFFFFE700;
	(pc) =	sbr.rel @p0 .LBB2_4-.Ltmp2, $4  }
0xfe: {  	[spmem:s15] =	stream.indirect.scatter.add.f32 [tilespmem:s24], [sflag:$0x7], $0x80, s25, s19, $0xb8;
	[tilespmem:$0x1F980] =	vst v63  }
0xff: {  	_ =	swait.ge [sflag:s16], $0x1900  }
0x100: {  	[sflag:s16] =	ssyncset.done $0x0  }
0x101: {  	[sflag:s16] =	ssyncadd.s32 $0xFFFFE700  }
0x102: {  	[tilespmem:s24], [sflag:$0x3] =	stream.indirect.gather [hbm4b:s0+s19], $0x80, s4, s19, $0xb8;
	[tilespmem:$0x1F980] =	vst v63  }
0x103: {  	s5 =	sand.u32 $0x1FC00, s14  }
.Ltmp3:
0x104: {  	s6 =	sand.u32 $0x380, s14;
	s5 =	sadd.s32 s3, s5;
	(pc) =	sbr.rel .LBB2_2-.Ltmp3, $4  }
0x105: {  	s5 =	sor.u32 s6, s5  }
0x106: {  	s5 =	sshrl.u32 s5, $0x3  }
0x107: {  	s4 =	sadd.s32 $0x180, s4;
	s14 =	sadd.s32 $0x180, s14;
	s5 =	sadd.s32 s17, s5  }
0x108: {  	[tilespmem:s25], [sflag:$0x6] =	stream.linear.gather [hbm4b:s5+s2], $0x80, $0x38;
	[tilespmem:$0x1F980] =	vst v63  }
.LBB2_5:
0x109: {  	_ =	sfence.sel $0x180000  }
0x10a: {  	[bflag:$0x0] =	sbarrier.arrive $0xFFFF  }
0x10b: {  	_ =	strace $0x9000004D  }
0x10c: {  	s0 =	stileid.u32;
	[bflag:$0x2] =	sbarrier.arrive $0xFFFF  }
0x10d: {  	p0 =	sne.s32 s0, $0x0;
	s0 =	rddreg [dreg:$0x4]  }
0x10e: {  	s0 =	sadd.s32 @!p0 $0x100000, s0  }
0x10f: {  	[sflag:s0] =	ssyncadd.tile.s32 @!p0 $0x1;
	_ =	shalt  }
.Lfunc_end2:
_tile_overlayer_lowered:
.L_overlay_start_2:
0x110: {  	(tag) =	ssettag $0x2  }
0x111: {  	s0 =	rddreg [dreg:$0x0];
	s2 =	stileid.u32  }
0x112: {  	s1 =	rddreg [dreg:$0x1];
	p0 =	sne.s32 s2, $0x0  }
0x113: {  	s3 =	rddreg [dreg:$0x2];
	[bflag:$0x3] =	sbarrier.arrive $0xFFFF;
	s2 =	simm.s32 @!p0 $0x1C07  }
0x114: {  	[timem:s3], [sflag:s2] =	dma.local @!p0 [hbm:s0], s1  }
0x115: {  	s0 =	simm.s32 @!p0 $0x7  }
0x116: {  	_ =	swait.ge @!p0 [sflag:s0], s1  }
0x117: {  	s1 =	ssub.s32 @!p0 $0x0, s1;
	[sflag:s0] =	ssyncset.done @!p0 $0x0  }
0x118: {  	[sflag:s0] =	ssyncadd.s32 @!p0 s1  }
0x119: {  	[bflag:$0x3] =	sbarrier.arrive $0xFFFF  }
0x11a: {  	_ =	shalt  }

// kernel: kernel.19.cloned.1.call-start
scs
__scs_entry_jumppad:
0x0: {  	(pc) =	sbr.rel $0x88, $3  }
0x1: {  	(tag) =	ssettag $0x0;
	lr =	simm.s32 $0x1  }
0x2: {  	[smem:$0x3F97] =	sst lr;
	_ =	strace $0xD0000000  }
0x3: {  	_ = 	snop  }
0x4: {  	_ = 	snop  }
0x5: {  	_ = 	snop  }
0x6: {  	_ = 	snop  }
0x7: {  	_ = 	snop  }
__scs_overlays_trampoline_lowered:
0x8: {  	[smem:$0x3FA6] =	sst s0  }
0x9: {  	[smem:$0x3FA7] =	sst s1  }
0xa: {  	[smem:$0x3FA8] =	sst s2  }
0xb: {  	[smem:$0x3FA9] =	sst s3  }
0xc: {  	[smem:$0x3FAA] =	sst s4  }
0xd: {  	[smem:$0x3FAB] =	sst s5  }
0xe: {  	[smem:$0x3FAC] =	sst s6  }
0xf: {  	[smem:$0x3FAD] =	sst s7  }
0x10: {  	[smem:$0x3FAE] =	sst s8  }
0x11: {  	[smem:$0x3FAF] =	sst s9;
	s0 =	simm.s32 @!p0 $0x0  }
0x12: {  	s1 =	sld [smem:$0x3F95];
	s0 =	simm.s32 @p0 $0x1  }
0x13: {  	[smem:$0x3FB0] =	sst s0;
	s0 =	simm.s32 @!p1 $0x0  }
0x14: {  	s2 =	sld [smem:$0x3F94];
	s0 =	simm.s32 @p1 $0x1  }
0x15: {  	[smem:$0x3FB1] =	sst s0;
	s0 =	simm.s32 @!p2 $0x0  }
0x16: {  	s3 =	sld [smem:$0x3FDB];
	s0 =	simm.s32 @p2 $0x1  }
0x17: {  	s4 =	simm.s32 $0x1BF5;
	[smem:$0x3FB3] =	sst s0  }
0x18: {  	s0 =	sld [smem:$0x3F96];
	_ =	swait.ge [sflag:s4], $0x0  }
0x19: {  	s7 =	sld [smem:$0x3F97]  }
0x1a: {  	s8 =	sadd.s32 $0xFFFFE003, lr  }
0x1b: {  	s9 =	sadd.s32 $0xFFFFFEF7, lr;
	s5 =	simm.s32 $0xFFFFFFFF;
	p2 =	slt.u32 s8, $0xFFFFF086  }
0x1c: {  	p1 =	slt.u32 s9, $0xF7A;
	s5 =	simm.s32 @!p2 $0x0  }
0x1d: {  	s5 =	simm.s32 @p1 $0x1;
	p0 =	seq.s32 s7, s2  }
0x1e: {  	s7 =	smul.u32 @!p0 $0xF7A, s2;
	p2 =	seq.s32 @!p0 s5, $0x0  }
0x1f: {  	s9 =	smul.u32 $0xF7A, s1;
	s8 =	simm.s32 @!p0 $0x1BF5;
	p2 =	por !p2, p0  }
0x20: {  	[sflag:s8] =	ssyncset.s32 @!p0 $0xFFFFF086;
	s6 =	sadd.s32 @!p0 s3, s7;
	s7 =	simm.s32 @!p0 $0x108  }
0x21: {  	s3 =	sadd.s32 s3, s9;
	s6 =	sadd.s32 @!p0 $0x88, s6;
	s7 =	simm.s32 @p2 $0x1082  }
0x22: {  	[simem:s7], [sflag:s8] =	dma.local @!p0 [hbm:s6], $0xF7A  }
0x23: {  	s9 =	sor.u32 $0xD0000000, s2;
	s6 =	simm.s32 $0x108;
	_ =	swait.ge @!p0 [sflag:s8], $0x0  }
0x24: {  	s3 =	sadd.s32 $0x88, s3;
	s6 =	simm.s32 @!p1 $0x1082;
	[sflag:s4] =	ssyncset.s32 $0xFFFFF086  }
0x25: {  	[simem:s6], [sflag:s4] =	dma.local [hbm:s3], $0xF7A  }
0x26: {  	[smem:$0x3F97] =	sst s1;
	(tag) =	ssettag s2;
	_ =	strace s9  }
0x27: {  	s1 =	sld [smem:$0x3FA7]  }
0x28: {  	s2 =	sld [smem:$0x3FA8]  }
0x29: {  	s4 =	sld [smem:$0x3FAA]  }
0x2a: {  	p0 =	seq.s32 s5, $0x0;
	s5 =	sld [smem:$0x3FAB]  }
0x2b: {  	s6 =	sld [smem:$0x3FAC]  }
0x2c: {  	s7 =	sld [smem:$0x3FAD]  }
0x2d: {  	s3 =	simm.s32 $0x108;
	s8 =	sld [smem:$0x3FAE]  }
0x2e: {  	s3 =	simm.s32 @!p0 $0x1082;
	s9 =	sld [smem:$0x3FAF]  }
0x2f: {  	lr =	sadd.s32 s0, s3;
	s0 =	sld [smem:$0x3FA6]  }
0x30: {  	s3 =	sld [smem:$0x3FA9]  }
0x31: {  	[smem:$0x3FB2] =	sst s10  }
0x32: {  	s10 =	sld [smem:$0x3FB0];
	_ =	sdelay $0x3  }
0x33: {  	p0 =	seq.s32 s10, $0x1;
	s10 =	sld [smem:$0x3FB2];
	_ =	sdelay $0x3  }
0x34: {  	[smem:$0x3FB2] =	sst s10  }
0x35: {  	s10 =	sld [smem:$0x3FB1];
	_ =	sdelay $0x3  }
0x36: {  	p1 =	seq.s32 s10, $0x1;
	s10 =	sld [smem:$0x3FB2];
	_ =	sdelay $0x3  }
0x37: {  	[smem:$0x3FB2] =	sst s10  }
0x38: {  	s10 =	sld [smem:$0x3FB3]  }
0x39: {  	_ = 	snop;
	(pc) =	sbr.ind lr, $3  }
0x3a: {  	_ = 	snop  }
0x3b: {  	_ = 	snop  }
0x3c: {  	p2 =	seq.s32 s10, $0x1;
	s10 =	sld [smem:$0x3FB2]  }
0x3d: {  	_ =	shalt  }
0x3e: {  	_ =	shalt  }
0x3f: {  	_ =	shalt  }
0x40: {  	_ =	shalt  }
0x41: {  	_ =	shalt  }
0x42: {  	_ =	shalt  }
0x43: {  	_ =	shalt  }
0x44: {  	_ =	shalt  }
0x45: {  	_ =	shalt  }
0x46: {  	_ =	shalt  }
0x47: {  	_ =	shalt  }
0x48: {  	_ =	shalt  }
0x49: {  	_ =	shalt  }
0x4a: {  	_ =	shalt  }
0x4b: {  	_ =	shalt  }
0x4c: {  	_ =	shalt  }
0x4d: {  	_ =	shalt  }
0x4e: {  	_ =	shalt  }
0x4f: {  	_ =	shalt  }
0x50: {  	_ =	shalt  }
0x51: {  	_ =	shalt  }
0x52: {  	_ =	shalt  }
0x53: {  	_ =	shalt  }
0x54: {  	_ =	shalt  }
0x55: {  	_ =	shalt  }
0x56: {  	_ =	shalt  }
0x57: {  	_ =	shalt  }
0x58: {  	_ =	shalt  }
0x59: {  	_ =	shalt  }
0x5a: {  	_ =	shalt  }
0x5b: {  	_ =	shalt  }
0x5c: {  	_ =	shalt  }
0x5d: {  	_ =	shalt  }
0x5e: {  	_ =	shalt  }
0x5f: {  	_ =	shalt  }
0x60: {  	_ =	shalt  }
0x61: {  	_ =	shalt  }
0x62: {  	_ =	shalt  }
0x63: {  	_ =	shalt  }
0x64: {  	_ =	shalt  }
0x65: {  	_ =	shalt  }
0x66: {  	_ =	shalt  }
0x67: {  	_ =	shalt  }
0x68: {  	_ =	shalt  }
0x69: {  	_ =	shalt  }
0x6a: {  	_ =	shalt  }
0x6b: {  	_ =	shalt  }
0x6c: {  	_ =	shalt  }
0x6d: {  	_ =	shalt  }
0x6e: {  	_ =	shalt  }
0x6f: {  	_ =	shalt  }
0x70: {  	_ =	shalt  }
0x71: {  	_ =	shalt  }
0x72: {  	_ =	shalt  }
0x73: {  	_ =	shalt  }
0x74: {  	_ =	shalt  }
0x75: {  	_ =	shalt  }
0x76: {  	_ =	shalt  }
0x77: {  	_ =	shalt  }
0x78: {  	_ =	shalt  }
0x79: {  	_ =	shalt  }
0x7a: {  	_ =	shalt  }
0x7b: {  	_ =	shalt  }
0x7c: {  	_ =	shalt  }
0x7d: {  	_ =	shalt  }
0x7e: {  	_ =	shalt  }
0x7f: {  	_ =	shalt  }
0x80: {  	_ =	shalt  }
0x81: {  	_ =	shalt  }
0x82: {  	_ =	shalt  }
0x83: {  	_ =	shalt  }
0x84: {  	_ =	shalt  }
0x85: {  	_ =	shalt  }
0x86: {  	_ =	shalt  }
0x87: {  	_ =	shalt  }
.Lfunc_end0:
.L_simem_size_0:
called_computation.3_lowered:
.L_overlay_start_0:
0x88: {  	s2 =	sld [smem:$0x3FD9]  }
0x89: {  	s3 =	sld [smem:$0x3FFE];
	_ =	sdelay $0x1  }
0x8a: {  	s1 =	srdreg.scid  }
0x8b: {  	s0 =	sand.u32 $0x1, s1  }
0x8c: {  	s14 =	sshll.u32 s0, $0xA;
	s2 =	sadd.s32 s3, s2  }
0x8d: {  	s2 =	sadd.s32 s2, s14  }
0x8e: {  	[smem:$0x3FBE] =	sst s2  }
0x8f: {  	_ = 	snop  }
0x90: {  	s2 =	sld [smem:$0x3FD0];
	_ =	sdelay $0x2  }
0x91: {  	s15 =	simm.s32 $0xB;
	s4 =	simm.s32 $0x10  }
0x92: {  	[smem:s4], [sflag:s15] =	dma.local [hbm:s2], $0x1  }
0x93: {  	_ =	swait.eq [sflag:s15], $0x1  }
0x94: {  	[sflag:s15] =	ssyncset.done $0x0  }
0x95: {  	s16 =	sld [smem:$0x10];
	[sflag:s15] =	ssyncadd.s32 $0xFFFFFFFF  }
0x96: {  	s17 =	sld [smem:$0x11];
	(tm) =	ssettm $0x1  }
0x97: {  	s18 =	sld [smem:$0x3FFB];
	_ =	sdelay $0x3  }
0x98: {  	_ =	strace s18  }
0x99: {  	s4 =	sld [smem:$0x3FFC];
	_ =	sdelay $0x3  }
0x9a: {  	_ =	strace s4  }
0x9b: {  	s4 =	sld [smem:$0x3FFD];
	_ =	sdelay $0x3  }
0x9c: {  	_ =	strace s4  }
0x9d: {  	_ =	strace $0x8FFFFFFF  }
0x9e: {  	s19 =	sld [smem:$0x3FDB];
	_ =	sdelay $0x1  }
0x9f: {  	s5 =	simm.s32 $_scs_section_size  }
0xa0: {  	s6 =	simm.s32 $_size__tile_overlayer_lowered;
	s7 =	simm.s32 $_tile_overlayer_lowered  }
0xa1: {  	s22 =	simm.s32 $0x1BFF;
	s21 =	sshll.u32 s7, $0x1;
	s4 =	sadd.s32 s5, s19  }
0xa2: {  	s8 =	simm.s32 $0x0;
	s20 =	sshll.u32 s6, $0x1;
	s6 =	sadd.s32 s21, s4  }
0xa3: {  	[timem:s8], [sflag:s22] =	dma.local [hbm:s6], s20  }
0xa4: {  	_ =	swait.ge [sflag:s22], s20  }
0xa5: {  	s5 =	ssub.s32 $0x0, s20;
	[sflag:s22] =	ssyncset.done $0x0  }
0xa6: {  	[sflag:s22] =	ssyncadd.s32 s5;
	_ =	sdelay $0x1  }
0xa7: {  	s23 =	simm.s32 $0x1B8B  }
0xa8: {  	_ =	swait.ge [sflag:s23], $0x1  }
0xa9: {  	[sflag:s23] =	ssyncset.done $0x0  }
0xaa: {  	s25 =	simm.s32 $0x1B8E;
	s24 =	sld [smem:$0x3FFE];
	[sflag:s23] =	ssyncadd.s32 $0xFFFFFFFF  }
0xab: {  	s26 =	simm.s32 $execute0_lowered;
	[smem:$0x3FD2] =	sst s25  }
0xac: {  	s6 =	sshll.u32 s26, $0x1;
	_ =	strace $0x8000004F;
	[dreg:$0x1] =	wrdreg $0xFFFFFFFF  }
0xad: {  	s28 =	simm.s32 $_size_execute0_lowered;
	s4 =	sadd.s32 s4, s6;
	[dreg:$0x0] =	wrdreg $0x0  }
0xae: {  	s6 =	sshll.u32 s28, $0x1;
	[dreg:$0x2] =	wrdreg s4  }
0xaf: {  	[dreg:$0x3] =	wrdreg s6  }
0xb0: {  	[dreg:$0x4] =	wrdreg $0xC0  }
0xb1: {  	_ =	task [dreg:s8], $0x5FFFF  }
0xb2: {  	[dreg:$0x1] =	wrdreg $0xFFFFFFFF  }
0xb3: {  	[dreg:$0x0] =	wrdreg $0x60  }
0xb4: {  	[dreg:$0x2] =	wrdreg s16  }
0xb5: {  	[dreg:$0x3] =	wrdreg s24  }
0xb6: {  	[dreg:$0x4] =	wrdreg s17  }
0xb7: {  	[dreg:$0x5] =	wrdreg $0xB9800  }
0xb8: {  	[dreg:$0x6] =	wrdreg $0x9  }
0xb9: {  	_ =	task.clear_ibuf [dreg:s8], $0x7FFFF;
	_ =	strace $0x9000004F  }
0xba: {  	s29 =	simm.s32 $0x9;
	_ =	strace $0x80000051  }
0xbb: {  	_ =	swait.ge [sflag:s29], $0x1  }
0xbc: {  	[sflag:s29] =	ssyncadd.s32 $0xFFFFFFFF  }
0xbd: {  	_ =	strace $0x90000051  }
0xbe: {  	_ =	sfence  }
0xbf: {  	s30 =	sld [smem:$0x0];
	_ =	sdelay $0x2  }
0xc0: {  	s31 =	sshll.u32 s1, $0xD;
	s1 =	sshrl.u32 s1, $0x2  }
0xc1: {  	s3 =	sand.u32 $0x4000, s31;
	s1 =	sadd.s32 s1, s30  }
0xc2: {  	s0 =	sor.u32 s3, s0;
	s1 =	sshll.u32 s1, $0x11  }
0xc3: {  	s0 =	sor.u32 s1, s0  }
0xc4: {  	s0 =	sadd.s32 $0x8F2B, s0  }
0xc5: {  	[sflag:s0] =	ssyncadd.remote.s32 $0x1  }
0xc6: {  	_ =	sfence.sel $0xFFFF  }
0xc7: {  	[dreg:$0x0] =	wrdreg $0xFFFFFFFF;
	(pc) =	sbr.abs _section_cstart, $3  }
0xc8: {  	[dreg:$0x1] =	wrdreg $0xFFFFFFFF  }
0xc9: {  	_ =	task.clear_ibuf [dreg:s8], $0x2FFFF;
	_ =	strace $0x9FFFFFFF  }
0xca: {  	(tm) =	ssettm $0x7FFFFFFF  }
0xcb: {  	_ =	shalt  }
tec
execute0_lowered:
.L_overlay_start_1:
0x0: {  	(tag) =	ssettag $0x1  }
0x1: {  	s0 =	rddreg [dreg:$0x0]  }
0x2: {  	s1 =	rddreg [dreg:$0x1];
	s2 =	simm.s32 $0x0;
	s3 =	srdreg.scid  }
0x3: {  	s17 =	stileid.u32;
	[smem:$0x7FF] =	sst s2;
	s3 =	sand.u32 $0x1, s3  }
0x4: {  	s7 =	smul.u32 $0x14000, s17;
	s25 =	sadd.s32 $0x4B000, s1;
	s4 =	sshll.u32 s3, $0x4  }
0x5: {  	s5 =	smul.u32 $0x140000, s3;
	s6 =	ssub.s32 $0x2, s3;
	s4 =	sor.u32 s17, s4  }
0x6: {  	s8 =	sshrl.u32 s6, $0x1;
	s9 =	sor.u32 $0x2000, s7;
	s11 =	sadd.s32 $0x4000, s7  }
0x7: {  	s3 =	smul.u32 $0x6400, s4;
	s6 =	ssub.s32 s6, s8;
	s26 =	sadd.s32 s5, s7  }
0x8: {  	s10 =	sadd.s32 s5, s9;
	s12 =	sadd.s32 s5, s11;
	s8 =	sshrl.u32 s26, $0x3  }
0x9: {  	s10 =	sshrl.u32 s10, $0x3;
	s13 =	sshrl.u32 s12, $0x3;
	s8 =	sadd.s32 s25, s8  }
0xa: {  	s12 =	sadd.s32 $0x8000, s7;
	[dreg:$0x5] =	wrdreg s8;
	s8 =	sadd.s32 s25, s10  }
0xb: {  	s24 =	sshrl.u32 s3, $0x3;
	s10 =	sadd.s32 $0x6000, s7;
	[dreg:$0x6] =	wrdreg s8  }
0xc: {  	s8 =	sadd.s32 s25, s13;
	s14 =	sadd.s32 s5, s10;
	s13 =	sadd.s32 s5, s12  }
0xd: {  	[dreg:$0x7] =	wrdreg s8;
	s8 =	sshrl.u32 s14, $0x3;
	s14 =	sadd.s32 $0xA000, s7  }
0xe: {  	s15 =	sshrl.u32 s13, $0x3;
	s13 =	sadd.s32 $0xC000, s7;
	s8 =	sadd.s32 s25, s8  }
0xf: {  	s16 =	sadd.s32 s5, s14;
	s19 =	sadd.s32 s5, s13;
	[dreg:$0x8] =	wrdreg s8  }
0x10: {  	s8 =	sadd.s32 s25, s15;
	s18 =	sshrl.u32 s16, $0x3;
	s16 =	sadd.s32 $0xE000, s7  }
0x11: {  	[dreg:$0x9] =	wrdreg s8;
	s8 =	sadd.s32 s25, s18;
	s15 =	sadd.s32 s5, s16  }
0x12: {  	[dreg:$0xa] =	wrdreg s8;
	s8 =	sshrl.u32 s19, $0x3;
	s19 =	sadd.s32 $0x10000, s7  }
0x13: {  	s20 =	sshrl.u32 s15, $0x3;
	s7 =	sadd.s32 $0x12000, s7;
	s15 =	rddreg [dreg:$0x3]  }
0x14: {  	s8 =	sadd.s32 s25, s8;
	s21 =	sadd.s32 s5, s19;
	s5 =	sadd.s32 s5, s7  }
0x15: {  	[dreg:$0xb] =	wrdreg s8;
	s8 =	sadd.s32 s25, s20;
	s22 =	sshrl.u32 s21, $0x3  }
0x16: {  	s5 =	sshrl.u32 s5, $0x3;
	[dreg:$0xc] =	wrdreg s8;
	s8 =	sadd.s32 s25, s22  }
0x17: {  	s26 =	sadd.s32 s24, s1;
	s4 =	sadd.s32 s25, s5;
	[dreg:$0xd] =	wrdreg s8  }
0x18: {  	s5 =	sadd.s32 $0x32000, s26;
	[dreg:$0xe] =	wrdreg s4  }
0x19: {  	s6 =	smax.u32 s6, $0x1;
	_ =	strace $0x80000050;
	[dreg:$0xf] =	wrdreg s5  }
0x1a: {  	s8 =	sadd.s32 s9, s15;
	[dreg:$0x10] =	wrdreg s6  }
0x1b: {  	s9 =	sadd.s32 s11, s15;
	[dreg:$0x11] =	wrdreg s8  }
0x1c: {  	s10 =	sadd.s32 s10, s15;
	[dreg:$0x12] =	wrdreg s9  }
0x1d: {  	s28 =	simm.s32 $0x1;
	s11 =	sadd.s32 s12, s15;
	[dreg:$0x13] =	wrdreg s10  }
0x1e: {  	s29 =	simm.s32 $0x5;
	s12 =	sadd.s32 s14, s15;
	[dreg:$0x14] =	wrdreg s11  }
0x1f: {  	s30 =	simm.s32 $0x2;
	s13 =	sadd.s32 s13, s15;
	[dreg:$0x15] =	wrdreg s12  }
0x20: {  	s23 =	smul.u32 $0x50000, s17;
	s14 =	sadd.s32 s16, s15;
	[dreg:$0x16] =	wrdreg s13  }
0x21: {  	s17 =	sadd.s32 $0x19000, s1;
	s16 =	sadd.s32 s19, s15;
	[dreg:$0x17] =	wrdreg s14  }
0x22: {  	s20 =	sadd.s32 s17, s24;
	s19 =	sadd.s32 s7, s15;
	[dreg:$0x18] =	wrdreg s16  }
0x23: {  	s31 =	simm.s32 $0x6;
	s21 =	sadd.s32 $0x10, s20;
	[dreg:$0x19] =	wrdreg s19  }
0x24: {  	s25 =	sshrl.u32 s23, $0x2;
	s22 =	sadd.s32 $0x20, s20;
	[dreg:$0x1a] =	wrdreg s21  }
0x25: {  	s1 =	simm.s32 $0x0;
	s18 =	sadd.s32 s25, s15;
	[dreg:$0x1b] =	wrdreg s22  }
0x26: {  	s23 =	sadd.s32 $0x2000, s18;
	s24 =	sadd.s32 $0x4000, s18;
	s25 =	sadd.s32 $0x6000, s18  }
0x27: {  	s26 =	sadd.s32 $0x8000, s18;
	s7 =	sadd.s32 $0xA000, s18;
	s8 =	sadd.s32 $0xC000, s18  }
0x28: {  	s9 =	sadd.s32 $0xE000, s18;
	s10 =	sadd.s32 $0x10000, s18;
	s11 =	sadd.s32 $0x12000, s18  }
.Ltmp0:
0x29: {  	s12 =	simm.s32 $0x6580;
	[dreg:$0x1c] =	wrdreg s23;
	(pc) =	sbr.rel .LBB2_1-.Ltmp0, $4  }
0x2a: {  	s16 =	simm.s32 $0x7;
	s19 =	simm.s32 $0x32;
	[dreg:$0x1d] =	wrdreg s24  }
0x2b: {  	s21 =	simm.s32 $0x6400;
	s22 =	simm.s32 $0x8180;
	[dreg:$0x1e] =	wrdreg s25  }
0x2c: {  	s13 =	simm.s32 $0x3;
	[dreg:$0x1f] =	wrdreg s26;
	s23 =	simm.s32 $0x6480  }
0x2d: {  	s24 =	simm.s32 $0x9D80;
	s25 =	simm.s32 $0x6500;
	s26 =	simm.s32 $0x4  }
.LBB2_4:
0x2e: {  	_ =	swait.ge [sflag:s26], $0x80  }
0x2f: {  	[sflag:s26] =	ssyncset.done $0x0  }
0x30: {  	[sflag:s26] =	ssyncadd.s32 $0xFFFFFF80  }
0x31: {  	_ =	swait.ge [sflag:s28], $0x1900  }
0x32: {  	[sflag:s28] =	ssyncset.done $0x0  }
0x33: {  	[sflag:s28] =	ssyncadd.s32 $0xFFFFE700  }
0x34: {  	[spmem:s15] =	stream.indirect.scatter.add.f32 [tilespmem:s12], [sflag:$0x7], $0x80, s21, s19, $0xb8;
	[tilespmem:$0x1F980] =	vst v63  }
0x35: {  	_ =	swait.ge [sflag:s16], $0x1900  }
0x36: {  	[sflag:s16] =	ssyncset.done $0x0  }
0x37: {  	[sflag:s16] =	ssyncadd.s32 $0xFFFFE700  }
0x38: {  	_ =	swait.ge [sflag:s29], $0x80  }
0x39: {  	[sflag:s29] =	ssyncset.done $0x0  }
0x3a: {  	[sflag:s29] =	ssyncadd.s32 $0xFFFFFF80  }
0x3b: {  	_ =	swait.ge [sflag:s30], $0x1900  }
0x3c: {  	[sflag:s30] =	ssyncset.done $0x0  }
0x3d: {  	[sflag:s30] =	ssyncadd.s32 $0xFFFFE700  }
0x3e: {  	[spmem:s15] =	stream.indirect.scatter.add.f32 [tilespmem:s22], [sflag:$0x7], $0x80, s23, s19, $0xb8;
	[tilespmem:$0x1F980] =	vst v63  }
0x3f: {  	_ =	swait.ge [sflag:s16], $0x1900  }
0x40: {  	[sflag:s16] =	ssyncset.done $0x0  }
0x41: {  	[sflag:s16] =	ssyncadd.s32 $0xFFFFE700  }
0x42: {  	[bflag:$0x0] =	sbarrier.arrive $0xFFFF  }
0x43: {  	[tilespmem:s12], [sflag:$0x7] =	stream.linear.gather [spmem:s18], $0x2000, $0x38;
	[tilespmem:$0x1F980] =	vst v63  }
0x44: {  	_ =	swait.ge [sflag:s16], $0x2000  }
0x45: {  	[sflag:s16] =	ssyncset.done $0x0  }
0x46: {  	s4 =	rddreg [dreg:$0x5];
	[sflag:s16] =	ssyncadd.s32 $0xFFFFE000  }
0x47: {  	[hbm4b:s4+s2] =	stream.linear.scatter [tilespmem:s12], [sflag:$0x7], $0x2000, $0x38;
	[tilespmem:$0x1F980] =	vst v63  }
0x48: {  	_ =	swait.ge [sflag:s16], $0x2000  }
0x49: {  	[sflag:s16] =	ssyncset.done $0x0  }
0x4a: {  	s14 =	rddreg [dreg:$0x11];
	[sflag:s16] =	ssyncadd.s32 $0xFFFFE000  }
0x4b: {  	[tilespmem:s12], [sflag:$0x7] =	stream.linear.gather [spmem:s14], $0x2000, $0x38;
	[tilespmem:$0x1F980] =	vst v63  }
0x4c: {  	_ =	swait.ge [sflag:s16], $0x2000  }
0x4d: {  	[sflag:s16] =	ssyncset.done $0x0  }
0x4e: {  	s5 =	rddreg [dreg:$0x6];
	[sflag:s16] =	ssyncadd.s32 $0xFFFFE000  }
0x4f: {  	[hbm4b:s5+s2] =	stream.linear.scatter [tilespmem:s12], [sflag:$0x7], $0x2000, $0x38;
	[tilespmem:$0x1F980] =	vst v63  }
0x50: {  	_ =	swait.ge [sflag:s16], $0x2000  }
0x51: {  	[sflag:s16] =	ssyncset.done $0x0  }
0x52: {  	s6 =	rddreg [dreg:$0x12];
	[sflag:s16] =	ssyncadd.s32 $0xFFFFE000  }
0x53: {  	[tilespmem:s12], [sflag:$0x7] =	stream.linear.gather [spmem:s6], $0x2000, $0x38;
	[tilespmem:$0x1F980] =	vst v63  }
0x54: {  	_ =	swait.ge [sflag:s16], $0x2000  }
0x55: {  	[sflag:s16] =	ssyncset.done $0x0  }
0x56: {  	s14 =	rddreg [dreg:$0x7];
	[sflag:s16] =	ssyncadd.s32 $0xFFFFE000  }
0x57: {  	[hbm4b:s14+s2] =	stream.linear.scatter [tilespmem:s12], [sflag:$0x7], $0x2000, $0x38;
	[tilespmem:$0x1F980] =	vst v63  }
0x58: {  	_ =	swait.ge [sflag:s16], $0x2000  }
0x59: {  	[sflag:s16] =	ssyncset.done $0x0  }
0x5a: {  	s5 =	rddreg [dreg:$0x13];
	[sflag:s16] =	ssyncadd.s32 $0xFFFFE000  }
0x5b: {  	[tilespmem:s12], [sflag:$0x7] =	stream.linear.gather [spmem:s5], $0x2000, $0x38;
	[tilespmem:$0x1F980] =	vst v63  }
0x5c: {  	_ =	swait.ge [sflag:s16], $0x2000  }
0x5d: {  	[sflag:s16] =	ssyncset.done $0x0  }
0x5e: {  	s6 =	rddreg [dreg:$0x8];
	[sflag:s16] =	ssyncadd.s32 $0xFFFFE000  }
0x5f: {  	[hbm4b:s6+s2] =	stream.linear.scatter [tilespmem:s12], [sflag:$0x7], $0x2000, $0x38;
	[tilespmem:$0x1F980] =	vst v63  }
0x60: {  	_ =	swait.ge [sflag:s16], $0x2000  }
0x61: {  	[sflag:s16] =	ssyncset.done $0x0  }
0x62: {  	s14 =	rddreg [dreg:$0x14];
	[sflag:s16] =	ssyncadd.s32 $0xFFFFE000  }
0x63: {  	[tilespmem:s12], [sflag:$0x7] =	stream.linear.gather [spmem:s14], $0x2000, $0x38;
	[tilespmem:$0x1F980] =	vst v63  }
0x64: {  	_ =	swait.ge [sflag:s16], $0x2000  }
0x65: {  	[sflag:s16] =	ssyncset.done $0x0  }
0x66: {  	s5 =	rddreg [dreg:$0x9];
	[sflag:s16] =	ssyncadd.s32 $0xFFFFE000  }
0x67: {  	[hbm4b:s5+s2] =	stream.linear.scatter [tilespmem:s12], [sflag:$0x7], $0x2000, $0x38;
	[tilespmem:$0x1F980] =	vst v63  }
0x68: {  	_ =	swait.ge [sflag:s16], $0x2000  }
0x69: {  	[sflag:s16] =	ssyncset.done $0x0  }
0x6a: {  	s6 =	rddreg [dreg:$0x15];
	[sflag:s16] =	ssyncadd.s32 $0xFFFFE000  }
0x6b: {  	[tilespmem:s12], [sflag:$0x7] =	stream.linear.gather [spmem:s6], $0x2000, $0x38;
	[tilespmem:$0x1F980] =	vst v63  }
0x6c: {  	_ =	swait.ge [sflag:s16], $0x2000  }
0x6d: {  	[sflag:s16] =	ssyncset.done $0x0  }
0x6e: {  	s14 =	rddreg [dreg:$0xa];
	[sflag:s16] =	ssyncadd.s32 $0xFFFFE000  }
0x6f: {  	[hbm4b:s14+s2] =	stream.linear.scatter [tilespmem:s12], [sflag:$0x7], $0x2000, $0x38;
	[tilespmem:$0x1F980] =	vst v63  }
0x70: {  	_ =	swait.ge [sflag:s16], $0x2000  }
0x71: {  	[sflag:s16] =	ssyncset.done $0x0  }
0x72: {  	s5 =	rddreg [dreg:$0x16];
	[sflag:s16] =	ssyncadd.s32 $0xFFFFE000  }
0x73: {  	[tilespmem:s12], [sflag:$0x7] =	stream.linear.gather [spmem:s5], $0x2000, $0x38;
	[tilespmem:$0x1F980] =	vst v63  }
0x74: {  	_ =	swait.ge [sflag:s16], $0x2000  }
0x75: {  	[sflag:s16] =	ssyncset.done $0x0  }
0x76: {  	s6 =	rddreg [dreg:$0xb];
	[sflag:s16] =	ssyncadd.s32 $0xFFFFE000  }
0x77: {  	[hbm4b:s6+s2] =	stream.linear.scatter [tilespmem:s12], [sflag:$0x7], $0x2000, $0x38;
	[tilespmem:$0x1F980] =	vst v63  }
0x78: {  	_ =	swait.ge [sflag:s16], $0x2000  }
0x79: {  	[sflag:s16] =	ssyncset.done $0x0  }
0x7a: {  	s14 =	rddreg [dreg:$0x17];
	[sflag:s16] =	ssyncadd.s32 $0xFFFFE000  }
0x7b: {  	[tilespmem:s12], [sflag:$0x7] =	stream.linear.gather [spmem:s14], $0x2000, $0x38;
	[tilespmem:$0x1F980] =	vst v63  }
0x7c: {  	_ =	swait.ge [sflag:s16], $0x2000  }
0x7d: {  	[sflag:s16] =	ssyncset.done $0x0  }
0x7e: {  	s5 =	rddreg [dreg:$0xc];
	[sflag:s16] =	ssyncadd.s32 $0xFFFFE000  }
0x7f: {  	[hbm4b:s5+s2] =	stream.linear.scatter [tilespmem:s12], [sflag:$0x7], $0x2000, $0x38;
	[tilespmem:$0x1F980] =	vst v63  }
0x80: {  	_ =	swait.ge [sflag:s16], $0x2000  }
0x81: {  	[sflag:s16] =	ssyncset.done $0x0  }
0x82: {  	s6 =	rddreg [dreg:$0x18];
	[sflag:s16] =	ssyncadd.s32 $0xFFFFE000  }
0x83: {  	[tilespmem:s12], [sflag:$0x7] =	stream.linear.gather [spmem:s6], $0x2000, $0x38;
	[tilespmem:$0x1F980] =	vst v63  }
0x84: {  	_ =	swait.ge [sflag:s16], $0x2000  }
0x85: {  	[sflag:s16] =	ssyncset.done $0x0  }
0x86: {  	s14 =	rddreg [dreg:$0xd];
	[sflag:s16] =	ssyncadd.s32 $0xFFFFE000  }
0x87: {  	[hbm4b:s14+s2] =	stream.linear.scatter [tilespmem:s12], [sflag:$0x7], $0x2000, $0x38;
	[tilespmem:$0x1F980] =	vst v63  }
0x88: {  	_ =	swait.ge [sflag:s16], $0x2000  }
0x89: {  	[sflag:s16] =	ssyncset.done $0x0  }
0x8a: {  	s5 =	rddreg [dreg:$0x19];
	[sflag:s16] =	ssyncadd.s32 $0xFFFFE000  }
0x8b: {  	[tilespmem:s12], [sflag:$0x7] =	stream.linear.gather [spmem:s5], $0x2000, $0x38;
	[tilespmem:$0x1F980] =	vst v63  }
0x8c: {  	_ =	swait.ge [sflag:s16], $0x2000  }
0x8d: {  	[sflag:s16] =	ssyncset.done $0x0  }
0x8e: {  	s6 =	rddreg [dreg:$0xe];
	[sflag:s16] =	ssyncadd.s32 $0xFFFFE000  }
0x8f: {  	[hbm4b:s6+s2] =	stream.linear.scatter [tilespmem:s12], [sflag:$0x7], $0x2000, $0x38;
	[tilespmem:$0x1F980] =	vst v63  }
0x90: {  	_ =	swait.ge [sflag:s16], $0x2000  }
0x91: {  	s1 =	sadd.s32 $0x1, s1;
	s14 =	rddreg [dreg:$0x10]  }
0x92: {  	p0 =	sne.s32 s1, s14  }
.Ltmp1:
0x93: {  	_ = 	snop;
	(pc) =	sbr.rel @!p0 .LBB2_5-.Ltmp1, $3  }
0x94: {  	_ =	sdelay $0x1  }
0x95: {  	[sflag:s16] =	ssyncset.done $0x0  }
0x96: {  	[sflag:s16] =	ssyncadd.s32 $0xFFFFE000  }
.LBB2_1:
0x97: {  	s4 =	rddreg [dreg:$0x2]  }
0x98: {  	[tilespmem:s12], [sflag:$0x7] =	stream.linear.gather [hbm4b:s4+s2], $0x2000, $0x38;
	[tilespmem:$0x1F980] =	vst v63  }
0x99: {  	_ =	swait.ge [sflag:s16], $0x2000  }
0x9a: {  	[sflag:s16] =	ssyncset.done $0x0  }
0x9b: {  	[sflag:s16] =	ssyncadd.s32 $0xFFFFE000  }
0x9c: {  	[spmem:s18] =	stream.linear.scatter [tilespmem:s12], [sflag:$0x7], $0x2000, $0x38;
	[tilespmem:$0x1F980] =	vst v63  }
0x9d: {  	_ =	swait.ge [sflag:s16], $0x2000  }
0x9e: {  	[sflag:s16] =	ssyncset.done $0x0  }
0x9f: {  	s5 =	rddreg [dreg:$0x1c];
	[sflag:s16] =	ssyncadd.s32 $0xFFFFE000  }
0xa0: {  	[spmem:s5] =	stream.linear.scatter [tilespmem:s12], [sflag:$0x7], $0x2000, $0x38;
	[tilespmem:$0x1F980] =	vst v63  }
0xa1: {  	_ =	swait.ge [sflag:s16], $0x2000  }
0xa2: {  	[sflag:s16] =	ssyncset.done $0x0  }
0xa3: {  	s6 =	rddreg [dreg:$0x1d];
	[sflag:s16] =	ssyncadd.s32 $0xFFFFE000  }
0xa4: {  	[spmem:s6] =	stream.linear.scatter [tilespmem:s12], [sflag:$0x7], $0x2000, $0x38;
	[tilespmem:$0x1F980] =	vst v63  }
0xa5: {  	_ =	swait.ge [sflag:s16], $0x2000  }
0xa6: {  	[sflag:s16] =	ssyncset.done $0x0  }
0xa7: {  	s14 =	rddreg [dreg:$0x1e];
	[sflag:s16] =	ssyncadd.s32 $0xFFFFE000  }
0xa8: {  	[spmem:s14] =	stream.linear.scatter [tilespmem:s12], [sflag:$0x7], $0x2000, $0x38;
	[tilespmem:$0x1F980] =	vst v63  }
0xa9: {  	_ =	swait.ge [sflag:s16], $0x2000  }
0xaa: {  	[sflag:s16] =	ssyncset.done $0x0  }
0xab: {  	s5 =	rddreg [dreg:$0x1f];
	[sflag:s16] =	ssyncadd.s32 $0xFFFFE000  }
0xac: {  	[spmem:s5] =	stream.linear.scatter [tilespmem:s12], [sflag:$0x7], $0x2000, $0x38;
	[tilespmem:$0x1F980] =	vst v63  }
0xad: {  	_ =	swait.ge [sflag:s16], $0x2000  }
0xae: {  	[sflag:s16] =	ssyncset.done $0x0  }
0xaf: {  	[sflag:s16] =	ssyncadd.s32 $0xFFFFE000  }
0xb0: {  	[spmem:s7] =	stream.linear.scatter [tilespmem:s12], [sflag:$0x7], $0x2000, $0x38;
	[tilespmem:$0x1F980] =	vst v63  }
0xb1: {  	_ =	swait.ge [sflag:s16], $0x2000  }
0xb2: {  	[sflag:s16] =	ssyncset.done $0x0  }
0xb3: {  	[sflag:s16] =	ssyncadd.s32 $0xFFFFE000  }
0xb4: {  	[spmem:s8] =	stream.linear.scatter [tilespmem:s12], [sflag:$0x7], $0x2000, $0x38;
	[tilespmem:$0x1F980] =	vst v63  }
0xb5: {  	_ =	swait.ge [sflag:s16], $0x2000  }
0xb6: {  	[sflag:s16] =	ssyncset.done $0x0  }
0xb7: {  	[sflag:s16] =	ssyncadd.s32 $0xFFFFE000  }
0xb8: {  	[spmem:s9] =	stream.linear.scatter [tilespmem:s12], [sflag:$0x7], $0x2000, $0x38;
	[tilespmem:$0x1F980] =	vst v63  }
0xb9: {  	_ =	swait.ge [sflag:s16], $0x2000  }
0xba: {  	[sflag:s16] =	ssyncset.done $0x0  }
0xbb: {  	[sflag:s16] =	ssyncadd.s32 $0xFFFFE000  }
0xbc: {  	[spmem:s10] =	stream.linear.scatter [tilespmem:s12], [sflag:$0x7], $0x2000, $0x38;
	[tilespmem:$0x1F980] =	vst v63  }
0xbd: {  	_ =	swait.ge [sflag:s16], $0x2000  }
0xbe: {  	[sflag:s16] =	ssyncset.done $0x0  }
0xbf: {  	[sflag:s16] =	ssyncadd.s32 $0xFFFFE000  }
0xc0: {  	[spmem:s11] =	stream.linear.scatter [tilespmem:s12], [sflag:$0x7], $0x2000, $0x38;
	[tilespmem:$0x1F980] =	vst v63  }
0xc1: {  	_ =	swait.ge [sflag:s16], $0x2000  }
0xc2: {  	[sflag:s16] =	ssyncset.done $0x0  }
0xc3: {  	s6 =	rddreg [dreg:$0xf];
	[sflag:s16] =	ssyncadd.s32 $0xFFFFE000  }
0xc4: {  	[tilespmem:s2], [sflag:$0x7] =	stream.linear.gather [hbm4b:s6+s2], $0x6400, $0x38;
	[tilespmem:$0x1F980] =	vst v63  }
0xc5: {  	_ =	swait.ge [sflag:s16], $0x6400  }
0xc6: {  	[sflag:s16] =	ssyncset.done $0x0  }
0xc7: {  	[sflag:s16] =	ssyncadd.s32 $0xFFFF9C00  }
0xc8: {  	[bflag:$0x0] =	sbarrier.arrive $0xFFFF  }
0xc9: {  	[tilespmem:s12], [sflag:$0x1] =	stream.indirect.gather [hbm4b:s0+s19], $0x80, s2, s19, $0xb8;
	[tilespmem:$0x1F980] =	vst v63  }
0xca: {  	_ = 	snop  }
0xcb: {  	[tilespmem:s21], [sflag:$0x4] =	stream.linear.gather [hbm4b:s20+s2], $0x80, $0x38;
	[tilespmem:$0x1F980] =	vst v63  }
0xcc: {  	s14 =	simm.s32 $0x80  }
0xcd: {  	[tilespmem:s22], [sflag:$0x2] =	stream.indirect.gather [hbm4b:s0+s19], $0x80, s14, s19, $0xb8;
	[tilespmem:$0x1F980] =	vst v63  }
0xce: {  	s5 =	rddreg [dreg:$0x1a]  }
0xcf: {  	[tilespmem:s23], [sflag:$0x5] =	stream.linear.gather [hbm4b:s5+s2], $0x80, $0x38;
	[tilespmem:$0x1F980] =	vst v63  }
0xd0: {  	s6 =	simm.s32 $0x100  }
0xd1: {  	[tilespmem:s24], [sflag:$0x3] =	stream.indirect.gather [hbm4b:s0+s19], $0x80, s6, s19, $0xb8;
	[tilespmem:$0x1F980] =	vst v63  }
0xd2: {  	s14 =	rddreg [dreg:$0x1b]  }
0xd3: {  	[tilespmem:s25], [sflag:$0x6] =	stream.linear.gather [hbm4b:s14+s2], $0x80, $0x38;
	[tilespmem:$0x1F980] =	vst v63  }
0xd4: {  	s4 =	simm.s32 $0x280;
	s14 =	simm.s32 $0x280  }
.LBB2_2:
0xd5: {  	_ =	swait.ge [sflag:s26], $0x80  }
0xd6: {  	[sflag:s26] =	ssyncset.done $0x0  }
0xd7: {  	[sflag:s26] =	ssyncadd.s32 $0xFFFFFF80  }
0xd8: {  	_ =	swait.ge [sflag:s28], $0x1900  }
0xd9: {  	[sflag:s28] =	ssyncset.done $0x0  }
0xda: {  	[sflag:s28] =	ssyncadd.s32 $0xFFFFE700  }
0xdb: {  	[spmem:s15] =	stream.indirect.scatter.add.f32 [tilespmem:s12], [sflag:$0x7], $0x80, s21, s19, $0xb8;
	[tilespmem:$0x1F980] =	vst v63  }
0xdc: {  	_ =	swait.ge [sflag:s16], $0x1900  }
0xdd: {  	[sflag:s16] =	ssyncset.done $0x0  }
0xde: {  	s5 =	sadd.s32 $0xFFFFFF00, s4;
	[sflag:s16] =	ssyncadd.s32 $0xFFFFE700  }
0xdf: {  	[tilespmem:s12], [sflag:$0x1] =	stream.indirect.gather [hbm4b:s0+s19], $0x80, s5, s19, $0xb8;
	[tilespmem:$0x1F980] =	vst v63  }
0xe0: {  	s5 =	sadd.s32 $0xFFFFFF00, s14  }
0xe1: {  	s6 =	sand.u32 $0x1FC00, s5  }
0xe2: {  	s5 =	sand.u32 $0x380, s5;
	s6 =	sadd.s32 s3, s6  }
0xe3: {  	s5 =	sor.u32 s5, s6  }
0xe4: {  	s5 =	sshrl.u32 s5, $0x3  }
0xe5: {  	s5 =	sadd.s32 s17, s5  }
0xe6: {  	[tilespmem:s21], [sflag:$0x4] =	stream.linear.gather [hbm4b:s5+s2], $0x80, $0x38;
	[tilespmem:$0x1F980] =	vst v63  }
0xe7: {  	_ =	swait.ge [sflag:s29], $0x80  }
0xe8: {  	[sflag:s29] =	ssyncset.done $0x0  }
0xe9: {  	[sflag:s29] =	ssyncadd.s32 $0xFFFFFF80  }
0xea: {  	_ =	swait.ge [sflag:s30], $0x1900  }
0xeb: {  	[sflag:s30] =	ssyncset.done $0x0  }
0xec: {  	[sflag:s30] =	ssyncadd.s32 $0xFFFFE700  }
0xed: {  	[spmem:s15] =	stream.indirect.scatter.add.f32 [tilespmem:s22], [sflag:$0x7], $0x80, s23, s19, $0xb8;
	[tilespmem:$0x1F980] =	vst v63  }
0xee: {  	_ =	swait.ge [sflag:s16], $0x1900  }
0xef: {  	[sflag:s16] =	ssyncset.done $0x0  }
0xf0: {  	s6 =	sadd.s32 $0xFFFFFF80, s4;
	s5 =	sadd.s32 $0xFFFFFF80, s14;
	[sflag:s16] =	ssyncadd.s32 $0xFFFFE700  }
0xf1: {  	[tilespmem:s22], [sflag:$0x2] =	stream.indirect.gather [hbm4b:s0+s19], $0x80, s6, s19, $0xb8;
	[tilespmem:$0x1F980] =	vst v63  }
0xf2: {  	s6 =	sand.u32 $0x1FC00, s5  }
0xf3: {  	s5 =	sand.u32 $0x380, s5;
	s6 =	sadd.s32 s3, s6  }
0xf4: {  	s5 =	sor.u32 s5, s6  }
0xf5: {  	s5 =	sshrl.u32 s5, $0x3  }
0xf6: {  	s5 =	sadd.s32 s17, s5  }
0xf7: {  	[tilespmem:s23], [sflag:$0x5] =	stream.linear.gather [hbm4b:s5+s2], $0x80, $0x38;
	[tilespmem:$0x1F980] =	vst v63  }
0xf8: {  	_ =	swait.ge [sflag:s31], $0x80  }
0xf9: {  	[sflag:s31] =	ssyncset.done $0x0  }
0xfa: {  	[sflag:s31] =	ssyncadd.s32 $0xFFFFFF80  }
0xfb: {  	_ =	swait.ge [sflag:s13], $0x1900  }
0xfc: {  	p0 =	seq.s32 s14, $0x6400;
	[sflag:s13] =	ssyncset.done $0x0  }
.Ltmp2:
0xfd: {  	[sflag:s13] =	ssyncadd.s32 $0xFFFFE700;
	(pc) =	sbr.rel @p0 .LBB2_4-.Ltmp2, $4  }
0xfe: {  	[spmem:s15] =	stream.indirect.scatter.add.f32 [tilespmem:s24], [sflag:$0x7], $0x80, s25, s19, $0xb8;
	[tilespmem:$0x1F980] =	vst v63  }
0xff: {  	_ =	swait.ge [sflag:s16], $0x1900  }
0x100: {  	[sflag:s16] =	ssyncset.done $0x0  }
0x101: {  	[sflag:s16] =	ssyncadd.s32 $0xFFFFE700  }
0x102: {  	[tilespmem:s24], [sflag:$0x3] =	stream.indirect.gather [hbm4b:s0+s19], $0x80, s4, s19, $0xb8;
	[tilespmem:$0x1F980] =	vst v63  }
0x103: {  	s5 =	sand.u32 $0x1FC00, s14  }
.Ltmp3:
0x104: {  	s6 =	sand.u32 $0x380, s14;
	s5 =	sadd.s32 s3, s5;
	(pc) =	sbr.rel .LBB2_2-.Ltmp3, $4  }
0x105: {  	s5 =	sor.u32 s6, s5  }
0x106: {  	s5 =	sshrl.u32 s5, $0x3  }
0x107: {  	s4 =	sadd.s32 $0x180, s4;
	s14 =	sadd.s32 $0x180, s14;
	s5 =	sadd.s32 s17, s5  }
0x108: {  	[tilespmem:s25], [sflag:$0x6] =	stream.linear.gather [hbm4b:s5+s2], $0x80, $0x38;
	[tilespmem:$0x1F980] =	vst v63  }
.LBB2_5:
0x109: {  	_ =	sfence.sel $0x180000  }
0x10a: {  	[bflag:$0x0] =	sbarrier.arrive $0xFFFF  }
0x10b: {  	_ =	strace $0x90000050  }
0x10c: {  	s0 =	stileid.u32;
	[bflag:$0x2] =	sbarrier.arrive $0xFFFF  }
0x10d: {  	p0 =	sne.s32 s0, $0x0;
	s0 =	rddreg [dreg:$0x4]  }
0x10e: {  	s0 =	sadd.s32 @!p0 $0x100000, s0  }
0x10f: {  	[sflag:s0] =	ssyncadd.tile.s32 @!p0 $0x1;
	_ =	shalt  }
.Lfunc_end2:
_tile_overlayer_lowered:
.L_overlay_start_2:
0x110: {  	(tag) =	ssettag $0x2  }
0x111: {  	s0 =	rddreg [dreg:$0x0];
	s2 =	stileid.u32  }
0x112: {  	s1 =	rddreg [dreg:$0x1];
	p0 =	sne.s32 s2, $0x0  }
0x113: {  	s3 =	rddreg [dreg:$0x2];
	[bflag:$0x3] =	sbarrier.arrive $0xFFFF;
	s2 =	simm.s32 @!p0 $0x1C07  }
0x114: {  	[timem:s3], [sflag:s2] =	dma.local @!p0 [hbm:s0], s1  }
0x115: {  	s0 =	simm.s32 @!p0 $0x7  }
0x116: {  	_ =	swait.ge @!p0 [sflag:s0], s1  }
0x117: {  	s1 =	ssub.s32 @!p0 $0x0, s1;
	[sflag:s0] =	ssyncset.done @!p0 $0x0  }
0x118: {  	[sflag:s0] =	ssyncadd.s32 @!p0 s1  }
0x119: {  	[bflag:$0x3] =	sbarrier.arrive $0xFFFF  }
0x11a: {  	_ =	shalt  }

</sc_bundles>
